<compile_context>
chip_gen: v7x
topology: tpu7x:2x2x1
jax: 0.10.2.dev20260603
libtpu: 0.0.44.dev20260713+nightly
codegen_flags: <defaults>
</compile_context>

<pallas_src>
import functools

import jax
import jax.numpy as jnp
from jax import lax
from jax.experimental import pallas as pl
from jax.experimental.pallas import tpu as pltpu
from jax.experimental.pallas import tpu_sc as plsc

B = 128
S = 8
V = 100000
ROWS = B * S
NC, NS, L = 2, 16, 16
NW = NC * NS
RPW = ROWS // NW
NCHUNK = 5
CH = V // NCHUNK
A = 10
ITERS = CH // (A * L)

_BIG = 2**30


def _argmax_sc_body(logits_hbm, maxv_hbm, idxv_hbm,
                    bufa, bufb, maxb, idxb, sema, semb):
    wid = lax.axis_index("s") * NC + lax.axis_index("c")
    row0 = wid * RPW
    iota = lax.broadcasted_iota(jnp.int32, (L,), 0)
    bufs = (bufa, bufb)
    sems = (sema, semb)

    def start(r, k, which):
        pltpu.async_copy(logits_hbm.at[pl.ds(r * V + k * CH, CH)],
                         bufs[which], sems[which])

    def wait(r, k, which):
        pltpu.make_async_copy(logits_hbm.at[pl.ds(r * V + k * CH, CH)],
                              bufs[which], sems[which]).wait()

    def run_chunk(buf, it0, rms, ris):
        def ibody(i, carry):
            rms, ris = carry
            itv = jnp.full((L,), it0 + i, jnp.int32)
            base = i * (A * L)
            nm, ni = [], []
            for j in range(A):
                v = buf[pl.ds(base + j * L, L)]
                m = v > rms[j]
                nm.append(jnp.maximum(rms[j], v))
                ni.append(jnp.where(m, itv, ris[j]))
            return tuple(nm), tuple(ni)

        return lax.fori_loop(0, ITERS, ibody, (rms, ris))

    def finalize(rr, rms, ris):
        bm = rms[0]
        bi = ris[0] * (A * L) + iota
        for j in range(1, A):
            b = rms[j]
            ib = ris[j] * (A * L) + (j * L) + iota
            take = (b > bm) | ((b == bm) & (ib < bi))
            bm = jnp.where(take, b, bm)
            bi = jnp.where(take, ib, bi)
        maxb[pl.ds((rr - row0) * L, L)] = bm
        idxb[pl.ds((rr - row0) * L, L)] = bi

    start(row0, 0, 0)

    def pair_body(t, unused):
        r_even = row0 + 2 * t
        rms = ris = None
        for u in range(2 * NCHUNK):
            rr = r_even + (u // NCHUNK)
            k = u % NCHUNK
            if u < 2 * NCHUNK - 1:
                rn = r_even + ((u + 1) // NCHUNK)
                kn = (u + 1) % NCHUNK
            else:
                rn = jnp.minimum(r_even + 2, row0 + RPW - 1)
                kn = 0
            start(rn, kn, (u + 1) % 2)
            wait(rr, k, u % 2)
            if k == 0:
                rms = tuple(jnp.full((L,), -3.4e38, jnp.float32)
                            for _ in range(A))
                ris = tuple(jnp.zeros((L,), jnp.int32) for _ in range(A))
            rms, ris = run_chunk(bufs[u % 2], k * ITERS, rms, ris)
            if k == NCHUNK - 1:
                finalize(rr, rms, ris)
        return unused

    lax.fori_loop(0, RPW // 2, pair_body, 0)
    wait(row0 + RPW - 1, 0, 0)
    pltpu.sync_copy(maxb, maxv_hbm.at[pl.ds(row0 * L, RPW * L)])
    pltpu.sync_copy(idxb, idxv_hbm.at[pl.ds(row0 * L, RPW * L)])


_argmax_sc = functools.partial(
    pl.kernel,
    out_type=(
        jax.ShapeDtypeStruct((ROWS * L,), jnp.float32),
        jax.ShapeDtypeStruct((ROWS * L,), jnp.int32),
    ),
    mesh=plsc.VectorSubcoreMesh(core_axis_name="c", subcore_axis_name="s",
                                num_cores=NC, num_subcores=NS),
    scratch_types=[
        pltpu.VMEM((CH,), jnp.float32),
        pltpu.VMEM((CH,), jnp.float32),
        pltpu.VMEM((RPW * L,), jnp.float32),
        pltpu.VMEM((RPW * L,), jnp.int32),
        pltpu.SemaphoreType.DMA,
        pltpu.SemaphoreType.DMA,
    ],
)(_argmax_sc_body)


def _fold_body(maxv_ref, idxv_ref, tok_ref):
    maxv = maxv_ref[...]
    idxv = idxv_ref[...]
    vmax = jnp.max(maxv, axis=1, keepdims=True)
    tok_ref[...] = jnp.min(jnp.where(maxv == vmax, idxv, _BIG),
                           axis=1, keepdims=True)


_fold_tc = pl.pallas_call(
    _fold_body,
    out_shape=jax.ShapeDtypeStruct((ROWS, 1), jnp.int32),
)


def _finish_body(tok_ref, draft_ref, bonus_ref, out_ref, nrej_ref, last_ref):
    tok = tok_ref[...]
    dr = draft_ref[...]
    bo = bonus_ref[...]
    io = lax.broadcasted_iota(jnp.int32, (B, S), 1)
    m = tok == dr
    n = jnp.min(jnp.where(m, S, io), axis=1, keepdims=True)
    out_ref[:, :S] = jnp.where(io <= n, tok, -1)
    out_ref[:, S:] = jnp.where(n == S, bo, -1)
    nrej_ref[...] = S - n
    lastt = jnp.sum(jnp.where(io == n, tok, 0), axis=1, keepdims=True)
    last_ref[...] = jnp.where(n == S, bo, lastt)


_finish_tc = pl.pallas_call(
    _finish_body,
    out_shape=[
        jax.ShapeDtypeStruct((B, S + 1), jnp.int32),
        jax.ShapeDtypeStruct((B, 1), jnp.int32),
        jax.ShapeDtypeStruct((B, 1), jnp.int32),
    ],
)


def kernel(target_logits, draft_token_ids, bonus_token_ids):
    flat = target_logits.reshape(ROWS * V)
    maxv, idxv = _argmax_sc(flat)
    tok = _fold_tc(maxv.reshape(ROWS, L), idxv.reshape(ROWS, L))
    out, nrej, last = _finish_tc(tok.reshape(B, S),
                                 draft_token_ids, bonus_token_ids)
    return out, nrej.reshape(B), last.reshape(B)

# --- scband reference (transcript-rebuilt; emitter-appended) ---
"""Pipeline reference for scband-rejection-sampler-28613072126249 (READ-ONLY COPY).

The authoritative reference and input builder live on the scoring server;
editing this copy changes nothing except your own understanding.
"""

import jax, jax.numpy as jnp
import numpy as np

BATCH = 128
NUM_SPEC = 8
VOCAB = 100000


def setup_inputs(seed: int = 0) -> dict:
    key = jax.random.key(seed)
    k1, k2, k3 = jax.random.split(key, 3)
    target_logits = jax.random.normal(k1, (BATCH, NUM_SPEC, VOCAB), dtype=jnp.float32)
    draft_token_ids = jax.random.randint(k2, (BATCH, NUM_SPEC), 0, VOCAB, dtype=jnp.int32)
    bonus_token_ids = jax.random.randint(k3, (BATCH, 1), 0, VOCAB, dtype=jnp.int32)
    return {
        "target_logits": target_logits,
        "draft_token_ids": draft_token_ids,
        "bonus_token_ids": bonus_token_ids,
    }


def reference(target_logits, draft_token_ids, bonus_token_ids):
    # rejection_sample with ALL_GREEDY policy
    target_token_ids = jnp.argmax(target_logits, axis=-1).astype(draft_token_ids.dtype)
    batch_size, num_spec_tokens = draft_token_ids.shape
    masks = draft_token_ids == target_token_ids
    range_data = jnp.arange(num_spec_tokens, dtype=jnp.int32)[None, :]
    equals = (jnp.cumsum(masks.astype(jnp.int32), axis=1) - 1) == range_data
    num_rejected_tokens = num_spec_tokens - jnp.sum(equals.astype(jnp.int32), axis=1)
    first_diff_indices = jnp.argmin(equals.astype(jnp.int32), axis=1)[:, None]
    keeps = jnp.tile(range_data, (batch_size, 1)) <= first_diff_indices
    keeps = keeps | equals
    keep_token_ids = jnp.where(keeps, target_token_ids, -1)
    keep_bonus_ids = jnp.where(equals[:, -1:], bonus_token_ids, -1)
    output_token_ids = jnp.concatenate([keep_token_ids, keep_bonus_ids], axis=1)
    last_indices = (jnp.cumsum(
        jnp.concatenate([keeps, equals[:, -1:]], axis=1).astype(jnp.int32), axis=1) - 1)[:, -1].flatten()
    last_token_ids = output_token_ids[jnp.arange(batch_size), last_indices]
    return (output_token_ids, num_rejected_tokens, last_token_ids)

if __name__ == "__main__":
    import jax
    _d = setup_inputs()
    print(jax.jit(kernel)(*tuple(_d.values())))

</pallas_src>

<mosaic_0001>
#map = affine_map<(d0, d1) -> (0)>
module attributes {stable_mosaic.version = 14 : i64} {
  func.func @_argmax_sc_body(%arg0: i32, %arg1: i32, %arg2: memref<102400000xf32, #tpu.memory_space<hbm>>, %arg3: memref<16384xf32, #tpu.memory_space<hbm>>, %arg4: memref<16384xi32, #tpu.memory_space<hbm>>, %arg5: memref<20000xf32, #tpu.memory_space<vmem>>, %arg6: memref<20000xf32, #tpu.memory_space<vmem>>, %arg7: memref<512xf32, #tpu.memory_space<vmem>>, %arg8: memref<512xi32, #tpu.memory_space<vmem>>, %arg9: memref<!tpu.dma_semaphore, #tpu.memory_space<semaphore_mem>>, %arg10: memref<!tpu.dma_semaphore, #tpu.memory_space<semaphore_mem>>) attributes {dimension_semantics = [#tpu.dimension_semantics<core_parallel>, #tpu.dimension_semantics<subcore_parallel>], iteration_bounds = array<i64: 2, 16>, scalar_prefetch = 0 : i64, scratch_operands = 6 : i64, tpu.core_type = #tpu.core_type<sc_vector_subcore>, window_params = [{transform_indices = #map}, {transform_indices = #map}, {transform_indices = #map}]} {
    %mul3A = arith.constant 2 : i32
    %mul3A_0 = arith.muli %arg1, %mul3A : i32
    %add3A = arith.addi %mul3A_0, %arg0 : i32
    %mul3A_1 = arith.constant 32 : i32
    %mul3A_2 = arith.muli %add3A, %mul3A_1 : i32
    %iota3A = tpu.iota {dimensions = array<i32: 0>} : vector<16xi32>
    %mul3A_3 = arith.constant 100000 : i32
    %mul3A_4 = arith.muli %mul3A_2, %mul3A_3 : i32
    %add3A_5 = arith.constant 0 : i32
    %add3A_6 = arith.addi %mul3A_4, %add3A_5 : i32
    %dma_start3A = tpu.memref_slice %arg2[%add3A_6] : memref<102400000xf32, #tpu.memory_space<hbm>> -> memref<20000xf32, #tpu.memory_space<hbm>>
    %dma_start3A_7 = tpu.memref_slice %arg2[%add3A_6] : memref<102400000xf32, #tpu.memory_space<hbm>> -> memref<20000xf32, #tpu.memory_space<hbm>>
    tpu.enqueue_dma source(%dma_start3A_7 : memref<20000xf32, #tpu.memory_space<hbm>>) target(%arg5 : memref<20000xf32, #tpu.memory_space<vmem>>) target_semaphore(%arg9 : memref<!tpu.dma_semaphore, #tpu.memory_space<semaphore_mem>>)
    %scan3A = arith.constant 0 : i32
    %scan3A_8 = arith.constant 0 : i32
    %scan3A_9 = arith.constant 16 : i32
    %scan3A_10 = arith.addi %scan3A_8, %scan3A_9 : i32
    %scan3A_11 = arith.constant 1 : i32
    scf.for %scan3A_25 = %scan3A_8 to %scan3A_10 step %scan3A_11  : i32 {
      %mul3A_26 = arith.constant 2 : i32
      %mul3A_27 = arith.muli %mul3A_26, %scan3A_25 : i32
      %add3A_28 = arith.addi %mul3A_2, %mul3A_27 : i32
      %add3A_29 = arith.constant 0 : i32
      %add3A_30 = arith.addi %add3A_28, %add3A_29 : i32
      %add3A_31 = arith.constant 0 : i32
      %add3A_32 = arith.addi %add3A_28, %add3A_31 : i32
      %mul3A_33 = arith.constant 100000 : i32
      %mul3A_34 = arith.muli %add3A_32, %mul3A_33 : i32
      %add3A_35 = arith.constant 20000 : i32
      %add3A_36 = arith.addi %mul3A_34, %add3A_35 : i32
      %dma_start3A_37 = tpu.memref_slice %arg2[%add3A_36] : memref<102400000xf32, #tpu.memory_space<hbm>> -> memref<20000xf32, #tpu.memory_space<hbm>>
      %dma_start3A_38 = tpu.memref_slice %arg2[%add3A_36] : memref<102400000xf32, #tpu.memory_space<hbm>> -> memref<20000xf32, #tpu.memory_space<hbm>>
      tpu.enqueue_dma source(%dma_start3A_38 : memref<20000xf32, #tpu.memory_space<hbm>>) target(%arg6 : memref<20000xf32, #tpu.memory_space<vmem>>) target_semaphore(%arg10 : memref<!tpu.dma_semaphore, #tpu.memory_space<semaphore_mem>>)
      %mul3A_39 = arith.constant 100000 : i32
      %mul3A_40 = arith.muli %add3A_30, %mul3A_39 : i32
      %add3A_41 = arith.constant 0 : i32
      %add3A_42 = arith.addi %mul3A_40, %add3A_41 : i32
      %dma_wait3A_43 = tpu.memref_slice %arg2[%add3A_42] : memref<102400000xf32, #tpu.memory_space<hbm>> -> memref<20000xf32, #tpu.memory_space<hbm>>
      %dma_wait3A_44 = tpu.memref_slice %arg2[%add3A_42] : memref<102400000xf32, #tpu.memory_space<hbm>> -> memref<20000xf32, #tpu.memory_space<hbm>>
      tpu.wait_dma2 semaphore(%arg9 : memref<!tpu.dma_semaphore, #tpu.memory_space<semaphore_mem>>) src(%dma_wait3A_44 : memref<20000xf32, #tpu.memory_space<hbm>>) dst(%arg5 : memref<20000xf32, #tpu.memory_space<vmem>>)
      %broadcast_in_dim3A = arith.constant -3.400000e+38 : f32
      %broadcast_in_dim3A_45 = vector.broadcast %broadcast_in_dim3A : f32 to vector<16xf32>
      %broadcast_in_dim3A_46 = arith.constant -3.400000e+38 : f32
      %broadcast_in_dim3A_47 = vector.broadcast %broadcast_in_dim3A_46 : f32 to vector<16xf32>
      %broadcast_in_dim3A_48 = arith.constant -3.400000e+38 : f32
      %broadcast_in_dim3A_49 = vector.broadcast %broadcast_in_dim3A_48 : f32 to vector<16xf32>
      %broadcast_in_dim3A_50 = arith.constant -3.400000e+38 : f32
      %broadcast_in_dim3A_51 = vector.broadcast %broadcast_in_dim3A_50 : f32 to vector<16xf32>
      %broadcast_in_dim3A_52 = arith.constant -3.400000e+38 : f32
      %broadcast_in_dim3A_53 = vector.broadcast %broadcast_in_dim3A_52 : f32 to vector<16xf32>
      %broadcast_in_dim3A_54 = arith.constant -3.400000e+38 : f32
      %broadcast_in_dim3A_55 = vector.broadcast %broadcast_in_dim3A_54 : f32 to vector<16xf32>
      %broadcast_in_dim3A_56 = arith.constant -3.400000e+38 : f32
      %broadcast_in_dim3A_57 = vector.broadcast %broadcast_in_dim3A_56 : f32 to vector<16xf32>
      %broadcast_in_dim3A_58 = arith.constant -3.400000e+38 : f32
      %broadcast_in_dim3A_59 = vector.broadcast %broadcast_in_dim3A_58 : f32 to vector<16xf32>
      %broadcast_in_dim3A_60 = arith.constant -3.400000e+38 : f32
      %broadcast_in_dim3A_61 = vector.broadcast %broadcast_in_dim3A_60 : f32 to vector<16xf32>
      %broadcast_in_dim3A_62 = arith.constant -3.400000e+38 : f32
      %broadcast_in_dim3A_63 = vector.broadcast %broadcast_in_dim3A_62 : f32 to vector<16xf32>
      %broadcast_in_dim3A_64 = arith.constant 0 : i32
      %broadcast_in_dim3A_65 = vector.broadcast %broadcast_in_dim3A_64 : i32 to vector<16xi32>
      %broadcast_in_dim3A_66 = arith.constant 0 : i32
      %broadcast_in_dim3A_67 = vector.broadcast %broadcast_in_dim3A_66 : i32 to vector<16xi32>
      %broadcast_in_dim3A_68 = arith.constant 0 : i32
      %broadcast_in_dim3A_69 = vector.broadcast %broadcast_in_dim3A_68 : i32 to vector<16xi32>
      %broadcast_in_dim3A_70 = arith.constant 0 : i32
      %broadcast_in_dim3A_71 = vector.broadcast %broadcast_in_dim3A_70 : i32 to vector<16xi32>
      %broadcast_in_dim3A_72 = arith.constant 0 : i32
      %broadcast_in_dim3A_73 = vector.broadcast %broadcast_in_dim3A_72 : i32 to vector<16xi32>
      %broadcast_in_dim3A_74 = arith.constant 0 : i32
      %broadcast_in_dim3A_75 = vector.broadcast %broadcast_in_dim3A_74 : i32 to vector<16xi32>
      %broadcast_in_dim3A_76 = arith.constant 0 : i32
      %broadcast_in_dim3A_77 = vector.broadcast %broadcast_in_dim3A_76 : i32 to vector<16xi32>
      %broadcast_in_dim3A_78 = arith.constant 0 : i32
      %broadcast_in_dim3A_79 = vector.broadcast %broadcast_in_dim3A_78 : i32 to vector<16xi32>
      %broadcast_in_dim3A_80 = arith.constant 0 : i32
      %broadcast_in_dim3A_81 = vector.broadcast %broadcast_in_dim3A_80 : i32 to vector<16xi32>
      %broadcast_in_dim3A_82 = arith.constant 0 : i32
      %broadcast_in_dim3A_83 = vector.broadcast %broadcast_in_dim3A_82 : i32 to vector<16xi32>
      %scan3A_84 = arith.constant 0 : i32
      %scan3A_85 = arith.constant 125 : i32
      %scan3A_86 = arith.addi %scan3A_84, %scan3A_85 : i32
      %scan3A_87 = arith.constant 1 : i32
      %scan3A_88:20 = scf.for %scan3A_613 = %scan3A_84 to %scan3A_86 step %scan3A_87 iter_args(%scan3A_614 = %broadcast_in_dim3A_45, %scan3A_615 = %broadcast_in_dim3A_47, %scan3A_616 = %broadcast_in_dim3A_49, %scan3A_617 = %broadcast_in_dim3A_51, %scan3A_618 = %broadcast_in_dim3A_53, %scan3A_619 = %broadcast_in_dim3A_55, %scan3A_620 = %broadcast_in_dim3A_57, %scan3A_621 = %broadcast_in_dim3A_59, %scan3A_622 = %broadcast_in_dim3A_61, %scan3A_623 = %broadcast_in_dim3A_63, %scan3A_624 = %broadcast_in_dim3A_65, %scan3A_625 = %broadcast_in_dim3A_67, %scan3A_626 = %broadcast_in_dim3A_69, %scan3A_627 = %broadcast_in_dim3A_71, %scan3A_628 = %broadcast_in_dim3A_73, %scan3A_629 = %broadcast_in_dim3A_75, %scan3A_630 = %broadcast_in_dim3A_77, %scan3A_631 = %broadcast_in_dim3A_79, %scan3A_632 = %broadcast_in_dim3A_81, %scan3A_633 = %broadcast_in_dim3A_83) -> (vector<16xf32>, vector<16xf32>, vector<16xf32>, vector<16xf32>, vector<16xf32>, vector<16xf32>, vector<16xf32>, vector<16xf32>, vector<16xf32>, vector<16xf32>, vector<16xi32>, vector<16xi32>, vector<16xi32>, vector<16xi32>, vector<16xi32>, vector<16xi32>, vector<16xi32>, vector<16xi32>, vector<16xi32>, vector<16xi32>)  : i32 {
        %add3A_634 = arith.constant 0 : i32
        %add3A_635 = arith.addi %add3A_634, %scan3A_613 : i32
        %broadcast_in_dim3A_636 = vector.broadcast %add3A_635 : i32 to vector<16xi32>
        %mul3A_637 = arith.constant 160 : i32
        %mul3A_638 = arith.muli %scan3A_613, %mul3A_637 : i32
        %add3A_639 = arith.constant 0 : i32
        %add3A_640 = arith.addi %mul3A_638, %add3A_639 : i32
        %get3A = arith.index_cast %add3A_640 : i32 to index
        %get3A_641 = tpu.vector_load %arg5[%get3A] {strides = array<i32>} : memref<20000xf32, #tpu.memory_space<vmem>>, vector<16xf32>,
        %get3A_642 = vector.shape_cast %get3A_641 : vector<16xf32> to vector<16xf32>
        %gt3A_643 = arith.cmpf ogt, %get3A_642, %scan3A_614 : vector<16xf32>
        %max3A = arith.maximumf %scan3A_614, %get3A_642 : vector<16xf32>
        %select_n3A_644 = arith.select %gt3A_643, %broadcast_in_dim3A_636, %scan3A_624 : vector<16xi1>, vector<16xi32>
        %add3A_645 = arith.constant 16 : i32
        %add3A_646 = arith.addi %mul3A_638, %add3A_645 : i32
        %get3A_647 = arith.index_cast %add3A_646 : i32 to index
        %get3A_648 = tpu.vector_load %arg5[%get3A_647] {strides = array<i32>} : memref<20000xf32, #tpu.memory_space<vmem>>, vector<16xf32>,
        %get3A_649 = vector.shape_cast %get3A_648 : vector<16xf32> to vector<16xf32>
        %gt3A_650 = arith.cmpf ogt, %get3A_649, %scan3A_615 : vector<16xf32>
        %max3A_651 = arith.maximumf %scan3A_615, %get3A_649 : vector<16xf32>
        %select_n3A_652 = arith.select %gt3A_650, %broadcast_in_dim3A_636, %scan3A_625 : vector<16xi1>, vector<16xi32>
        %add3A_653 = arith.constant 32 : i32
        %add3A_654 = arith.addi %mul3A_638, %add3A_653 : i32
        %get3A_655 = arith.index_cast %add3A_654 : i32 to index
        %get3A_656 = tpu.vector_load %arg5[%get3A_655] {strides = array<i32>} : memref<20000xf32, #tpu.memory_space<vmem>>, vector<16xf32>,
        %get3A_657 = vector.shape_cast %get3A_656 : vector<16xf32> to vector<16xf32>
        %gt3A_658 = arith.cmpf ogt, %get3A_657, %scan3A_616 : vector<16xf32>
        %max3A_659 = arith.maximumf %scan3A_616, %get3A_657 : vector<16xf32>
        %select_n3A_660 = arith.select %gt3A_658, %broadcast_in_dim3A_636, %scan3A_626 : vector<16xi1>, vector<16xi32>
        %add3A_661 = arith.constant 48 : i32
        %add3A_662 = arith.addi %mul3A_638, %add3A_661 : i32
        %get3A_663 = arith.index_cast %add3A_662 : i32 to index
        %get3A_664 = tpu.vector_load %arg5[%get3A_663] {strides = array<i32>} : memref<20000xf32, #tpu.memory_space<vmem>>, vector<16xf32>,
        %get3A_665 = vector.shape_cast %get3A_664 : vector<16xf32> to vector<16xf32>
        %gt3A_666 = arith.cmpf ogt, %get3A_665, %scan3A_617 : vector<16xf32>
        %max3A_667 = arith.maximumf %scan3A_617, %get3A_665 : vector<16xf32>
        %select_n3A_668 = arith.select %gt3A_666, %broadcast_in_dim3A_636, %scan3A_627 : vector<16xi1>, vector<16xi32>
        %add3A_669 = arith.constant 64 : i32
        %add3A_670 = arith.addi %mul3A_638, %add3A_669 : i32
        %get3A_671 = arith.index_cast %add3A_670 : i32 to index
        %get3A_672 = tpu.vector_load %arg5[%get3A_671] {strides = array<i32>} : memref<20000xf32, #tpu.memory_space<vmem>>, vector<16xf32>,
        %get3A_673 = vector.shape_cast %get3A_672 : vector<16xf32> to vector<16xf32>
        %gt3A_674 = arith.cmpf ogt, %get3A_673, %scan3A_618 : vector<16xf32>
        %max3A_675 = arith.maximumf %scan3A_618, %get3A_673 : vector<16xf32>
        %select_n3A_676 = arith.select %gt3A_674, %broadcast_in_dim3A_636, %scan3A_628 : vector<16xi1>, vector<16xi32>
        %add3A_677 = arith.constant 80 : i32
        %add3A_678 = arith.addi %mul3A_638, %add3A_677 : i32
        %get3A_679 = arith.index_cast %add3A_678 : i32 to index
        %get3A_680 = tpu.vector_load %arg5[%get3A_679] {strides = array<i32>} : memref<20000xf32, #tpu.memory_space<vmem>>, vector<16xf32>,
        %get3A_681 = vector.shape_cast %get3A_680 : vector<16xf32> to vector<16xf32>
        %gt3A_682 = arith.cmpf ogt, %get3A_681, %scan3A_619 : vector<16xf32>
        %max3A_683 = arith.maximumf %scan3A_619, %get3A_681 : vector<16xf32>
        %select_n3A_684 = arith.select %gt3A_682, %broadcast_in_dim3A_636, %scan3A_629 : vector<16xi1>, vector<16xi32>
        %add3A_685 = arith.constant 96 : i32
        %add3A_686 = arith.addi %mul3A_638, %add3A_685 : i32
        %get3A_687 = arith.index_cast %add3A_686 : i32 to index
        %get3A_688 = tpu.vector_load %arg5[%get3A_687] {strides = array<i32>} : memref<20000xf32, #tpu.memory_space<vmem>>, vector<16xf32>,
        %get3A_689 = vector.shape_cast %get3A_688 : vector<16xf32> to vector<16xf32>
        %gt3A_690 = arith.cmpf ogt, %get3A_689, %scan3A_620 : vector<16xf32>
        %max3A_691 = arith.maximumf %scan3A_620, %get3A_689 : vector<16xf32>
        %select_n3A_692 = arith.select %gt3A_690, %broadcast_in_dim3A_636, %scan3A_630 : vector<16xi1>, vector<16xi32>
        %add3A_693 = arith.constant 112 : i32
        %add3A_694 = arith.addi %mul3A_638, %add3A_693 : i32
        %get3A_695 = arith.index_cast %add3A_694 : i32 to index
        %get3A_696 = tpu.vector_load %arg5[%get3A_695] {strides = array<i32>} : memref<20000xf32, #tpu.memory_space<vmem>>, vector<16xf32>,
        %get3A_697 = vector.shape_cast %get3A_696 : vector<16xf32> to vector<16xf32>
        %gt3A_698 = arith.cmpf ogt, %get3A_697, %scan3A_621 : vector<16xf32>
        %max3A_699 = arith.maximumf %scan3A_621, %get3A_697 : vector<16xf32>
        %select_n3A_700 = arith.select %gt3A_698, %broadcast_in_dim3A_636, %scan3A_631 : vector<16xi1>, vector<16xi32>
        %add3A_701 = arith.constant 128 : i32
        %add3A_702 = arith.addi %mul3A_638, %add3A_701 : i32
        %get3A_703 = arith.index_cast %add3A_702 : i32 to index
        %get3A_704 = tpu.vector_load %arg5[%get3A_703] {strides = array<i32>} : memref<20000xf32, #tpu.memory_space<vmem>>, vector<16xf32>,
        %get3A_705 = vector.shape_cast %get3A_704 : vector<16xf32> to vector<16xf32>
        %gt3A_706 = arith.cmpf ogt, %get3A_705, %scan3A_622 : vector<16xf32>
        %max3A_707 = arith.maximumf %scan3A_622, %get3A_705 : vector<16xf32>
        %select_n3A_708 = arith.select %gt3A_706, %broadcast_in_dim3A_636, %scan3A_632 : vector<16xi1>, vector<16xi32>
        %add3A_709 = arith.constant 144 : i32
        %add3A_710 = arith.addi %mul3A_638, %add3A_709 : i32
        %get3A_711 = arith.index_cast %add3A_710 : i32 to index
        %get3A_712 = tpu.vector_load %arg5[%get3A_711] {strides = array<i32>} : memref<20000xf32, #tpu.memory_space<vmem>>, vector<16xf32>,
        %get3A_713 = vector.shape_cast %get3A_712 : vector<16xf32> to vector<16xf32>
        %gt3A_714 = arith.cmpf ogt, %get3A_713, %scan3A_623 : vector<16xf32>
        %max3A_715 = arith.maximumf %scan3A_623, %get3A_713 : vector<16xf32>
        %select_n3A_716 = arith.select %gt3A_714, %broadcast_in_dim3A_636, %scan3A_633 : vector<16xi1>, vector<16xi32>
        scf.yield %max3A, %max3A_651, %max3A_659, %max3A_667, %max3A_675, %max3A_683, %max3A_691, %max3A_699, %max3A_707, %max3A_715, %select_n3A_644, %select_n3A_652, %select_n3A_660, %select_n3A_668, %select_n3A_676, %select_n3A_684, %select_n3A_692, %select_n3A_700, %select_n3A_708, %select_n3A_716 : vector<16xf32>, vector<16xf32>, vector<16xf32>, vector<16xf32>, vector<16xf32>, vector<16xf32>, vector<16xf32>, vector<16xf32>, vector<16xf32>, vector<16xf32>, vector<16xi32>, vector<16xi32>, vector<16xi32>, vector<16xi32>, vector<16xi32>, vector<16xi32>, vector<16xi32>, vector<16xi32>, vector<16xi32>, vector<16xi32>
      }
      %scan3A_89 = arith.constant 125 : i32
      %add3A_90 = arith.constant 0 : i32
      %add3A_91 = arith.addi %add3A_28, %add3A_90 : i32
      %add3A_92 = arith.constant 0 : i32
      %add3A_93 = arith.addi %add3A_28, %add3A_92 : i32
      %mul3A_94 = arith.constant 100000 : i32
      %mul3A_95 = arith.muli %add3A_93, %mul3A_94 : i32
      %add3A_96 = arith.constant 40000 : i32
      %add3A_97 = arith.addi %mul3A_95, %add3A_96 : i32
      %dma_start3A_98 = tpu.memref_slice %arg2[%add3A_97] : memref<102400000xf32, #tpu.memory_space<hbm>> -> memref<20000xf32, #tpu.memory_space<hbm>>
      %dma_start3A_99 = tpu.memref_slice %arg2[%add3A_97] : memref<102400000xf32, #tpu.memory_space<hbm>> -> memref<20000xf32, #tpu.memory_space<hbm>>
      tpu.enqueue_dma source(%dma_start3A_99 : memref<20000xf32, #tpu.memory_space<hbm>>) target(%arg5 : memref<20000xf32, #tpu.memory_space<vmem>>) target_semaphore(%arg9 : memref<!tpu.dma_semaphore, #tpu.memory_space<semaphore_mem>>)
      %mul3A_100 = arith.constant 100000 : i32
      %mul3A_101 = arith.muli %add3A_91, %mul3A_100 : i32
      %add3A_102 = arith.constant 20000 : i32
      %add3A_103 = arith.addi %mul3A_101, %add3A_102 : i32
      %dma_wait3A_104 = tpu.memref_slice %arg2[%add3A_103] : memref<102400000xf32, #tpu.memory_space<hbm>> -> memref<20000xf32, #tpu.memory_space<hbm>>
      %dma_wait3A_105 = tpu.memref_slice %arg2[%add3A_103] : memref<102400000xf32, #tpu.memory_space<hbm>> -> memref<20000xf32, #tpu.memory_space<hbm>>
      tpu.wait_dma2 semaphore(%arg10 : memref<!tpu.dma_semaphore, #tpu.memory_space<semaphore_mem>>) src(%dma_wait3A_105 : memref<20000xf32, #tpu.memory_space<hbm>>) dst(%arg6 : memref<20000xf32, #tpu.memory_space<vmem>>)
      %scan3A_106 = arith.constant 0 : i32
      %scan3A_107 = arith.constant 125 : i32
      %scan3A_108 = arith.addi %scan3A_106, %scan3A_107 : i32
      %scan3A_109 = arith.constant 1 : i32
      %scan3A_110:20 = scf.for %scan3A_613 = %scan3A_106 to %scan3A_108 step %scan3A_109 iter_args(%scan3A_614 = %scan3A_88#0, %scan3A_615 = %scan3A_88#1, %scan3A_616 = %scan3A_88#2, %scan3A_617 = %scan3A_88#3, %scan3A_618 = %scan3A_88#4, %scan3A_619 = %scan3A_88#5, %scan3A_620 = %scan3A_88#6, %scan3A_621 = %scan3A_88#7, %scan3A_622 = %scan3A_88#8, %scan3A_623 = %scan3A_88#9, %scan3A_624 = %scan3A_88#10, %scan3A_625 = %scan3A_88#11, %scan3A_626 = %scan3A_88#12, %scan3A_627 = %scan3A_88#13, %scan3A_628 = %scan3A_88#14, %scan3A_629 = %scan3A_88#15, %scan3A_630 = %scan3A_88#16, %scan3A_631 = %scan3A_88#17, %scan3A_632 = %scan3A_88#18, %scan3A_633 = %scan3A_88#19) -> (vector<16xf32>, vector<16xf32>, vector<16xf32>, vector<16xf32>, vector<16xf32>, vector<16xf32>, vector<16xf32>, vector<16xf32>, vector<16xf32>, vector<16xf32>, vector<16xi32>, vector<16xi32>, vector<16xi32>, vector<16xi32>, vector<16xi32>, vector<16xi32>, vector<16xi32>, vector<16xi32>, vector<16xi32>, vector<16xi32>)  : i32 {
        %add3A_634 = arith.constant 125 : i32
        %add3A_635 = arith.addi %add3A_634, %scan3A_613 : i32
        %broadcast_in_dim3A_636 = vector.broadcast %add3A_635 : i32 to vector<16xi32>
        %mul3A_637 = arith.constant 160 : i32
        %mul3A_638 = arith.muli %scan3A_613, %mul3A_637 : i32
        %add3A_639 = arith.constant 0 : i32
        %add3A_640 = arith.addi %mul3A_638, %add3A_639 : i32
        %get3A = arith.index_cast %add3A_640 : i32 to index
        %get3A_641 = tpu.vector_load %arg6[%get3A] {strides = array<i32>} : memref<20000xf32, #tpu.memory_space<vmem>>, vector<16xf32>,
        %get3A_642 = vector.shape_cast %get3A_641 : vector<16xf32> to vector<16xf32>
        %gt3A_643 = arith.cmpf ogt, %get3A_642, %scan3A_614 : vector<16xf32>
        %max3A = arith.maximumf %scan3A_614, %get3A_642 : vector<16xf32>
        %select_n3A_644 = arith.select %gt3A_643, %broadcast_in_dim3A_636, %scan3A_624 : vector<16xi1>, vector<16xi32>
        %add3A_645 = arith.constant 16 : i32
        %add3A_646 = arith.addi %mul3A_638, %add3A_645 : i32
        %get3A_647 = arith.index_cast %add3A_646 : i32 to index
        %get3A_648 = tpu.vector_load %arg6[%get3A_647] {strides = array<i32>} : memref<20000xf32, #tpu.memory_space<vmem>>, vector<16xf32>,
        %get3A_649 = vector.shape_cast %get3A_648 : vector<16xf32> to vector<16xf32>
        %gt3A_650 = arith.cmpf ogt, %get3A_649, %scan3A_615 : vector<16xf32>
        %max3A_651 = arith.maximumf %scan3A_615, %get3A_649 : vector<16xf32>
        %select_n3A_652 = arith.select %gt3A_650, %broadcast_in_dim3A_636, %scan3A_625 : vector<16xi1>, vector<16xi32>
        %add3A_653 = arith.constant 32 : i32
        %add3A_654 = arith.addi %mul3A_638, %add3A_653 : i32
        %get3A_655 = arith.index_cast %add3A_654 : i32 to index
        %get3A_656 = tpu.vector_load %arg6[%get3A_655] {strides = array<i32>} : memref<20000xf32, #tpu.memory_space<vmem>>, vector<16xf32>,
        %get3A_657 = vector.shape_cast %get3A_656 : vector<16xf32> to vector<16xf32>
        %gt3A_658 = arith.cmpf ogt, %get3A_657, %scan3A_616 : vector<16xf32>
        %max3A_659 = arith.maximumf %scan3A_616, %get3A_657 : vector<16xf32>
        %select_n3A_660 = arith.select %gt3A_658, %broadcast_in_dim3A_636, %scan3A_626 : vector<16xi1>, vector<16xi32>
        %add3A_661 = arith.constant 48 : i32
        %add3A_662 = arith.addi %mul3A_638, %add3A_661 : i32
        %get3A_663 = arith.index_cast %add3A_662 : i32 to index
        %get3A_664 = tpu.vector_load %arg6[%get3A_663] {strides = array<i32>} : memref<20000xf32, #tpu.memory_space<vmem>>, vector<16xf32>,
        %get3A_665 = vector.shape_cast %get3A_664 : vector<16xf32> to vector<16xf32>
        %gt3A_666 = arith.cmpf ogt, %get3A_665, %scan3A_617 : vector<16xf32>
        %max3A_667 = arith.maximumf %scan3A_617, %get3A_665 : vector<16xf32>
        %select_n3A_668 = arith.select %gt3A_666, %broadcast_in_dim3A_636, %scan3A_627 : vector<16xi1>, vector<16xi32>
        %add3A_669 = arith.constant 64 : i32
        %add3A_670 = arith.addi %mul3A_638, %add3A_669 : i32
        %get3A_671 = arith.index_cast %add3A_670 : i32 to index
        %get3A_672 = tpu.vector_load %arg6[%get3A_671] {strides = array<i32>} : memref<20000xf32, #tpu.memory_space<vmem>>, vector<16xf32>,
        %get3A_673 = vector.shape_cast %get3A_672 : vector<16xf32> to vector<16xf32>
        %gt3A_674 = arith.cmpf ogt, %get3A_673, %scan3A_618 : vector<16xf32>
        %max3A_675 = arith.maximumf %scan3A_618, %get3A_673 : vector<16xf32>
        %select_n3A_676 = arith.select %gt3A_674, %broadcast_in_dim3A_636, %scan3A_628 : vector<16xi1>, vector<16xi32>
        %add3A_677 = arith.constant 80 : i32
        %add3A_678 = arith.addi %mul3A_638, %add3A_677 : i32
        %get3A_679 = arith.index_cast %add3A_678 : i32 to index
        %get3A_680 = tpu.vector_load %arg6[%get3A_679] {strides = array<i32>} : memref<20000xf32, #tpu.memory_space<vmem>>, vector<16xf32>,
        %get3A_681 = vector.shape_cast %get3A_680 : vector<16xf32> to vector<16xf32>
        %gt3A_682 = arith.cmpf ogt, %get3A_681, %scan3A_619 : vector<16xf32>
        %max3A_683 = arith.maximumf %scan3A_619, %get3A_681 : vector<16xf32>
        %select_n3A_684 = arith.select %gt3A_682, %broadcast_in_dim3A_636, %scan3A_629 : vector<16xi1>, vector<16xi32>
        %add3A_685 = arith.constant 96 : i32
        %add3A_686 = arith.addi %mul3A_638, %add3A_685 : i32
        %get3A_687 = arith.index_cast %add3A_686 : i32 to index
        %get3A_688 = tpu.vector_load %arg6[%get3A_687] {strides = array<i32>} : memref<20000xf32, #tpu.memory_space<vmem>>, vector<16xf32>,
        %get3A_689 = vector.shape_cast %get3A_688 : vector<16xf32> to vector<16xf32>
        %gt3A_690 = arith.cmpf ogt, %get3A_689, %scan3A_620 : vector<16xf32>
        %max3A_691 = arith.maximumf %scan3A_620, %get3A_689 : vector<16xf32>
        %select_n3A_692 = arith.select %gt3A_690, %broadcast_in_dim3A_636, %scan3A_630 : vector<16xi1>, vector<16xi32>
        %add3A_693 = arith.constant 112 : i32
        %add3A_694 = arith.addi %mul3A_638, %add3A_693 : i32
        %get3A_695 = arith.index_cast %add3A_694 : i32 to index
        %get3A_696 = tpu.vector_load %arg6[%get3A_695] {strides = array<i32>} : memref<20000xf32, #tpu.memory_space<vmem>>, vector<16xf32>,
        %get3A_697 = vector.shape_cast %get3A_696 : vector<16xf32> to vector<16xf32>
        %gt3A_698 = arith.cmpf ogt, %get3A_697, %scan3A_621 : vector<16xf32>
        %max3A_699 = arith.maximumf %scan3A_621, %get3A_697 : vector<16xf32>
        %select_n3A_700 = arith.select %gt3A_698, %broadcast_in_dim3A_636, %scan3A_631 : vector<16xi1>, vector<16xi32>
        %add3A_701 = arith.constant 128 : i32
        %add3A_702 = arith.addi %mul3A_638, %add3A_701 : i32
        %get3A_703 = arith.index_cast %add3A_702 : i32 to index
        %get3A_704 = tpu.vector_load %arg6[%get3A_703] {strides = array<i32>} : memref<20000xf32, #tpu.memory_space<vmem>>, vector<16xf32>,
        %get3A_705 = vector.shape_cast %get3A_704 : vector<16xf32> to vector<16xf32>
        %gt3A_706 = arith.cmpf ogt, %get3A_705, %scan3A_622 : vector<16xf32>
        %max3A_707 = arith.maximumf %scan3A_622, %get3A_705 : vector<16xf32>
        %select_n3A_708 = arith.select %gt3A_706, %broadcast_in_dim3A_636, %scan3A_632 : vector<16xi1>, vector<16xi32>
        %add3A_709 = arith.constant 144 : i32
        %add3A_710 = arith.addi %mul3A_638, %add3A_709 : i32
        %get3A_711 = arith.index_cast %add3A_710 : i32 to index
        %get3A_712 = tpu.vector_load %arg6[%get3A_711] {strides = array<i32>} : memref<20000xf32, #tpu.memory_space<vmem>>, vector<16xf32>,
        %get3A_713 = vector.shape_cast %get3A_712 : vector<16xf32> to vector<16xf32>
        %gt3A_714 = arith.cmpf ogt, %get3A_713, %scan3A_623 : vector<16xf32>
        %max3A_715 = arith.maximumf %scan3A_623, %get3A_713 : vector<16xf32>
        %select_n3A_716 = arith.select %gt3A_714, %broadcast_in_dim3A_636, %scan3A_633 : vector<16xi1>, vector<16xi32>
        scf.yield %max3A, %max3A_651, %max3A_659, %max3A_667, %max3A_675, %max3A_683, %max3A_691, %max3A_699, %max3A_707, %max3A_715, %select_n3A_644, %select_n3A_652, %select_n3A_660, %select_n3A_668, %select_n3A_676, %select_n3A_684, %select_n3A_692, %select_n3A_700, %select_n3A_708, %select_n3A_716 : vector<16xf32>, vector<16xf32>, vector<16xf32>, vector<16xf32>, vector<16xf32>, vector<16xf32>, vector<16xf32>, vector<16xf32>, vector<16xf32>, vector<16xf32>, vector<16xi32>, vector<16xi32>, vector<16xi32>, vector<16xi32>, vector<16xi32>, vector<16xi32>, vector<16xi32>, vector<16xi32>, vector<16xi32>, vector<16xi32>
      }
      %scan3A_111 = arith.constant 125 : i32
      %add3A_112 = arith.constant 0 : i32
      %add3A_113 = arith.addi %add3A_28, %add3A_112 : i32
      %add3A_114 = arith.constant 0 : i32
      %add3A_115 = arith.addi %add3A_28, %add3A_114 : i32
      %mul3A_116 = arith.constant 100000 : i32
      %mul3A_117 = arith.muli %add3A_115, %mul3A_116 : i32
      %add3A_118 = arith.constant 60000 : i32
      %add3A_119 = arith.addi %mul3A_117, %add3A_118 : i32
      %dma_start3A_120 = tpu.memref_slice %arg2[%add3A_119] : memref<102400000xf32, #tpu.memory_space<hbm>> -> memref<20000xf32, #tpu.memory_space<hbm>>
      %dma_start3A_121 = tpu.memref_slice %arg2[%add3A_119] : memref<102400000xf32, #tpu.memory_space<hbm>> -> memref<20000xf32, #tpu.memory_space<hbm>>
      tpu.enqueue_dma source(%dma_start3A_121 : memref<20000xf32, #tpu.memory_space<hbm>>) target(%arg6 : memref<20000xf32, #tpu.memory_space<vmem>>) target_semaphore(%arg10 : memref<!tpu.dma_semaphore, #tpu.memory_space<semaphore_mem>>)
      %mul3A_122 = arith.constant 100000 : i32
      %mul3A_123 = arith.muli %add3A_113, %mul3A_122 : i32
      %add3A_124 = arith.constant 40000 : i32
      %add3A_125 = arith.addi %mul3A_123, %add3A_124 : i32
      %dma_wait3A_126 = tpu.memref_slice %arg2[%add3A_125] : memref<102400000xf32, #tpu.memory_space<hbm>> -> memref<20000xf32, #tpu.memory_space<hbm>>
      %dma_wait3A_127 = tpu.memref_slice %arg2[%add3A_125] : memref<102400000xf32, #tpu.memory_space<hbm>> -> memref<20000xf32, #tpu.memory_space<hbm>>
      tpu.wait_dma2 semaphore(%arg9 : memref<!tpu.dma_semaphore, #tpu.memory_space<semaphore_mem>>) src(%dma_wait3A_127 : memref<20000xf32, #tpu.memory_space<hbm>>) dst(%arg5 : memref<20000xf32, #tpu.memory_space<vmem>>)
      %scan3A_128 = arith.constant 0 : i32
      %scan3A_129 = arith.constant 125 : i32
      %scan3A_130 = arith.addi %scan3A_128, %scan3A_129 : i32
      %scan3A_131 = arith.constant 1 : i32
      %scan3A_132:20 = scf.for %scan3A_613 = %scan3A_128 to %scan3A_130 step %scan3A_131 iter_args(%scan3A_614 = %scan3A_110#0, %scan3A_615 = %scan3A_110#1, %scan3A_616 = %scan3A_110#2, %scan3A_617 = %scan3A_110#3, %scan3A_618 = %scan3A_110#4, %scan3A_619 = %scan3A_110#5, %scan3A_620 = %scan3A_110#6, %scan3A_621 = %scan3A_110#7, %scan3A_622 = %scan3A_110#8, %scan3A_623 = %scan3A_110#9, %scan3A_624 = %scan3A_110#10, %scan3A_625 = %scan3A_110#11, %scan3A_626 = %scan3A_110#12, %scan3A_627 = %scan3A_110#13, %scan3A_628 = %scan3A_110#14, %scan3A_629 = %scan3A_110#15, %scan3A_630 = %scan3A_110#16, %scan3A_631 = %scan3A_110#17, %scan3A_632 = %scan3A_110#18, %scan3A_633 = %scan3A_110#19) -> (vector<16xf32>, vector<16xf32>, vector<16xf32>, vector<16xf32>, vector<16xf32>, vector<16xf32>, vector<16xf32>, vector<16xf32>, vector<16xf32>, vector<16xf32>, vector<16xi32>, vector<16xi32>, vector<16xi32>, vector<16xi32>, vector<16xi32>, vector<16xi32>, vector<16xi32>, vector<16xi32>, vector<16xi32>, vector<16xi32>)  : i32 {
        %add3A_634 = arith.constant 250 : i32
        %add3A_635 = arith.addi %add3A_634, %scan3A_613 : i32
        %broadcast_in_dim3A_636 = vector.broadcast %add3A_635 : i32 to vector<16xi32>
        %mul3A_637 = arith.constant 160 : i32
        %mul3A_638 = arith.muli %scan3A_613, %mul3A_637 : i32
        %add3A_639 = arith.constant 0 : i32
        %add3A_640 = arith.addi %mul3A_638, %add3A_639 : i32
        %get3A = arith.index_cast %add3A_640 : i32 to index
        %get3A_641 = tpu.vector_load %arg5[%get3A] {strides = array<i32>} : memref<20000xf32, #tpu.memory_space<vmem>>, vector<16xf32>,
        %get3A_642 = vector.shape_cast %get3A_641 : vector<16xf32> to vector<16xf32>
        %gt3A_643 = arith.cmpf ogt, %get3A_642, %scan3A_614 : vector<16xf32>
        %max3A = arith.maximumf %scan3A_614, %get3A_642 : vector<16xf32>
        %select_n3A_644 = arith.select %gt3A_643, %broadcast_in_dim3A_636, %scan3A_624 : vector<16xi1>, vector<16xi32>
        %add3A_645 = arith.constant 16 : i32
        %add3A_646 = arith.addi %mul3A_638, %add3A_645 : i32
        %get3A_647 = arith.index_cast %add3A_646 : i32 to index
        %get3A_648 = tpu.vector_load %arg5[%get3A_647] {strides = array<i32>} : memref<20000xf32, #tpu.memory_space<vmem>>, vector<16xf32>,
        %get3A_649 = vector.shape_cast %get3A_648 : vector<16xf32> to vector<16xf32>
        %gt3A_650 = arith.cmpf ogt, %get3A_649, %scan3A_615 : vector<16xf32>
        %max3A_651 = arith.maximumf %scan3A_615, %get3A_649 : vector<16xf32>
        %select_n3A_652 = arith.select %gt3A_650, %broadcast_in_dim3A_636, %scan3A_625 : vector<16xi1>, vector<16xi32>
        %add3A_653 = arith.constant 32 : i32
        %add3A_654 = arith.addi %mul3A_638, %add3A_653 : i32
        %get3A_655 = arith.index_cast %add3A_654 : i32 to index
        %get3A_656 = tpu.vector_load %arg5[%get3A_655] {strides = array<i32>} : memref<20000xf32, #tpu.memory_space<vmem>>, vector<16xf32>,
        %get3A_657 = vector.shape_cast %get3A_656 : vector<16xf32> to vector<16xf32>
        %gt3A_658 = arith.cmpf ogt, %get3A_657, %scan3A_616 : vector<16xf32>
        %max3A_659 = arith.maximumf %scan3A_616, %get3A_657 : vector<16xf32>
        %select_n3A_660 = arith.select %gt3A_658, %broadcast_in_dim3A_636, %scan3A_626 : vector<16xi1>, vector<16xi32>
        %add3A_661 = arith.constant 48 : i32
        %add3A_662 = arith.addi %mul3A_638, %add3A_661 : i32
        %get3A_663 = arith.index_cast %add3A_662 : i32 to index
        %get3A_664 = tpu.vector_load %arg5[%get3A_663] {strides = array<i32>} : memref<20000xf32, #tpu.memory_space<vmem>>, vector<16xf32>,
        %get3A_665 = vector.shape_cast %get3A_664 : vector<16xf32> to vector<16xf32>
        %gt3A_666 = arith.cmpf ogt, %get3A_665, %scan3A_617 : vector<16xf32>
        %max3A_667 = arith.maximumf %scan3A_617, %get3A_665 : vector<16xf32>
        %select_n3A_668 = arith.select %gt3A_666, %broadcast_in_dim3A_636, %scan3A_627 : vector<16xi1>, vector<16xi32>
        %add3A_669 = arith.constant 64 : i32
        %add3A_670 = arith.addi %mul3A_638, %add3A_669 : i32
        %get3A_671 = arith.index_cast %add3A_670 : i32 to index
        %get3A_672 = tpu.vector_load %arg5[%get3A_671] {strides = array<i32>} : memref<20000xf32, #tpu.memory_space<vmem>>, vector<16xf32>,
        %get3A_673 = vector.shape_cast %get3A_672 : vector<16xf32> to vector<16xf32>
        %gt3A_674 = arith.cmpf ogt, %get3A_673, %scan3A_618 : vector<16xf32>
        %max3A_675 = arith.maximumf %scan3A_618, %get3A_673 : vector<16xf32>
        %select_n3A_676 = arith.select %gt3A_674, %broadcast_in_dim3A_636, %scan3A_628 : vector<16xi1>, vector<16xi32>
        %add3A_677 = arith.constant 80 : i32
        %add3A_678 = arith.addi %mul3A_638, %add3A_677 : i32
        %get3A_679 = arith.index_cast %add3A_678 : i32 to index
        %get3A_680 = tpu.vector_load %arg5[%get3A_679] {strides = array<i32>} : memref<20000xf32, #tpu.memory_space<vmem>>, vector<16xf32>,
        %get3A_681 = vector.shape_cast %get3A_680 : vector<16xf32> to vector<16xf32>
        %gt3A_682 = arith.cmpf ogt, %get3A_681, %scan3A_619 : vector<16xf32>
        %max3A_683 = arith.maximumf %scan3A_619, %get3A_681 : vector<16xf32>
        %select_n3A_684 = arith.select %gt3A_682, %broadcast_in_dim3A_636, %scan3A_629 : vector<16xi1>, vector<16xi32>
        %add3A_685 = arith.constant 96 : i32
        %add3A_686 = arith.addi %mul3A_638, %add3A_685 : i32
        %get3A_687 = arith.index_cast %add3A_686 : i32 to index
        %get3A_688 = tpu.vector_load %arg5[%get3A_687] {strides = array<i32>} : memref<20000xf32, #tpu.memory_space<vmem>>, vector<16xf32>,
        %get3A_689 = vector.shape_cast %get3A_688 : vector<16xf32> to vector<16xf32>
        %gt3A_690 = arith.cmpf ogt, %get3A_689, %scan3A_620 : vector<16xf32>
        %max3A_691 = arith.maximumf %scan3A_620, %get3A_689 : vector<16xf32>
        %select_n3A_692 = arith.select %gt3A_690, %broadcast_in_dim3A_636, %scan3A_630 : vector<16xi1>, vector<16xi32>
        %add3A_693 = arith.constant 112 : i32
        %add3A_694 = arith.addi %mul3A_638, %add3A_693 : i32
        %get3A_695 = arith.index_cast %add3A_694 : i32 to index
        %get3A_696 = tpu.vector_load %arg5[%get3A_695] {strides = array<i32>} : memref<20000xf32, #tpu.memory_space<vmem>>, vector<16xf32>,
        %get3A_697 = vector.shape_cast %get3A_696 : vector<16xf32> to vector<16xf32>
        %gt3A_698 = arith.cmpf ogt, %get3A_697, %scan3A_621 : vector<16xf32>
        %max3A_699 = arith.maximumf %scan3A_621, %get3A_697 : vector<16xf32>
        %select_n3A_700 = arith.select %gt3A_698, %broadcast_in_dim3A_636, %scan3A_631 : vector<16xi1>, vector<16xi32>
        %add3A_701 = arith.constant 128 : i32
        %add3A_702 = arith.addi %mul3A_638, %add3A_701 : i32
        %get3A_703 = arith.index_cast %add3A_702 : i32 to index
        %get3A_704 = tpu.vector_load %arg5[%get3A_703] {strides = array<i32>} : memref<20000xf32, #tpu.memory_space<vmem>>, vector<16xf32>,
        %get3A_705 = vector.shape_cast %get3A_704 : vector<16xf32> to vector<16xf32>
        %gt3A_706 = arith.cmpf ogt, %get3A_705, %scan3A_622 : vector<16xf32>
        %max3A_707 = arith.maximumf %scan3A_622, %get3A_705 : vector<16xf32>
        %select_n3A_708 = arith.select %gt3A_706, %broadcast_in_dim3A_636, %scan3A_632 : vector<16xi1>, vector<16xi32>
        %add3A_709 = arith.constant 144 : i32
        %add3A_710 = arith.addi %mul3A_638, %add3A_709 : i32
        %get3A_711 = arith.index_cast %add3A_710 : i32 to index
        %get3A_712 = tpu.vector_load %arg5[%get3A_711] {strides = array<i32>} : memref<20000xf32, #tpu.memory_space<vmem>>, vector<16xf32>,
        %get3A_713 = vector.shape_cast %get3A_712 : vector<16xf32> to vector<16xf32>
        %gt3A_714 = arith.cmpf ogt, %get3A_713, %scan3A_623 : vector<16xf32>
        %max3A_715 = arith.maximumf %scan3A_623, %get3A_713 : vector<16xf32>
        %select_n3A_716 = arith.select %gt3A_714, %broadcast_in_dim3A_636, %scan3A_633 : vector<16xi1>, vector<16xi32>
        scf.yield %max3A, %max3A_651, %max3A_659, %max3A_667, %max3A_675, %max3A_683, %max3A_691, %max3A_699, %max3A_707, %max3A_715, %select_n3A_644, %select_n3A_652, %select_n3A_660, %select_n3A_668, %select_n3A_676, %select_n3A_684, %select_n3A_692, %select_n3A_700, %select_n3A_708, %select_n3A_716 : vector<16xf32>, vector<16xf32>, vector<16xf32>, vector<16xf32>, vector<16xf32>, vector<16xf32>, vector<16xf32>, vector<16xf32>, vector<16xf32>, vector<16xf32>, vector<16xi32>, vector<16xi32>, vector<16xi32>, vector<16xi32>, vector<16xi32>, vector<16xi32>, vector<16xi32>, vector<16xi32>, vector<16xi32>, vector<16xi32>
      }
      %scan3A_133 = arith.constant 125 : i32
      %add3A_134 = arith.constant 0 : i32
      %add3A_135 = arith.addi %add3A_28, %add3A_134 : i32
      %add3A_136 = arith.constant 0 : i32
      %add3A_137 = arith.addi %add3A_28, %add3A_136 : i32
      %mul3A_138 = arith.constant 100000 : i32
      %mul3A_139 = arith.muli %add3A_137, %mul3A_138 : i32
      %add3A_140 = arith.constant 80000 : i32
      %add3A_141 = arith.addi %mul3A_139, %add3A_140 : i32
      %dma_start3A_142 = tpu.memref_slice %arg2[%add3A_141] : memref<102400000xf32, #tpu.memory_space<hbm>> -> memref<20000xf32, #tpu.memory_space<hbm>>
      %dma_start3A_143 = tpu.memref_slice %arg2[%add3A_141] : memref<102400000xf32, #tpu.memory_space<hbm>> -> memref<20000xf32, #tpu.memory_space<hbm>>
      tpu.enqueue_dma source(%dma_start3A_143 : memref<20000xf32, #tpu.memory_space<hbm>>) target(%arg5 : memref<20000xf32, #tpu.memory_space<vmem>>) target_semaphore(%arg9 : memref<!tpu.dma_semaphore, #tpu.memory_space<semaphore_mem>>)
      %mul3A_144 = arith.constant 100000 : i32
      %mul3A_145 = arith.muli %add3A_135, %mul3A_144 : i32
      %add3A_146 = arith.constant 60000 : i32
      %add3A_147 = arith.addi %mul3A_145, %add3A_146 : i32
      %dma_wait3A_148 = tpu.memref_slice %arg2[%add3A_147] : memref<102400000xf32, #tpu.memory_space<hbm>> -> memref<20000xf32, #tpu.memory_space<hbm>>
      %dma_wait3A_149 = tpu.memref_slice %arg2[%add3A_147] : memref<102400000xf32, #tpu.memory_space<hbm>> -> memref<20000xf32, #tpu.memory_space<hbm>>
      tpu.wait_dma2 semaphore(%arg10 : memref<!tpu.dma_semaphore, #tpu.memory_space<semaphore_mem>>) src(%dma_wait3A_149 : memref<20000xf32, #tpu.memory_space<hbm>>) dst(%arg6 : memref<20000xf32, #tpu.memory_space<vmem>>)
      %scan3A_150 = arith.constant 0 : i32
      %scan3A_151 = arith.constant 125 : i32
      %scan3A_152 = arith.addi %scan3A_150, %scan3A_151 : i32
      %scan3A_153 = arith.constant 1 : i32
      %scan3A_154:20 = scf.for %scan3A_613 = %scan3A_150 to %scan3A_152 step %scan3A_153 iter_args(%scan3A_614 = %scan3A_132#0, %scan3A_615 = %scan3A_132#1, %scan3A_616 = %scan3A_132#2, %scan3A_617 = %scan3A_132#3, %scan3A_618 = %scan3A_132#4, %scan3A_619 = %scan3A_132#5, %scan3A_620 = %scan3A_132#6, %scan3A_621 = %scan3A_132#7, %scan3A_622 = %scan3A_132#8, %scan3A_623 = %scan3A_132#9, %scan3A_624 = %scan3A_132#10, %scan3A_625 = %scan3A_132#11, %scan3A_626 = %scan3A_132#12, %scan3A_627 = %scan3A_132#13, %scan3A_628 = %scan3A_132#14, %scan3A_629 = %scan3A_132#15, %scan3A_630 = %scan3A_132#16, %scan3A_631 = %scan3A_132#17, %scan3A_632 = %scan3A_132#18, %scan3A_633 = %scan3A_132#19) -> (vector<16xf32>, vector<16xf32>, vector<16xf32>, vector<16xf32>, vector<16xf32>, vector<16xf32>, vector<16xf32>, vector<16xf32>, vector<16xf32>, vector<16xf32>, vector<16xi32>, vector<16xi32>, vector<16xi32>, vector<16xi32>, vector<16xi32>, vector<16xi32>, vector<16xi32>, vector<16xi32>, vector<16xi32>, vector<16xi32>)  : i32 {
        %add3A_634 = arith.constant 375 : i32
        %add3A_635 = arith.addi %add3A_634, %scan3A_613 : i32
        %broadcast_in_dim3A_636 = vector.broadcast %add3A_635 : i32 to vector<16xi32>
        %mul3A_637 = arith.constant 160 : i32
        %mul3A_638 = arith.muli %scan3A_613, %mul3A_637 : i32
        %add3A_639 = arith.constant 0 : i32
        %add3A_640 = arith.addi %mul3A_638, %add3A_639 : i32
        %get3A = arith.index_cast %add3A_640 : i32 to index
        %get3A_641 = tpu.vector_load %arg6[%get3A] {strides = array<i32>} : memref<20000xf32, #tpu.memory_space<vmem>>, vector<16xf32>,
        %get3A_642 = vector.shape_cast %get3A_641 : vector<16xf32> to vector<16xf32>
        %gt3A_643 = arith.cmpf ogt, %get3A_642, %scan3A_614 : vector<16xf32>
        %max3A = arith.maximumf %scan3A_614, %get3A_642 : vector<16xf32>
        %select_n3A_644 = arith.select %gt3A_643, %broadcast_in_dim3A_636, %scan3A_624 : vector<16xi1>, vector<16xi32>
        %add3A_645 = arith.constant 16 : i32
        %add3A_646 = arith.addi %mul3A_638, %add3A_645 : i32
        %get3A_647 = arith.index_cast %add3A_646 : i32 to index
        %get3A_648 = tpu.vector_load %arg6[%get3A_647] {strides = array<i32>} : memref<20000xf32, #tpu.memory_space<vmem>>, vector<16xf32>,
        %get3A_649 = vector.shape_cast %get3A_648 : vector<16xf32> to vector<16xf32>
        %gt3A_650 = arith.cmpf ogt, %get3A_649, %scan3A_615 : vector<16xf32>
        %max3A_651 = arith.maximumf %scan3A_615, %get3A_649 : vector<16xf32>
        %select_n3A_652 = arith.select %gt3A_650, %broadcast_in_dim3A_636, %scan3A_625 : vector<16xi1>, vector<16xi32>
        %add3A_653 = arith.constant 32 : i32
        %add3A_654 = arith.addi %mul3A_638, %add3A_653 : i32
        %get3A_655 = arith.index_cast %add3A_654 : i32 to index
        %get3A_656 = tpu.vector_load %arg6[%get3A_655] {strides = array<i32>} : memref<20000xf32, #tpu.memory_space<vmem>>, vector<16xf32>,
        %get3A_657 = vector.shape_cast %get3A_656 : vector<16xf32> to vector<16xf32>
        %gt3A_658 = arith.cmpf ogt, %get3A_657, %scan3A_616 : vector<16xf32>
        %max3A_659 = arith.maximumf %scan3A_616, %get3A_657 : vector<16xf32>
        %select_n3A_660 = arith.select %gt3A_658, %broadcast_in_dim3A_636, %scan3A_626 : vector<16xi1>, vector<16xi32>
        %add3A_661 = arith.constant 48 : i32
        %add3A_662 = arith.addi %mul3A_638, %add3A_661 : i32
        %get3A_663 = arith.index_cast %add3A_662 : i32 to index
        %get3A_664 = tpu.vector_load %arg6[%get3A_663] {strides = array<i32>} : memref<20000xf32, #tpu.memory_space<vmem>>, vector<16xf32>,
        %get3A_665 = vector.shape_cast %get3A_664 : vector<16xf32> to vector<16xf32>
        %gt3A_666 = arith.cmpf ogt, %get3A_665, %scan3A_617 : vector<16xf32>
        %max3A_667 = arith.maximumf %scan3A_617, %get3A_665 : vector<16xf32>
        %select_n3A_668 = arith.select %gt3A_666, %broadcast_in_dim3A_636, %scan3A_627 : vector<16xi1>, vector<16xi32>
        %add3A_669 = arith.constant 64 : i32
        %add3A_670 = arith.addi %mul3A_638, %add3A_669 : i32
        %get3A_671 = arith.index_cast %add3A_670 : i32 to index
        %get3A_672 = tpu.vector_load %arg6[%get3A_671] {strides = array<i32>} : memref<20000xf32, #tpu.memory_space<vmem>>, vector<16xf32>,
        %get3A_673 = vector.shape_cast %get3A_672 : vector<16xf32> to vector<16xf32>
        %gt3A_674 = arith.cmpf ogt, %get3A_673, %scan3A_618 : vector<16xf32>
        %max3A_675 = arith.maximumf %scan3A_618, %get3A_673 : vector<16xf32>
        %select_n3A_676 = arith.select %gt3A_674, %broadcast_in_dim3A_636, %scan3A_628 : vector<16xi1>, vector<16xi32>
        %add3A_677 = arith.constant 80 : i32
        %add3A_678 = arith.addi %mul3A_638, %add3A_677 : i32
        %get3A_679 = arith.index_cast %add3A_678 : i32 to index
        %get3A_680 = tpu.vector_load %arg6[%get3A_679] {strides = array<i32>} : memref<20000xf32, #tpu.memory_space<vmem>>, vector<16xf32>,
        %get3A_681 = vector.shape_cast %get3A_680 : vector<16xf32> to vector<16xf32>
        %gt3A_682 = arith.cmpf ogt, %get3A_681, %scan3A_619 : vector<16xf32>
        %max3A_683 = arith.maximumf %scan3A_619, %get3A_681 : vector<16xf32>
        %select_n3A_684 = arith.select %gt3A_682, %broadcast_in_dim3A_636, %scan3A_629 : vector<16xi1>, vector<16xi32>
        %add3A_685 = arith.constant 96 : i32
        %add3A_686 = arith.addi %mul3A_638, %add3A_685 : i32
        %get3A_687 = arith.index_cast %add3A_686 : i32 to index
        %get3A_688 = tpu.vector_load %arg6[%get3A_687] {strides = array<i32>} : memref<20000xf32, #tpu.memory_space<vmem>>, vector<16xf32>,
        %get3A_689 = vector.shape_cast %get3A_688 : vector<16xf32> to vector<16xf32>
        %gt3A_690 = arith.cmpf ogt, %get3A_689, %scan3A_620 : vector<16xf32>
        %max3A_691 = arith.maximumf %scan3A_620, %get3A_689 : vector<16xf32>
        %select_n3A_692 = arith.select %gt3A_690, %broadcast_in_dim3A_636, %scan3A_630 : vector<16xi1>, vector<16xi32>
        %add3A_693 = arith.constant 112 : i32
        %add3A_694 = arith.addi %mul3A_638, %add3A_693 : i32
        %get3A_695 = arith.index_cast %add3A_694 : i32 to index
        %get3A_696 = tpu.vector_load %arg6[%get3A_695] {strides = array<i32>} : memref<20000xf32, #tpu.memory_space<vmem>>, vector<16xf32>,
        %get3A_697 = vector.shape_cast %get3A_696 : vector<16xf32> to vector<16xf32>
        %gt3A_698 = arith.cmpf ogt, %get3A_697, %scan3A_621 : vector<16xf32>
        %max3A_699 = arith.maximumf %scan3A_621, %get3A_697 : vector<16xf32>
        %select_n3A_700 = arith.select %gt3A_698, %broadcast_in_dim3A_636, %scan3A_631 : vector<16xi1>, vector<16xi32>
        %add3A_701 = arith.constant 128 : i32
        %add3A_702 = arith.addi %mul3A_638, %add3A_701 : i32
        %get3A_703 = arith.index_cast %add3A_702 : i32 to index
        %get3A_704 = tpu.vector_load %arg6[%get3A_703] {strides = array<i32>} : memref<20000xf32, #tpu.memory_space<vmem>>, vector<16xf32>,
        %get3A_705 = vector.shape_cast %get3A_704 : vector<16xf32> to vector<16xf32>
        %gt3A_706 = arith.cmpf ogt, %get3A_705, %scan3A_622 : vector<16xf32>
        %max3A_707 = arith.maximumf %scan3A_622, %get3A_705 : vector<16xf32>
        %select_n3A_708 = arith.select %gt3A_706, %broadcast_in_dim3A_636, %scan3A_632 : vector<16xi1>, vector<16xi32>
        %add3A_709 = arith.constant 144 : i32
        %add3A_710 = arith.addi %mul3A_638, %add3A_709 : i32
        %get3A_711 = arith.index_cast %add3A_710 : i32 to index
        %get3A_712 = tpu.vector_load %arg6[%get3A_711] {strides = array<i32>} : memref<20000xf32, #tpu.memory_space<vmem>>, vector<16xf32>,
        %get3A_713 = vector.shape_cast %get3A_712 : vector<16xf32> to vector<16xf32>
        %gt3A_714 = arith.cmpf ogt, %get3A_713, %scan3A_623 : vector<16xf32>
        %max3A_715 = arith.maximumf %scan3A_623, %get3A_713 : vector<16xf32>
        %select_n3A_716 = arith.select %gt3A_714, %broadcast_in_dim3A_636, %scan3A_633 : vector<16xi1>, vector<16xi32>
        scf.yield %max3A, %max3A_651, %max3A_659, %max3A_667, %max3A_675, %max3A_683, %max3A_691, %max3A_699, %max3A_707, %max3A_715, %select_n3A_644, %select_n3A_652, %select_n3A_660, %select_n3A_668, %select_n3A_676, %select_n3A_684, %select_n3A_692, %select_n3A_700, %select_n3A_708, %select_n3A_716 : vector<16xf32>, vector<16xf32>, vector<16xf32>, vector<16xf32>, vector<16xf32>, vector<16xf32>, vector<16xf32>, vector<16xf32>, vector<16xf32>, vector<16xf32>, vector<16xi32>, vector<16xi32>, vector<16xi32>, vector<16xi32>, vector<16xi32>, vector<16xi32>, vector<16xi32>, vector<16xi32>, vector<16xi32>, vector<16xi32>
      }
      %scan3A_155 = arith.constant 125 : i32
      %add3A_156 = arith.constant 0 : i32
      %add3A_157 = arith.addi %add3A_28, %add3A_156 : i32
      %add3A_158 = arith.constant 1 : i32
      %add3A_159 = arith.addi %add3A_28, %add3A_158 : i32
      %mul3A_160 = arith.constant 100000 : i32
      %mul3A_161 = arith.muli %add3A_159, %mul3A_160 : i32
      %add3A_162 = arith.constant 0 : i32
      %add3A_163 = arith.addi %mul3A_161, %add3A_162 : i32
      %dma_start3A_164 = tpu.memref_slice %arg2[%add3A_163] : memref<102400000xf32, #tpu.memory_space<hbm>> -> memref<20000xf32, #tpu.memory_space<hbm>>
      %dma_start3A_165 = tpu.memref_slice %arg2[%add3A_163] : memref<102400000xf32, #tpu.memory_space<hbm>> -> memref<20000xf32, #tpu.memory_space<hbm>>
      tpu.enqueue_dma source(%dma_start3A_165 : memref<20000xf32, #tpu.memory_space<hbm>>) target(%arg6 : memref<20000xf32, #tpu.memory_space<vmem>>) target_semaphore(%arg10 : memref<!tpu.dma_semaphore, #tpu.memory_space<semaphore_mem>>)
      %mul3A_166 = arith.constant 100000 : i32
      %mul3A_167 = arith.muli %add3A_157, %mul3A_166 : i32
      %add3A_168 = arith.constant 80000 : i32
      %add3A_169 = arith.addi %mul3A_167, %add3A_168 : i32
      %dma_wait3A_170 = tpu.memref_slice %arg2[%add3A_169] : memref<102400000xf32, #tpu.memory_space<hbm>> -> memref<20000xf32, #tpu.memory_space<hbm>>
      %dma_wait3A_171 = tpu.memref_slice %arg2[%add3A_169] : memref<102400000xf32, #tpu.memory_space<hbm>> -> memref<20000xf32, #tpu.memory_space<hbm>>
      tpu.wait_dma2 semaphore(%arg9 : memref<!tpu.dma_semaphore, #tpu.memory_space<semaphore_mem>>) src(%dma_wait3A_171 : memref<20000xf32, #tpu.memory_space<hbm>>) dst(%arg5 : memref<20000xf32, #tpu.memory_space<vmem>>)
      %scan3A_172 = arith.constant 0 : i32
      %scan3A_173 = arith.constant 125 : i32
      %scan3A_174 = arith.addi %scan3A_172, %scan3A_173 : i32
      %scan3A_175 = arith.constant 1 : i32
      %scan3A_176:20 = scf.for %scan3A_613 = %scan3A_172 to %scan3A_174 step %scan3A_175 iter_args(%scan3A_614 = %scan3A_154#0, %scan3A_615 = %scan3A_154#1, %scan3A_616 = %scan3A_154#2, %scan3A_617 = %scan3A_154#3, %scan3A_618 = %scan3A_154#4, %scan3A_619 = %scan3A_154#5, %scan3A_620 = %scan3A_154#6, %scan3A_621 = %scan3A_154#7, %scan3A_622 = %scan3A_154#8, %scan3A_623 = %scan3A_154#9, %scan3A_624 = %scan3A_154#10, %scan3A_625 = %scan3A_154#11, %scan3A_626 = %scan3A_154#12, %scan3A_627 = %scan3A_154#13, %scan3A_628 = %scan3A_154#14, %scan3A_629 = %scan3A_154#15, %scan3A_630 = %scan3A_154#16, %scan3A_631 = %scan3A_154#17, %scan3A_632 = %scan3A_154#18, %scan3A_633 = %scan3A_154#19) -> (vector<16xf32>, vector<16xf32>, vector<16xf32>, vector<16xf32>, vector<16xf32>, vector<16xf32>, vector<16xf32>, vector<16xf32>, vector<16xf32>, vector<16xf32>, vector<16xi32>, vector<16xi32>, vector<16xi32>, vector<16xi32>, vector<16xi32>, vector<16xi32>, vector<16xi32>, vector<16xi32>, vector<16xi32>, vector<16xi32>)  : i32 {
        %add3A_634 = arith.constant 500 : i32
        %add3A_635 = arith.addi %add3A_634, %scan3A_613 : i32
        %broadcast_in_dim3A_636 = vector.broadcast %add3A_635 : i32 to vector<16xi32>
        %mul3A_637 = arith.constant 160 : i32
        %mul3A_638 = arith.muli %scan3A_613, %mul3A_637 : i32
        %add3A_639 = arith.constant 0 : i32
        %add3A_640 = arith.addi %mul3A_638, %add3A_639 : i32
        %get3A = arith.index_cast %add3A_640 : i32 to index
        %get3A_641 = tpu.vector_load %arg5[%get3A] {strides = array<i32>} : memref<20000xf32, #tpu.memory_space<vmem>>, vector<16xf32>,
        %get3A_642 = vector.shape_cast %get3A_641 : vector<16xf32> to vector<16xf32>
        %gt3A_643 = arith.cmpf ogt, %get3A_642, %scan3A_614 : vector<16xf32>
        %max3A = arith.maximumf %scan3A_614, %get3A_642 : vector<16xf32>
        %select_n3A_644 = arith.select %gt3A_643, %broadcast_in_dim3A_636, %scan3A_624 : vector<16xi1>, vector<16xi32>
        %add3A_645 = arith.constant 16 : i32
        %add3A_646 = arith.addi %mul3A_638, %add3A_645 : i32
        %get3A_647 = arith.index_cast %add3A_646 : i32 to index
        %get3A_648 = tpu.vector_load %arg5[%get3A_647] {strides = array<i32>} : memref<20000xf32, #tpu.memory_space<vmem>>, vector<16xf32>,
        %get3A_649 = vector.shape_cast %get3A_648 : vector<16xf32> to vector<16xf32>
        %gt3A_650 = arith.cmpf ogt, %get3A_649, %scan3A_615 : vector<16xf32>
        %max3A_651 = arith.maximumf %scan3A_615, %get3A_649 : vector<16xf32>
        %select_n3A_652 = arith.select %gt3A_650, %broadcast_in_dim3A_636, %scan3A_625 : vector<16xi1>, vector<16xi32>
        %add3A_653 = arith.constant 32 : i32
        %add3A_654 = arith.addi %mul3A_638, %add3A_653 : i32
        %get3A_655 = arith.index_cast %add3A_654 : i32 to index
        %get3A_656 = tpu.vector_load %arg5[%get3A_655] {strides = array<i32>} : memref<20000xf32, #tpu.memory_space<vmem>>, vector<16xf32>,
        %get3A_657 = vector.shape_cast %get3A_656 : vector<16xf32> to vector<16xf32>
        %gt3A_658 = arith.cmpf ogt, %get3A_657, %scan3A_616 : vector<16xf32>
        %max3A_659 = arith.maximumf %scan3A_616, %get3A_657 : vector<16xf32>
        %select_n3A_660 = arith.select %gt3A_658, %broadcast_in_dim3A_636, %scan3A_626 : vector<16xi1>, vector<16xi32>
        %add3A_661 = arith.constant 48 : i32
        %add3A_662 = arith.addi %mul3A_638, %add3A_661 : i32
        %get3A_663 = arith.index_cast %add3A_662 : i32 to index
        %get3A_664 = tpu.vector_load %arg5[%get3A_663] {strides = array<i32>} : memref<20000xf32, #tpu.memory_space<vmem>>, vector<16xf32>,
        %get3A_665 = vector.shape_cast %get3A_664 : vector<16xf32> to vector<16xf32>
        %gt3A_666 = arith.cmpf ogt, %get3A_665, %scan3A_617 : vector<16xf32>
        %max3A_667 = arith.maximumf %scan3A_617, %get3A_665 : vector<16xf32>
        %select_n3A_668 = arith.select %gt3A_666, %broadcast_in_dim3A_636, %scan3A_627 : vector<16xi1>, vector<16xi32>
        %add3A_669 = arith.constant 64 : i32
        %add3A_670 = arith.addi %mul3A_638, %add3A_669 : i32
        %get3A_671 = arith.index_cast %add3A_670 : i32 to index
        %get3A_672 = tpu.vector_load %arg5[%get3A_671] {strides = array<i32>} : memref<20000xf32, #tpu.memory_space<vmem>>, vector<16xf32>,
        %get3A_673 = vector.shape_cast %get3A_672 : vector<16xf32> to vector<16xf32>
        %gt3A_674 = arith.cmpf ogt, %get3A_673, %scan3A_618 : vector<16xf32>
        %max3A_675 = arith.maximumf %scan3A_618, %get3A_673 : vector<16xf32>
        %select_n3A_676 = arith.select %gt3A_674, %broadcast_in_dim3A_636, %scan3A_628 : vector<16xi1>, vector<16xi32>
        %add3A_677 = arith.constant 80 : i32
        %add3A_678 = arith.addi %mul3A_638, %add3A_677 : i32
        %get3A_679 = arith.index_cast %add3A_678 : i32 to index
        %get3A_680 = tpu.vector_load %arg5[%get3A_679] {strides = array<i32>} : memref<20000xf32, #tpu.memory_space<vmem>>, vector<16xf32>,
        %get3A_681 = vector.shape_cast %get3A_680 : vector<16xf32> to vector<16xf32>
        %gt3A_682 = arith.cmpf ogt, %get3A_681, %scan3A_619 : vector<16xf32>
        %max3A_683 = arith.maximumf %scan3A_619, %get3A_681 : vector<16xf32>
        %select_n3A_684 = arith.select %gt3A_682, %broadcast_in_dim3A_636, %scan3A_629 : vector<16xi1>, vector<16xi32>
        %add3A_685 = arith.constant 96 : i32
        %add3A_686 = arith.addi %mul3A_638, %add3A_685 : i32
        %get3A_687 = arith.index_cast %add3A_686 : i32 to index
        %get3A_688 = tpu.vector_load %arg5[%get3A_687] {strides = array<i32>} : memref<20000xf32, #tpu.memory_space<vmem>>, vector<16xf32>,
        %get3A_689 = vector.shape_cast %get3A_688 : vector<16xf32> to vector<16xf32>
        %gt3A_690 = arith.cmpf ogt, %get3A_689, %scan3A_620 : vector<16xf32>
        %max3A_691 = arith.maximumf %scan3A_620, %get3A_689 : vector<16xf32>
        %select_n3A_692 = arith.select %gt3A_690, %broadcast_in_dim3A_636, %scan3A_630 : vector<16xi1>, vector<16xi32>
        %add3A_693 = arith.constant 112 : i32
        %add3A_694 = arith.addi %mul3A_638, %add3A_693 : i32
        %get3A_695 = arith.index_cast %add3A_694 : i32 to index
        %get3A_696 = tpu.vector_load %arg5[%get3A_695] {strides = array<i32>} : memref<20000xf32, #tpu.memory_space<vmem>>, vector<16xf32>,
        %get3A_697 = vector.shape_cast %get3A_696 : vector<16xf32> to vector<16xf32>
        %gt3A_698 = arith.cmpf ogt, %get3A_697, %scan3A_621 : vector<16xf32>
        %max3A_699 = arith.maximumf %scan3A_621, %get3A_697 : vector<16xf32>
        %select_n3A_700 = arith.select %gt3A_698, %broadcast_in_dim3A_636, %scan3A_631 : vector<16xi1>, vector<16xi32>
        %add3A_701 = arith.constant 128 : i32
        %add3A_702 = arith.addi %mul3A_638, %add3A_701 : i32
        %get3A_703 = arith.index_cast %add3A_702 : i32 to index
        %get3A_704 = tpu.vector_load %arg5[%get3A_703] {strides = array<i32>} : memref<20000xf32, #tpu.memory_space<vmem>>, vector<16xf32>,
        %get3A_705 = vector.shape_cast %get3A_704 : vector<16xf32> to vector<16xf32>
        %gt3A_706 = arith.cmpf ogt, %get3A_705, %scan3A_622 : vector<16xf32>
        %max3A_707 = arith.maximumf %scan3A_622, %get3A_705 : vector<16xf32>
        %select_n3A_708 = arith.select %gt3A_706, %broadcast_in_dim3A_636, %scan3A_632 : vector<16xi1>, vector<16xi32>
        %add3A_709 = arith.constant 144 : i32
        %add3A_710 = arith.addi %mul3A_638, %add3A_709 : i32
        %get3A_711 = arith.index_cast %add3A_710 : i32 to index
        %get3A_712 = tpu.vector_load %arg5[%get3A_711] {strides = array<i32>} : memref<20000xf32, #tpu.memory_space<vmem>>, vector<16xf32>,
        %get3A_713 = vector.shape_cast %get3A_712 : vector<16xf32> to vector<16xf32>
        %gt3A_714 = arith.cmpf ogt, %get3A_713, %scan3A_623 : vector<16xf32>
        %max3A_715 = arith.maximumf %scan3A_623, %get3A_713 : vector<16xf32>
        %select_n3A_716 = arith.select %gt3A_714, %broadcast_in_dim3A_636, %scan3A_633 : vector<16xi1>, vector<16xi32>
        scf.yield %max3A, %max3A_651, %max3A_659, %max3A_667, %max3A_675, %max3A_683, %max3A_691, %max3A_699, %max3A_707, %max3A_715, %select_n3A_644, %select_n3A_652, %select_n3A_660, %select_n3A_668, %select_n3A_676, %select_n3A_684, %select_n3A_692, %select_n3A_700, %select_n3A_708, %select_n3A_716 : vector<16xf32>, vector<16xf32>, vector<16xf32>, vector<16xf32>, vector<16xf32>, vector<16xf32>, vector<16xf32>, vector<16xf32>, vector<16xf32>, vector<16xf32>, vector<16xi32>, vector<16xi32>, vector<16xi32>, vector<16xi32>, vector<16xi32>, vector<16xi32>, vector<16xi32>, vector<16xi32>, vector<16xi32>, vector<16xi32>
      }
      %scan3A_177 = arith.constant 125 : i32
      %mul3A_178 = arith.constant 160 : i32
      %mul3A_179 = vector.broadcast %mul3A_178 : i32 to vector<16xi32>
      %mul3A_180 = arith.muli %scan3A_176#10, %mul3A_179 : vector<16xi32>
      %add3A_181 = arith.addi %mul3A_180, %iota3A : vector<16xi32>
      %mul3A_182 = arith.constant 160 : i32
      %mul3A_183 = vector.broadcast %mul3A_182 : i32 to vector<16xi32>
      %mul3A_184 = arith.muli %scan3A_176#11, %mul3A_183 : vector<16xi32>
      %add3A_185 = arith.constant 16 : i32
      %add3A_186 = vector.broadcast %add3A_185 : i32 to vector<16xi32>
      %add3A_187 = arith.addi %mul3A_184, %add3A_186 : vector<16xi32>
      %add3A_188 = arith.addi %add3A_187, %iota3A : vector<16xi32>
      %gt3A = arith.cmpf ogt, %scan3A_176#1, %scan3A_176#0 : vector<16xf32>
      %eq3A = arith.cmpf oeq, %scan3A_176#1, %scan3A_176#0 : vector<16xf32>
      %lt3A = arith.cmpi slt, %add3A_188, %add3A_181 : vector<16xi32>
      %and3A = arith.andi %eq3A, %lt3A : vector<16xi1>
      %or3A = arith.ori %gt3A, %and3A : vector<16xi1>
      %select_n3A = arith.select %or3A, %scan3A_176#1, %scan3A_176#0 : vector<16xi1>, vector<16xf32>
      %select_n3A_189 = arith.select %or3A, %add3A_188, %add3A_181 : vector<16xi1>, vector<16xi32>
      %mul3A_190 = arith.constant 160 : i32
      %mul3A_191 = vector.broadcast %mul3A_190 : i32 to vector<16xi32>
      %mul3A_192 = arith.muli %scan3A_176#12, %mul3A_191 : vector<16xi32>
      %add3A_193 = arith.constant 32 : i32
      %add3A_194 = vector.broadcast %add3A_193 : i32 to vector<16xi32>
      %add3A_195 = arith.addi %mul3A_192, %add3A_194 : vector<16xi32>
      %add3A_196 = arith.addi %add3A_195, %iota3A : vector<16xi32>
      %gt3A_197 = arith.cmpf ogt, %scan3A_176#2, %select_n3A : vector<16xf32>
      %eq3A_198 = arith.cmpf oeq, %scan3A_176#2, %select_n3A : vector<16xf32>
      %lt3A_199 = arith.cmpi slt, %add3A_196, %select_n3A_189 : vector<16xi32>
      %and3A_200 = arith.andi %eq3A_198, %lt3A_199 : vector<16xi1>
      %or3A_201 = arith.ori %gt3A_197, %and3A_200 : vector<16xi1>
      %select_n3A_202 = arith.select %or3A_201, %scan3A_176#2, %select_n3A : vector<16xi1>, vector<16xf32>
      %select_n3A_203 = arith.select %or3A_201, %add3A_196, %select_n3A_189 : vector<16xi1>, vector<16xi32>
      %mul3A_204 = arith.constant 160 : i32
      %mul3A_205 = vector.broadcast %mul3A_204 : i32 to vector<16xi32>
      %mul3A_206 = arith.muli %scan3A_176#13, %mul3A_205 : vector<16xi32>
      %add3A_207 = arith.constant 48 : i32
      %add3A_208 = vector.broadcast %add3A_207 : i32 to vector<16xi32>
      %add3A_209 = arith.addi %mul3A_206, %add3A_208 : vector<16xi32>
      %add3A_210 = arith.addi %add3A_209, %iota3A : vector<16xi32>
      %gt3A_211 = arith.cmpf ogt, %scan3A_176#3, %select_n3A_202 : vector<16xf32>
      %eq3A_212 = arith.cmpf oeq, %scan3A_176#3, %select_n3A_202 : vector<16xf32>
      %lt3A_213 = arith.cmpi slt, %add3A_210, %select_n3A_203 : vector<16xi32>
      %and3A_214 = arith.andi %eq3A_212, %lt3A_213 : vector<16xi1>
      %or3A_215 = arith.ori %gt3A_211, %and3A_214 : vector<16xi1>
      %select_n3A_216 = arith.select %or3A_215, %scan3A_176#3, %select_n3A_202 : vector<16xi1>, vector<16xf32>
      %select_n3A_217 = arith.select %or3A_215, %add3A_210, %select_n3A_203 : vector<16xi1>, vector<16xi32>
      %mul3A_218 = arith.constant 160 : i32
      %mul3A_219 = vector.broadcast %mul3A_218 : i32 to vector<16xi32>
      %mul3A_220 = arith.muli %scan3A_176#14, %mul3A_219 : vector<16xi32>
      %add3A_221 = arith.constant 64 : i32
      %add3A_222 = vector.broadcast %add3A_221 : i32 to vector<16xi32>
      %add3A_223 = arith.addi %mul3A_220, %add3A_222 : vector<16xi32>
      %add3A_224 = arith.addi %add3A_223, %iota3A : vector<16xi32>
      %gt3A_225 = arith.cmpf ogt, %scan3A_176#4, %select_n3A_216 : vector<16xf32>
      %eq3A_226 = arith.cmpf oeq, %scan3A_176#4, %select_n3A_216 : vector<16xf32>
      %lt3A_227 = arith.cmpi slt, %add3A_224, %select_n3A_217 : vector<16xi32>
      %and3A_228 = arith.andi %eq3A_226, %lt3A_227 : vector<16xi1>
      %or3A_229 = arith.ori %gt3A_225, %and3A_228 : vector<16xi1>
      %select_n3A_230 = arith.select %or3A_229, %scan3A_176#4, %select_n3A_216 : vector<16xi1>, vector<16xf32>
      %select_n3A_231 = arith.select %or3A_229, %add3A_224, %select_n3A_217 : vector<16xi1>, vector<16xi32>
      %mul3A_232 = arith.constant 160 : i32
      %mul3A_233 = vector.broadcast %mul3A_232 : i32 to vector<16xi32>
      %mul3A_234 = arith.muli %scan3A_176#15, %mul3A_233 : vector<16xi32>
      %add3A_235 = arith.constant 80 : i32
      %add3A_236 = vector.broadcast %add3A_235 : i32 to vector<16xi32>
      %add3A_237 = arith.addi %mul3A_234, %add3A_236 : vector<16xi32>
      %add3A_238 = arith.addi %add3A_237, %iota3A : vector<16xi32>
      %gt3A_239 = arith.cmpf ogt, %scan3A_176#5, %select_n3A_230 : vector<16xf32>
      %eq3A_240 = arith.cmpf oeq, %scan3A_176#5, %select_n3A_230 : vector<16xf32>
      %lt3A_241 = arith.cmpi slt, %add3A_238, %select_n3A_231 : vector<16xi32>
      %and3A_242 = arith.andi %eq3A_240, %lt3A_241 : vector<16xi1>
      %or3A_243 = arith.ori %gt3A_239, %and3A_242 : vector<16xi1>
      %select_n3A_244 = arith.select %or3A_243, %scan3A_176#5, %select_n3A_230 : vector<16xi1>, vector<16xf32>
      %select_n3A_245 = arith.select %or3A_243, %add3A_238, %select_n3A_231 : vector<16xi1>, vector<16xi32>
      %mul3A_246 = arith.constant 160 : i32
      %mul3A_247 = vector.broadcast %mul3A_246 : i32 to vector<16xi32>
      %mul3A_248 = arith.muli %scan3A_176#16, %mul3A_247 : vector<16xi32>
      %add3A_249 = arith.constant 96 : i32
      %add3A_250 = vector.broadcast %add3A_249 : i32 to vector<16xi32>
      %add3A_251 = arith.addi %mul3A_248, %add3A_250 : vector<16xi32>
      %add3A_252 = arith.addi %add3A_251, %iota3A : vector<16xi32>
      %gt3A_253 = arith.cmpf ogt, %scan3A_176#6, %select_n3A_244 : vector<16xf32>
      %eq3A_254 = arith.cmpf oeq, %scan3A_176#6, %select_n3A_244 : vector<16xf32>
      %lt3A_255 = arith.cmpi slt, %add3A_252, %select_n3A_245 : vector<16xi32>
      %and3A_256 = arith.andi %eq3A_254, %lt3A_255 : vector<16xi1>
      %or3A_257 = arith.ori %gt3A_253, %and3A_256 : vector<16xi1>
      %select_n3A_258 = arith.select %or3A_257, %scan3A_176#6, %select_n3A_244 : vector<16xi1>, vector<16xf32>
      %select_n3A_259 = arith.select %or3A_257, %add3A_252, %select_n3A_245 : vector<16xi1>, vector<16xi32>
      %mul3A_260 = arith.constant 160 : i32
      %mul3A_261 = vector.broadcast %mul3A_260 : i32 to vector<16xi32>
      %mul3A_262 = arith.muli %scan3A_176#17, %mul3A_261 : vector<16xi32>
      %add3A_263 = arith.constant 112 : i32
      %add3A_264 = vector.broadcast %add3A_263 : i32 to vector<16xi32>
      %add3A_265 = arith.addi %mul3A_262, %add3A_264 : vector<16xi32>
      %add3A_266 = arith.addi %add3A_265, %iota3A : vector<16xi32>
      %gt3A_267 = arith.cmpf ogt, %scan3A_176#7, %select_n3A_258 : vector<16xf32>
      %eq3A_268 = arith.cmpf oeq, %scan3A_176#7, %select_n3A_258 : vector<16xf32>
      %lt3A_269 = arith.cmpi slt, %add3A_266, %select_n3A_259 : vector<16xi32>
      %and3A_270 = arith.andi %eq3A_268, %lt3A_269 : vector<16xi1>
      %or3A_271 = arith.ori %gt3A_267, %and3A_270 : vector<16xi1>
      %select_n3A_272 = arith.select %or3A_271, %scan3A_176#7, %select_n3A_258 : vector<16xi1>, vector<16xf32>
      %select_n3A_273 = arith.select %or3A_271, %add3A_266, %select_n3A_259 : vector<16xi1>, vector<16xi32>
      %mul3A_274 = arith.constant 160 : i32
      %mul3A_275 = vector.broadcast %mul3A_274 : i32 to vector<16xi32>
      %mul3A_276 = arith.muli %scan3A_176#18, %mul3A_275 : vector<16xi32>
      %add3A_277 = arith.constant 128 : i32
      %add3A_278 = vector.broadcast %add3A_277 : i32 to vector<16xi32>
      %add3A_279 = arith.addi %mul3A_276, %add3A_278 : vector<16xi32>
      %add3A_280 = arith.addi %add3A_279, %iota3A : vector<16xi32>
      %gt3A_281 = arith.cmpf ogt, %scan3A_176#8, %select_n3A_272 : vector<16xf32>
      %eq3A_282 = arith.cmpf oeq, %scan3A_176#8, %select_n3A_272 : vector<16xf32>
      %lt3A_283 = arith.cmpi slt, %add3A_280, %select_n3A_273 : vector<16xi32>
      %and3A_284 = arith.andi %eq3A_282, %lt3A_283 : vector<16xi1>
      %or3A_285 = arith.ori %gt3A_281, %and3A_284 : vector<16xi1>
      %select_n3A_286 = arith.select %or3A_285, %scan3A_176#8, %select_n3A_272 : vector<16xi1>, vector<16xf32>
      %select_n3A_287 = arith.select %or3A_285, %add3A_280, %select_n3A_273 : vector<16xi1>, vector<16xi32>
      %mul3A_288 = arith.constant 160 : i32
      %mul3A_289 = vector.broadcast %mul3A_288 : i32 to vector<16xi32>
      %mul3A_290 = arith.muli %scan3A_176#19, %mul3A_289 : vector<16xi32>
      %add3A_291 = arith.constant 144 : i32
      %add3A_292 = vector.broadcast %add3A_291 : i32 to vector<16xi32>
      %add3A_293 = arith.addi %mul3A_290, %add3A_292 : vector<16xi32>
      %add3A_294 = arith.addi %add3A_293, %iota3A : vector<16xi32>
      %gt3A_295 = arith.cmpf ogt, %scan3A_176#9, %select_n3A_286 : vector<16xf32>
      %eq3A_296 = arith.cmpf oeq, %scan3A_176#9, %select_n3A_286 : vector<16xf32>
      %lt3A_297 = arith.cmpi slt, %add3A_294, %select_n3A_287 : vector<16xi32>
      %and3A_298 = arith.andi %eq3A_296, %lt3A_297 : vector<16xi1>
      %or3A_299 = arith.ori %gt3A_295, %and3A_298 : vector<16xi1>
      %select_n3A_300 = arith.select %or3A_299, %scan3A_176#9, %select_n3A_286 : vector<16xi1>, vector<16xf32>
      %select_n3A_301 = arith.select %or3A_299, %add3A_294, %select_n3A_287 : vector<16xi1>, vector<16xi32>
      %sub3A_302 = arith.subi %add3A_157, %mul3A_2 : i32
      %mul3A_303 = arith.constant 16 : i32
      %mul3A_304 = arith.muli %sub3A_302, %mul3A_303 : i32
      %swap3A = arith.index_cast %mul3A_304 : i32 to index
      %swap3A_305 = tpu.vector_load %arg7[%swap3A] {strides = array<i32>} : memref<512xf32, #tpu.memory_space<vmem>>, vector<16xf32>,
      %swap3A_306 = vector.shape_cast %swap3A_305 : vector<16xf32> to vector<16xf32>
      %swap3A_307 = vector.shape_cast %select_n3A_300 : vector<16xf32> to vector<16xf32>
      tpu.vector_store %arg7[%swap3A], %swap3A_307 {strides = array<i32>} : memref<512xf32, #tpu.memory_space<vmem>>, vector<16xf32>,
      %sub3A_308 = arith.subi %add3A_157, %mul3A_2 : i32
      %mul3A_309 = arith.constant 16 : i32
      %mul3A_310 = arith.muli %sub3A_308, %mul3A_309 : i32
      %swap3A_311 = arith.index_cast %mul3A_310 : i32 to index
      %swap3A_312 = tpu.vector_load %arg8[%swap3A_311] {strides = array<i32>} : memref<512xi32, #tpu.memory_space<vmem>>, vector<16xi32>,
      %swap3A_313 = vector.shape_cast %swap3A_312 : vector<16xi32> to vector<16xi32>
      %swap3A_314 = vector.shape_cast %select_n3A_301 : vector<16xi32> to vector<16xi32>
      tpu.vector_store %arg8[%swap3A_311], %swap3A_314 {strides = array<i32>} : memref<512xi32, #tpu.memory_space<vmem>>, vector<16xi32>,
      %add3A_315 = arith.constant 1 : i32
      %add3A_316 = arith.addi %add3A_28, %add3A_315 : i32
      %add3A_317 = arith.constant 1 : i32
      %add3A_318 = arith.addi %add3A_28, %add3A_317 : i32
      %mul3A_319 = arith.constant 100000 : i32
      %mul3A_320 = arith.muli %add3A_318, %mul3A_319 : i32
      %add3A_321 = arith.constant 20000 : i32
      %add3A_322 = arith.addi %mul3A_320, %add3A_321 : i32
      %dma_start3A_323 = tpu.memref_slice %arg2[%add3A_322] : memref<102400000xf32, #tpu.memory_space<hbm>> -> memref<20000xf32, #tpu.memory_space<hbm>>
      %dma_start3A_324 = tpu.memref_slice %arg2[%add3A_322] : memref<102400000xf32, #tpu.memory_space<hbm>> -> memref<20000xf32, #tpu.memory_space<hbm>>
      tpu.enqueue_dma source(%dma_start3A_324 : memref<20000xf32, #tpu.memory_space<hbm>>) target(%arg5 : memref<20000xf32, #tpu.memory_space<vmem>>) target_semaphore(%arg9 : memref<!tpu.dma_semaphore, #tpu.memory_space<semaphore_mem>>)
      %mul3A_325 = arith.constant 100000 : i32
      %mul3A_326 = arith.muli %add3A_316, %mul3A_325 : i32
      %add3A_327 = arith.constant 0 : i32
      %add3A_328 = arith.addi %mul3A_326, %add3A_327 : i32
      %dma_wait3A_329 = tpu.memref_slice %arg2[%add3A_328] : memref<102400000xf32, #tpu.memory_space<hbm>> -> memref<20000xf32, #tpu.memory_space<hbm>>
      %dma_wait3A_330 = tpu.memref_slice %arg2[%add3A_328] : memref<102400000xf32, #tpu.memory_space<hbm>> -> memref<20000xf32, #tpu.memory_space<hbm>>
      tpu.wait_dma2 semaphore(%arg10 : memref<!tpu.dma_semaphore, #tpu.memory_space<semaphore_mem>>) src(%dma_wait3A_330 : memref<20000xf32, #tpu.memory_space<hbm>>) dst(%arg6 : memref<20000xf32, #tpu.memory_space<vmem>>)
      %broadcast_in_dim3A_331 = arith.constant -3.400000e+38 : f32
      %broadcast_in_dim3A_332 = vector.broadcast %broadcast_in_dim3A_331 : f32 to vector<16xf32>
      %broadcast_in_dim3A_333 = arith.constant -3.400000e+38 : f32
      %broadcast_in_dim3A_334 = vector.broadcast %broadcast_in_dim3A_333 : f32 to vector<16xf32>
      %broadcast_in_dim3A_335 = arith.constant -3.400000e+38 : f32
      %broadcast_in_dim3A_336 = vector.broadcast %broadcast_in_dim3A_335 : f32 to vector<16xf32>
      %broadcast_in_dim3A_337 = arith.constant -3.400000e+38 : f32
      %broadcast_in_dim3A_338 = vector.broadcast %broadcast_in_dim3A_337 : f32 to vector<16xf32>
      %broadcast_in_dim3A_339 = arith.constant -3.400000e+38 : f32
      %broadcast_in_dim3A_340 = vector.broadcast %broadcast_in_dim3A_339 : f32 to vector<16xf32>
      %broadcast_in_dim3A_341 = arith.constant -3.400000e+38 : f32
      %broadcast_in_dim3A_342 = vector.broadcast %broadcast_in_dim3A_341 : f32 to vector<16xf32>
      %broadcast_in_dim3A_343 = arith.constant -3.400000e+38 : f32
      %broadcast_in_dim3A_344 = vector.broadcast %broadcast_in_dim3A_343 : f32 to vector<16xf32>
      %broadcast_in_dim3A_345 = arith.constant -3.400000e+38 : f32
      %broadcast_in_dim3A_346 = vector.broadcast %broadcast_in_dim3A_345 : f32 to vector<16xf32>
      %broadcast_in_dim3A_347 = arith.constant -3.400000e+38 : f32
      %broadcast_in_dim3A_348 = vector.broadcast %broadcast_in_dim3A_347 : f32 to vector<16xf32>
      %broadcast_in_dim3A_349 = arith.constant -3.400000e+38 : f32
      %broadcast_in_dim3A_350 = vector.broadcast %broadcast_in_dim3A_349 : f32 to vector<16xf32>
      %broadcast_in_dim3A_351 = arith.constant 0 : i32
      %broadcast_in_dim3A_352 = vector.broadcast %broadcast_in_dim3A_351 : i32 to vector<16xi32>
      %broadcast_in_dim3A_353 = arith.constant 0 : i32
      %broadcast_in_dim3A_354 = vector.broadcast %broadcast_in_dim3A_353 : i32 to vector<16xi32>
      %broadcast_in_dim3A_355 = arith.constant 0 : i32
      %broadcast_in_dim3A_356 = vector.broadcast %broadcast_in_dim3A_355 : i32 to vector<16xi32>
      %broadcast_in_dim3A_357 = arith.constant 0 : i32
      %broadcast_in_dim3A_358 = vector.broadcast %broadcast_in_dim3A_357 : i32 to vector<16xi32>
      %broadcast_in_dim3A_359 = arith.constant 0 : i32
      %broadcast_in_dim3A_360 = vector.broadcast %broadcast_in_dim3A_359 : i32 to vector<16xi32>
      %broadcast_in_dim3A_361 = arith.constant 0 : i32
      %broadcast_in_dim3A_362 = vector.broadcast %broadcast_in_dim3A_361 : i32 to vector<16xi32>
      %broadcast_in_dim3A_363 = arith.constant 0 : i32
      %broadcast_in_dim3A_364 = vector.broadcast %broadcast_in_dim3A_363 : i32 to vector<16xi32>
      %broadcast_in_dim3A_365 = arith.constant 0 : i32
      %broadcast_in_dim3A_366 = vector.broadcast %broadcast_in_dim3A_365 : i32 to vector<16xi32>
      %broadcast_in_dim3A_367 = arith.constant 0 : i32
      %broadcast_in_dim3A_368 = vector.broadcast %broadcast_in_dim3A_367 : i32 to vector<16xi32>
      %broadcast_in_dim3A_369 = arith.constant 0 : i32
      %broadcast_in_dim3A_370 = vector.broadcast %broadcast_in_dim3A_369 : i32 to vector<16xi32>
      %scan3A_371 = arith.constant 0 : i32
      %scan3A_372 = arith.constant 125 : i32
      %scan3A_373 = arith.addi %scan3A_371, %scan3A_372 : i32
      %scan3A_374 = arith.constant 1 : i32
      %scan3A_375:20 = scf.for %scan3A_613 = %scan3A_371 to %scan3A_373 step %scan3A_374 iter_args(%scan3A_614 = %broadcast_in_dim3A_332, %scan3A_615 = %broadcast_in_dim3A_334, %scan3A_616 = %broadcast_in_dim3A_336, %scan3A_617 = %broadcast_in_dim3A_338, %scan3A_618 = %broadcast_in_dim3A_340, %scan3A_619 = %broadcast_in_dim3A_342, %scan3A_620 = %broadcast_in_dim3A_344, %scan3A_621 = %broadcast_in_dim3A_346, %scan3A_622 = %broadcast_in_dim3A_348, %scan3A_623 = %broadcast_in_dim3A_350, %scan3A_624 = %broadcast_in_dim3A_352, %scan3A_625 = %broadcast_in_dim3A_354, %scan3A_626 = %broadcast_in_dim3A_356, %scan3A_627 = %broadcast_in_dim3A_358, %scan3A_628 = %broadcast_in_dim3A_360, %scan3A_629 = %broadcast_in_dim3A_362, %scan3A_630 = %broadcast_in_dim3A_364, %scan3A_631 = %broadcast_in_dim3A_366, %scan3A_632 = %broadcast_in_dim3A_368, %scan3A_633 = %broadcast_in_dim3A_370) -> (vector<16xf32>, vector<16xf32>, vector<16xf32>, vector<16xf32>, vector<16xf32>, vector<16xf32>, vector<16xf32>, vector<16xf32>, vector<16xf32>, vector<16xf32>, vector<16xi32>, vector<16xi32>, vector<16xi32>, vector<16xi32>, vector<16xi32>, vector<16xi32>, vector<16xi32>, vector<16xi32>, vector<16xi32>, vector<16xi32>)  : i32 {
        %add3A_634 = arith.constant 0 : i32
        %add3A_635 = arith.addi %add3A_634, %scan3A_613 : i32
        %broadcast_in_dim3A_636 = vector.broadcast %add3A_635 : i32 to vector<16xi32>
        %mul3A_637 = arith.constant 160 : i32
        %mul3A_638 = arith.muli %scan3A_613, %mul3A_637 : i32
        %add3A_639 = arith.constant 0 : i32
        %add3A_640 = arith.addi %mul3A_638, %add3A_639 : i32
        %get3A = arith.index_cast %add3A_640 : i32 to index
        %get3A_641 = tpu.vector_load %arg6[%get3A] {strides = array<i32>} : memref<20000xf32, #tpu.memory_space<vmem>>, vector<16xf32>,
        %get3A_642 = vector.shape_cast %get3A_641 : vector<16xf32> to vector<16xf32>
        %gt3A_643 = arith.cmpf ogt, %get3A_642, %scan3A_614 : vector<16xf32>
        %max3A = arith.maximumf %scan3A_614, %get3A_642 : vector<16xf32>
        %select_n3A_644 = arith.select %gt3A_643, %broadcast_in_dim3A_636, %scan3A_624 : vector<16xi1>, vector<16xi32>
        %add3A_645 = arith.constant 16 : i32
        %add3A_646 = arith.addi %mul3A_638, %add3A_645 : i32
        %get3A_647 = arith.index_cast %add3A_646 : i32 to index
        %get3A_648 = tpu.vector_load %arg6[%get3A_647] {strides = array<i32>} : memref<20000xf32, #tpu.memory_space<vmem>>, vector<16xf32>,
        %get3A_649 = vector.shape_cast %get3A_648 : vector<16xf32> to vector<16xf32>
        %gt3A_650 = arith.cmpf ogt, %get3A_649, %scan3A_615 : vector<16xf32>
        %max3A_651 = arith.maximumf %scan3A_615, %get3A_649 : vector<16xf32>
        %select_n3A_652 = arith.select %gt3A_650, %broadcast_in_dim3A_636, %scan3A_625 : vector<16xi1>, vector<16xi32>
        %add3A_653 = arith.constant 32 : i32
        %add3A_654 = arith.addi %mul3A_638, %add3A_653 : i32
        %get3A_655 = arith.index_cast %add3A_654 : i32 to index
        %get3A_656 = tpu.vector_load %arg6[%get3A_655] {strides = array<i32>} : memref<20000xf32, #tpu.memory_space<vmem>>, vector<16xf32>,
        %get3A_657 = vector.shape_cast %get3A_656 : vector<16xf32> to vector<16xf32>
        %gt3A_658 = arith.cmpf ogt, %get3A_657, %scan3A_616 : vector<16xf32>
        %max3A_659 = arith.maximumf %scan3A_616, %get3A_657 : vector<16xf32>
        %select_n3A_660 = arith.select %gt3A_658, %broadcast_in_dim3A_636, %scan3A_626 : vector<16xi1>, vector<16xi32>
        %add3A_661 = arith.constant 48 : i32
        %add3A_662 = arith.addi %mul3A_638, %add3A_661 : i32
        %get3A_663 = arith.index_cast %add3A_662 : i32 to index
        %get3A_664 = tpu.vector_load %arg6[%get3A_663] {strides = array<i32>} : memref<20000xf32, #tpu.memory_space<vmem>>, vector<16xf32>,
        %get3A_665 = vector.shape_cast %get3A_664 : vector<16xf32> to vector<16xf32>
        %gt3A_666 = arith.cmpf ogt, %get3A_665, %scan3A_617 : vector<16xf32>
        %max3A_667 = arith.maximumf %scan3A_617, %get3A_665 : vector<16xf32>
        %select_n3A_668 = arith.select %gt3A_666, %broadcast_in_dim3A_636, %scan3A_627 : vector<16xi1>, vector<16xi32>
        %add3A_669 = arith.constant 64 : i32
        %add3A_670 = arith.addi %mul3A_638, %add3A_669 : i32
        %get3A_671 = arith.index_cast %add3A_670 : i32 to index
        %get3A_672 = tpu.vector_load %arg6[%get3A_671] {strides = array<i32>} : memref<20000xf32, #tpu.memory_space<vmem>>, vector<16xf32>,
        %get3A_673 = vector.shape_cast %get3A_672 : vector<16xf32> to vector<16xf32>
        %gt3A_674 = arith.cmpf ogt, %get3A_673, %scan3A_618 : vector<16xf32>
        %max3A_675 = arith.maximumf %scan3A_618, %get3A_673 : vector<16xf32>
        %select_n3A_676 = arith.select %gt3A_674, %broadcast_in_dim3A_636, %scan3A_628 : vector<16xi1>, vector<16xi32>
        %add3A_677 = arith.constant 80 : i32
        %add3A_678 = arith.addi %mul3A_638, %add3A_677 : i32
        %get3A_679 = arith.index_cast %add3A_678 : i32 to index
        %get3A_680 = tpu.vector_load %arg6[%get3A_679] {strides = array<i32>} : memref<20000xf32, #tpu.memory_space<vmem>>, vector<16xf32>,
        %get3A_681 = vector.shape_cast %get3A_680 : vector<16xf32> to vector<16xf32>
        %gt3A_682 = arith.cmpf ogt, %get3A_681, %scan3A_619 : vector<16xf32>
        %max3A_683 = arith.maximumf %scan3A_619, %get3A_681 : vector<16xf32>
        %select_n3A_684 = arith.select %gt3A_682, %broadcast_in_dim3A_636, %scan3A_629 : vector<16xi1>, vector<16xi32>
        %add3A_685 = arith.constant 96 : i32
        %add3A_686 = arith.addi %mul3A_638, %add3A_685 : i32
        %get3A_687 = arith.index_cast %add3A_686 : i32 to index
        %get3A_688 = tpu.vector_load %arg6[%get3A_687] {strides = array<i32>} : memref<20000xf32, #tpu.memory_space<vmem>>, vector<16xf32>,
        %get3A_689 = vector.shape_cast %get3A_688 : vector<16xf32> to vector<16xf32>
        %gt3A_690 = arith.cmpf ogt, %get3A_689, %scan3A_620 : vector<16xf32>
        %max3A_691 = arith.maximumf %scan3A_620, %get3A_689 : vector<16xf32>
        %select_n3A_692 = arith.select %gt3A_690, %broadcast_in_dim3A_636, %scan3A_630 : vector<16xi1>, vector<16xi32>
        %add3A_693 = arith.constant 112 : i32
        %add3A_694 = arith.addi %mul3A_638, %add3A_693 : i32
        %get3A_695 = arith.index_cast %add3A_694 : i32 to index
        %get3A_696 = tpu.vector_load %arg6[%get3A_695] {strides = array<i32>} : memref<20000xf32, #tpu.memory_space<vmem>>, vector<16xf32>,
        %get3A_697 = vector.shape_cast %get3A_696 : vector<16xf32> to vector<16xf32>
        %gt3A_698 = arith.cmpf ogt, %get3A_697, %scan3A_621 : vector<16xf32>
        %max3A_699 = arith.maximumf %scan3A_621, %get3A_697 : vector<16xf32>
        %select_n3A_700 = arith.select %gt3A_698, %broadcast_in_dim3A_636, %scan3A_631 : vector<16xi1>, vector<16xi32>
        %add3A_701 = arith.constant 128 : i32
        %add3A_702 = arith.addi %mul3A_638, %add3A_701 : i32
        %get3A_703 = arith.index_cast %add3A_702 : i32 to index
        %get3A_704 = tpu.vector_load %arg6[%get3A_703] {strides = array<i32>} : memref<20000xf32, #tpu.memory_space<vmem>>, vector<16xf32>,
        %get3A_705 = vector.shape_cast %get3A_704 : vector<16xf32> to vector<16xf32>
        %gt3A_706 = arith.cmpf ogt, %get3A_705, %scan3A_622 : vector<16xf32>
        %max3A_707 = arith.maximumf %scan3A_622, %get3A_705 : vector<16xf32>
        %select_n3A_708 = arith.select %gt3A_706, %broadcast_in_dim3A_636, %scan3A_632 : vector<16xi1>, vector<16xi32>
        %add3A_709 = arith.constant 144 : i32
        %add3A_710 = arith.addi %mul3A_638, %add3A_709 : i32
        %get3A_711 = arith.index_cast %add3A_710 : i32 to index
        %get3A_712 = tpu.vector_load %arg6[%get3A_711] {strides = array<i32>} : memref<20000xf32, #tpu.memory_space<vmem>>, vector<16xf32>,
        %get3A_713 = vector.shape_cast %get3A_712 : vector<16xf32> to vector<16xf32>
        %gt3A_714 = arith.cmpf ogt, %get3A_713, %scan3A_623 : vector<16xf32>
        %max3A_715 = arith.maximumf %scan3A_623, %get3A_713 : vector<16xf32>
        %select_n3A_716 = arith.select %gt3A_714, %broadcast_in_dim3A_636, %scan3A_633 : vector<16xi1>, vector<16xi32>
        scf.yield %max3A, %max3A_651, %max3A_659, %max3A_667, %max3A_675, %max3A_683, %max3A_691, %max3A_699, %max3A_707, %max3A_715, %select_n3A_644, %select_n3A_652, %select_n3A_660, %select_n3A_668, %select_n3A_676, %select_n3A_684, %select_n3A_692, %select_n3A_700, %select_n3A_708, %select_n3A_716 : vector<16xf32>, vector<16xf32>, vector<16xf32>, vector<16xf32>, vector<16xf32>, vector<16xf32>, vector<16xf32>, vector<16xf32>, vector<16xf32>, vector<16xf32>, vector<16xi32>, vector<16xi32>, vector<16xi32>, vector<16xi32>, vector<16xi32>, vector<16xi32>, vector<16xi32>, vector<16xi32>, vector<16xi32>, vector<16xi32>
      }
      %scan3A_376 = arith.constant 125 : i32
      %add3A_377 = arith.constant 1 : i32
      %add3A_378 = arith.addi %add3A_28, %add3A_377 : i32
      %add3A_379 = arith.constant 1 : i32
      %add3A_380 = arith.addi %add3A_28, %add3A_379 : i32
      %mul3A_381 = arith.constant 100000 : i32
      %mul3A_382 = arith.muli %add3A_380, %mul3A_381 : i32
      %add3A_383 = arith.constant 40000 : i32
      %add3A_384 = arith.addi %mul3A_382, %add3A_383 : i32
      %dma_start3A_385 = tpu.memref_slice %arg2[%add3A_384] : memref<102400000xf32, #tpu.memory_space<hbm>> -> memref<20000xf32, #tpu.memory_space<hbm>>
      %dma_start3A_386 = tpu.memref_slice %arg2[%add3A_384] : memref<102400000xf32, #tpu.memory_space<hbm>> -> memref<20000xf32, #tpu.memory_space<hbm>>
      tpu.enqueue_dma source(%dma_start3A_386 : memref<20000xf32, #tpu.memory_space<hbm>>) target(%arg6 : memref<20000xf32, #tpu.memory_space<vmem>>) target_semaphore(%arg10 : memref<!tpu.dma_semaphore, #tpu.memory_space<semaphore_mem>>)
      %mul3A_387 = arith.constant 100000 : i32
      %mul3A_388 = arith.muli %add3A_378, %mul3A_387 : i32
      %add3A_389 = arith.constant 20000 : i32
      %add3A_390 = arith.addi %mul3A_388, %add3A_389 : i32
      %dma_wait3A_391 = tpu.memref_slice %arg2[%add3A_390] : memref<102400000xf32, #tpu.memory_space<hbm>> -> memref<20000xf32, #tpu.memory_space<hbm>>
      %dma_wait3A_392 = tpu.memref_slice %arg2[%add3A_390] : memref<102400000xf32, #tpu.memory_space<hbm>> -> memref<20000xf32, #tpu.memory_space<hbm>>
      tpu.wait_dma2 semaphore(%arg9 : memref<!tpu.dma_semaphore, #tpu.memory_space<semaphore_mem>>) src(%dma_wait3A_392 : memref<20000xf32, #tpu.memory_space<hbm>>) dst(%arg5 : memref<20000xf32, #tpu.memory_space<vmem>>)
      %scan3A_393 = arith.constant 0 : i32
      %scan3A_394 = arith.constant 125 : i32
      %scan3A_395 = arith.addi %scan3A_393, %scan3A_394 : i32
      %scan3A_396 = arith.constant 1 : i32
      %scan3A_397:20 = scf.for %scan3A_613 = %scan3A_393 to %scan3A_395 step %scan3A_396 iter_args(%scan3A_614 = %scan3A_375#0, %scan3A_615 = %scan3A_375#1, %scan3A_616 = %scan3A_375#2, %scan3A_617 = %scan3A_375#3, %scan3A_618 = %scan3A_375#4, %scan3A_619 = %scan3A_375#5, %scan3A_620 = %scan3A_375#6, %scan3A_621 = %scan3A_375#7, %scan3A_622 = %scan3A_375#8, %scan3A_623 = %scan3A_375#9, %scan3A_624 = %scan3A_375#10, %scan3A_625 = %scan3A_375#11, %scan3A_626 = %scan3A_375#12, %scan3A_627 = %scan3A_375#13, %scan3A_628 = %scan3A_375#14, %scan3A_629 = %scan3A_375#15, %scan3A_630 = %scan3A_375#16, %scan3A_631 = %scan3A_375#17, %scan3A_632 = %scan3A_375#18, %scan3A_633 = %scan3A_375#19) -> (vector<16xf32>, vector<16xf32>, vector<16xf32>, vector<16xf32>, vector<16xf32>, vector<16xf32>, vector<16xf32>, vector<16xf32>, vector<16xf32>, vector<16xf32>, vector<16xi32>, vector<16xi32>, vector<16xi32>, vector<16xi32>, vector<16xi32>, vector<16xi32>, vector<16xi32>, vector<16xi32>, vector<16xi32>, vector<16xi32>)  : i32 {
        %add3A_634 = arith.constant 125 : i32
        %add3A_635 = arith.addi %add3A_634, %scan3A_613 : i32
        %broadcast_in_dim3A_636 = vector.broadcast %add3A_635 : i32 to vector<16xi32>
        %mul3A_637 = arith.constant 160 : i32
        %mul3A_638 = arith.muli %scan3A_613, %mul3A_637 : i32
        %add3A_639 = arith.constant 0 : i32
        %add3A_640 = arith.addi %mul3A_638, %add3A_639 : i32
        %get3A = arith.index_cast %add3A_640 : i32 to index
        %get3A_641 = tpu.vector_load %arg5[%get3A] {strides = array<i32>} : memref<20000xf32, #tpu.memory_space<vmem>>, vector<16xf32>,
        %get3A_642 = vector.shape_cast %get3A_641 : vector<16xf32> to vector<16xf32>
        %gt3A_643 = arith.cmpf ogt, %get3A_642, %scan3A_614 : vector<16xf32>
        %max3A = arith.maximumf %scan3A_614, %get3A_642 : vector<16xf32>
        %select_n3A_644 = arith.select %gt3A_643, %broadcast_in_dim3A_636, %scan3A_624 : vector<16xi1>, vector<16xi32>
        %add3A_645 = arith.constant 16 : i32
        %add3A_646 = arith.addi %mul3A_638, %add3A_645 : i32
        %get3A_647 = arith.index_cast %add3A_646 : i32 to index
        %get3A_648 = tpu.vector_load %arg5[%get3A_647] {strides = array<i32>} : memref<20000xf32, #tpu.memory_space<vmem>>, vector<16xf32>,
        %get3A_649 = vector.shape_cast %get3A_648 : vector<16xf32> to vector<16xf32>
        %gt3A_650 = arith.cmpf ogt, %get3A_649, %scan3A_615 : vector<16xf32>
        %max3A_651 = arith.maximumf %scan3A_615, %get3A_649 : vector<16xf32>
        %select_n3A_652 = arith.select %gt3A_650, %broadcast_in_dim3A_636, %scan3A_625 : vector<16xi1>, vector<16xi32>
        %add3A_653 = arith.constant 32 : i32
        %add3A_654 = arith.addi %mul3A_638, %add3A_653 : i32
        %get3A_655 = arith.index_cast %add3A_654 : i32 to index
        %get3A_656 = tpu.vector_load %arg5[%get3A_655] {strides = array<i32>} : memref<20000xf32, #tpu.memory_space<vmem>>, vector<16xf32>,
        %get3A_657 = vector.shape_cast %get3A_656 : vector<16xf32> to vector<16xf32>
        %gt3A_658 = arith.cmpf ogt, %get3A_657, %scan3A_616 : vector<16xf32>
        %max3A_659 = arith.maximumf %scan3A_616, %get3A_657 : vector<16xf32>
        %select_n3A_660 = arith.select %gt3A_658, %broadcast_in_dim3A_636, %scan3A_626 : vector<16xi1>, vector<16xi32>
        %add3A_661 = arith.constant 48 : i32
        %add3A_662 = arith.addi %mul3A_638, %add3A_661 : i32
        %get3A_663 = arith.index_cast %add3A_662 : i32 to index
        %get3A_664 = tpu.vector_load %arg5[%get3A_663] {strides = array<i32>} : memref<20000xf32, #tpu.memory_space<vmem>>, vector<16xf32>,
        %get3A_665 = vector.shape_cast %get3A_664 : vector<16xf32> to vector<16xf32>
        %gt3A_666 = arith.cmpf ogt, %get3A_665, %scan3A_617 : vector<16xf32>
        %max3A_667 = arith.maximumf %scan3A_617, %get3A_665 : vector<16xf32>
        %select_n3A_668 = arith.select %gt3A_666, %broadcast_in_dim3A_636, %scan3A_627 : vector<16xi1>, vector<16xi32>
        %add3A_669 = arith.constant 64 : i32
        %add3A_670 = arith.addi %mul3A_638, %add3A_669 : i32
        %get3A_671 = arith.index_cast %add3A_670 : i32 to index
        %get3A_672 = tpu.vector_load %arg5[%get3A_671] {strides = array<i32>} : memref<20000xf32, #tpu.memory_space<vmem>>, vector<16xf32>,
        %get3A_673 = vector.shape_cast %get3A_672 : vector<16xf32> to vector<16xf32>
        %gt3A_674 = arith.cmpf ogt, %get3A_673, %scan3A_618 : vector<16xf32>
        %max3A_675 = arith.maximumf %scan3A_618, %get3A_673 : vector<16xf32>
        %select_n3A_676 = arith.select %gt3A_674, %broadcast_in_dim3A_636, %scan3A_628 : vector<16xi1>, vector<16xi32>
        %add3A_677 = arith.constant 80 : i32
        %add3A_678 = arith.addi %mul3A_638, %add3A_677 : i32
        %get3A_679 = arith.index_cast %add3A_678 : i32 to index
        %get3A_680 = tpu.vector_load %arg5[%get3A_679] {strides = array<i32>} : memref<20000xf32, #tpu.memory_space<vmem>>, vector<16xf32>,
        %get3A_681 = vector.shape_cast %get3A_680 : vector<16xf32> to vector<16xf32>
        %gt3A_682 = arith.cmpf ogt, %get3A_681, %scan3A_619 : vector<16xf32>
        %max3A_683 = arith.maximumf %scan3A_619, %get3A_681 : vector<16xf32>
        %select_n3A_684 = arith.select %gt3A_682, %broadcast_in_dim3A_636, %scan3A_629 : vector<16xi1>, vector<16xi32>
        %add3A_685 = arith.constant 96 : i32
        %add3A_686 = arith.addi %mul3A_638, %add3A_685 : i32
        %get3A_687 = arith.index_cast %add3A_686 : i32 to index
        %get3A_688 = tpu.vector_load %arg5[%get3A_687] {strides = array<i32>} : memref<20000xf32, #tpu.memory_space<vmem>>, vector<16xf32>,
        %get3A_689 = vector.shape_cast %get3A_688 : vector<16xf32> to vector<16xf32>
        %gt3A_690 = arith.cmpf ogt, %get3A_689, %scan3A_620 : vector<16xf32>
        %max3A_691 = arith.maximumf %scan3A_620, %get3A_689 : vector<16xf32>
        %select_n3A_692 = arith.select %gt3A_690, %broadcast_in_dim3A_636, %scan3A_630 : vector<16xi1>, vector<16xi32>
        %add3A_693 = arith.constant 112 : i32
        %add3A_694 = arith.addi %mul3A_638, %add3A_693 : i32
        %get3A_695 = arith.index_cast %add3A_694 : i32 to index
        %get3A_696 = tpu.vector_load %arg5[%get3A_695] {strides = array<i32>} : memref<20000xf32, #tpu.memory_space<vmem>>, vector<16xf32>,
        %get3A_697 = vector.shape_cast %get3A_696 : vector<16xf32> to vector<16xf32>
        %gt3A_698 = arith.cmpf ogt, %get3A_697, %scan3A_621 : vector<16xf32>
        %max3A_699 = arith.maximumf %scan3A_621, %get3A_697 : vector<16xf32>
        %select_n3A_700 = arith.select %gt3A_698, %broadcast_in_dim3A_636, %scan3A_631 : vector<16xi1>, vector<16xi32>
        %add3A_701 = arith.constant 128 : i32
        %add3A_702 = arith.addi %mul3A_638, %add3A_701 : i32
        %get3A_703 = arith.index_cast %add3A_702 : i32 to index
        %get3A_704 = tpu.vector_load %arg5[%get3A_703] {strides = array<i32>} : memref<20000xf32, #tpu.memory_space<vmem>>, vector<16xf32>,
        %get3A_705 = vector.shape_cast %get3A_704 : vector<16xf32> to vector<16xf32>
        %gt3A_706 = arith.cmpf ogt, %get3A_705, %scan3A_622 : vector<16xf32>
        %max3A_707 = arith.maximumf %scan3A_622, %get3A_705 : vector<16xf32>
        %select_n3A_708 = arith.select %gt3A_706, %broadcast_in_dim3A_636, %scan3A_632 : vector<16xi1>, vector<16xi32>
        %add3A_709 = arith.constant 144 : i32
        %add3A_710 = arith.addi %mul3A_638, %add3A_709 : i32
        %get3A_711 = arith.index_cast %add3A_710 : i32 to index
        %get3A_712 = tpu.vector_load %arg5[%get3A_711] {strides = array<i32>} : memref<20000xf32, #tpu.memory_space<vmem>>, vector<16xf32>,
        %get3A_713 = vector.shape_cast %get3A_712 : vector<16xf32> to vector<16xf32>
        %gt3A_714 = arith.cmpf ogt, %get3A_713, %scan3A_623 : vector<16xf32>
        %max3A_715 = arith.maximumf %scan3A_623, %get3A_713 : vector<16xf32>
        %select_n3A_716 = arith.select %gt3A_714, %broadcast_in_dim3A_636, %scan3A_633 : vector<16xi1>, vector<16xi32>
        scf.yield %max3A, %max3A_651, %max3A_659, %max3A_667, %max3A_675, %max3A_683, %max3A_691, %max3A_699, %max3A_707, %max3A_715, %select_n3A_644, %select_n3A_652, %select_n3A_660, %select_n3A_668, %select_n3A_676, %select_n3A_684, %select_n3A_692, %select_n3A_700, %select_n3A_708, %select_n3A_716 : vector<16xf32>, vector<16xf32>, vector<16xf32>, vector<16xf32>, vector<16xf32>, vector<16xf32>, vector<16xf32>, vector<16xf32>, vector<16xf32>, vector<16xf32>, vector<16xi32>, vector<16xi32>, vector<16xi32>, vector<16xi32>, vector<16xi32>, vector<16xi32>, vector<16xi32>, vector<16xi32>, vector<16xi32>, vector<16xi32>
      }
      %scan3A_398 = arith.constant 125 : i32
      %add3A_399 = arith.constant 1 : i32
      %add3A_400 = arith.addi %add3A_28, %add3A_399 : i32
      %add3A_401 = arith.constant 1 : i32
      %add3A_402 = arith.addi %add3A_28, %add3A_401 : i32
      %mul3A_403 = arith.constant 100000 : i32
      %mul3A_404 = arith.muli %add3A_402, %mul3A_403 : i32
      %add3A_405 = arith.constant 60000 : i32
      %add3A_406 = arith.addi %mul3A_404, %add3A_405 : i32
      %dma_start3A_407 = tpu.memref_slice %arg2[%add3A_406] : memref<102400000xf32, #tpu.memory_space<hbm>> -> memref<20000xf32, #tpu.memory_space<hbm>>
      %dma_start3A_408 = tpu.memref_slice %arg2[%add3A_406] : memref<102400000xf32, #tpu.memory_space<hbm>> -> memref<20000xf32, #tpu.memory_space<hbm>>
      tpu.enqueue_dma source(%dma_start3A_408 : memref<20000xf32, #tpu.memory_space<hbm>>) target(%arg5 : memref<20000xf32, #tpu.memory_space<vmem>>) target_semaphore(%arg9 : memref<!tpu.dma_semaphore, #tpu.memory_space<semaphore_mem>>)
      %mul3A_409 = arith.constant 100000 : i32
      %mul3A_410 = arith.muli %add3A_400, %mul3A_409 : i32
      %add3A_411 = arith.constant 40000 : i32
      %add3A_412 = arith.addi %mul3A_410, %add3A_411 : i32
      %dma_wait3A_413 = tpu.memref_slice %arg2[%add3A_412] : memref<102400000xf32, #tpu.memory_space<hbm>> -> memref<20000xf32, #tpu.memory_space<hbm>>
      %dma_wait3A_414 = tpu.memref_slice %arg2[%add3A_412] : memref<102400000xf32, #tpu.memory_space<hbm>> -> memref<20000xf32, #tpu.memory_space<hbm>>
      tpu.wait_dma2 semaphore(%arg10 : memref<!tpu.dma_semaphore, #tpu.memory_space<semaphore_mem>>) src(%dma_wait3A_414 : memref<20000xf32, #tpu.memory_space<hbm>>) dst(%arg6 : memref<20000xf32, #tpu.memory_space<vmem>>)
      %scan3A_415 = arith.constant 0 : i32
      %scan3A_416 = arith.constant 125 : i32
      %scan3A_417 = arith.addi %scan3A_415, %scan3A_416 : i32
      %scan3A_418 = arith.constant 1 : i32
      %scan3A_419:20 = scf.for %scan3A_613 = %scan3A_415 to %scan3A_417 step %scan3A_418 iter_args(%scan3A_614 = %scan3A_397#0, %scan3A_615 = %scan3A_397#1, %scan3A_616 = %scan3A_397#2, %scan3A_617 = %scan3A_397#3, %scan3A_618 = %scan3A_397#4, %scan3A_619 = %scan3A_397#5, %scan3A_620 = %scan3A_397#6, %scan3A_621 = %scan3A_397#7, %scan3A_622 = %scan3A_397#8, %scan3A_623 = %scan3A_397#9, %scan3A_624 = %scan3A_397#10, %scan3A_625 = %scan3A_397#11, %scan3A_626 = %scan3A_397#12, %scan3A_627 = %scan3A_397#13, %scan3A_628 = %scan3A_397#14, %scan3A_629 = %scan3A_397#15, %scan3A_630 = %scan3A_397#16, %scan3A_631 = %scan3A_397#17, %scan3A_632 = %scan3A_397#18, %scan3A_633 = %scan3A_397#19) -> (vector<16xf32>, vector<16xf32>, vector<16xf32>, vector<16xf32>, vector<16xf32>, vector<16xf32>, vector<16xf32>, vector<16xf32>, vector<16xf32>, vector<16xf32>, vector<16xi32>, vector<16xi32>, vector<16xi32>, vector<16xi32>, vector<16xi32>, vector<16xi32>, vector<16xi32>, vector<16xi32>, vector<16xi32>, vector<16xi32>)  : i32 {
        %add3A_634 = arith.constant 250 : i32
        %add3A_635 = arith.addi %add3A_634, %scan3A_613 : i32
        %broadcast_in_dim3A_636 = vector.broadcast %add3A_635 : i32 to vector<16xi32>
        %mul3A_637 = arith.constant 160 : i32
        %mul3A_638 = arith.muli %scan3A_613, %mul3A_637 : i32
        %add3A_639 = arith.constant 0 : i32
        %add3A_640 = arith.addi %mul3A_638, %add3A_639 : i32
        %get3A = arith.index_cast %add3A_640 : i32 to index
        %get3A_641 = tpu.vector_load %arg6[%get3A] {strides = array<i32>} : memref<20000xf32, #tpu.memory_space<vmem>>, vector<16xf32>,
        %get3A_642 = vector.shape_cast %get3A_641 : vector<16xf32> to vector<16xf32>
        %gt3A_643 = arith.cmpf ogt, %get3A_642, %scan3A_614 : vector<16xf32>
        %max3A = arith.maximumf %scan3A_614, %get3A_642 : vector<16xf32>
        %select_n3A_644 = arith.select %gt3A_643, %broadcast_in_dim3A_636, %scan3A_624 : vector<16xi1>, vector<16xi32>
        %add3A_645 = arith.constant 16 : i32
        %add3A_646 = arith.addi %mul3A_638, %add3A_645 : i32
        %get3A_647 = arith.index_cast %add3A_646 : i32 to index
        %get3A_648 = tpu.vector_load %arg6[%get3A_647] {strides = array<i32>} : memref<20000xf32, #tpu.memory_space<vmem>>, vector<16xf32>,
        %get3A_649 = vector.shape_cast %get3A_648 : vector<16xf32> to vector<16xf32>
        %gt3A_650 = arith.cmpf ogt, %get3A_649, %scan3A_615 : vector<16xf32>
        %max3A_651 = arith.maximumf %scan3A_615, %get3A_649 : vector<16xf32>
        %select_n3A_652 = arith.select %gt3A_650, %broadcast_in_dim3A_636, %scan3A_625 : vector<16xi1>, vector<16xi32>
        %add3A_653 = arith.constant 32 : i32
        %add3A_654 = arith.addi %mul3A_638, %add3A_653 : i32
        %get3A_655 = arith.index_cast %add3A_654 : i32 to index
        %get3A_656 = tpu.vector_load %arg6[%get3A_655] {strides = array<i32>} : memref<20000xf32, #tpu.memory_space<vmem>>, vector<16xf32>,
        %get3A_657 = vector.shape_cast %get3A_656 : vector<16xf32> to vector<16xf32>
        %gt3A_658 = arith.cmpf ogt, %get3A_657, %scan3A_616 : vector<16xf32>
        %max3A_659 = arith.maximumf %scan3A_616, %get3A_657 : vector<16xf32>
        %select_n3A_660 = arith.select %gt3A_658, %broadcast_in_dim3A_636, %scan3A_626 : vector<16xi1>, vector<16xi32>
        %add3A_661 = arith.constant 48 : i32
        %add3A_662 = arith.addi %mul3A_638, %add3A_661 : i32
        %get3A_663 = arith.index_cast %add3A_662 : i32 to index
        %get3A_664 = tpu.vector_load %arg6[%get3A_663] {strides = array<i32>} : memref<20000xf32, #tpu.memory_space<vmem>>, vector<16xf32>,
        %get3A_665 = vector.shape_cast %get3A_664 : vector<16xf32> to vector<16xf32>
        %gt3A_666 = arith.cmpf ogt, %get3A_665, %scan3A_617 : vector<16xf32>
        %max3A_667 = arith.maximumf %scan3A_617, %get3A_665 : vector<16xf32>
        %select_n3A_668 = arith.select %gt3A_666, %broadcast_in_dim3A_636, %scan3A_627 : vector<16xi1>, vector<16xi32>
        %add3A_669 = arith.constant 64 : i32
        %add3A_670 = arith.addi %mul3A_638, %add3A_669 : i32
        %get3A_671 = arith.index_cast %add3A_670 : i32 to index
        %get3A_672 = tpu.vector_load %arg6[%get3A_671] {strides = array<i32>} : memref<20000xf32, #tpu.memory_space<vmem>>, vector<16xf32>,
        %get3A_673 = vector.shape_cast %get3A_672 : vector<16xf32> to vector<16xf32>
        %gt3A_674 = arith.cmpf ogt, %get3A_673, %scan3A_618 : vector<16xf32>
        %max3A_675 = arith.maximumf %scan3A_618, %get3A_673 : vector<16xf32>
        %select_n3A_676 = arith.select %gt3A_674, %broadcast_in_dim3A_636, %scan3A_628 : vector<16xi1>, vector<16xi32>
        %add3A_677 = arith.constant 80 : i32
        %add3A_678 = arith.addi %mul3A_638, %add3A_677 : i32
        %get3A_679 = arith.index_cast %add3A_678 : i32 to index
        %get3A_680 = tpu.vector_load %arg6[%get3A_679] {strides = array<i32>} : memref<20000xf32, #tpu.memory_space<vmem>>, vector<16xf32>,
        %get3A_681 = vector.shape_cast %get3A_680 : vector<16xf32> to vector<16xf32>
        %gt3A_682 = arith.cmpf ogt, %get3A_681, %scan3A_619 : vector<16xf32>
        %max3A_683 = arith.maximumf %scan3A_619, %get3A_681 : vector<16xf32>
        %select_n3A_684 = arith.select %gt3A_682, %broadcast_in_dim3A_636, %scan3A_629 : vector<16xi1>, vector<16xi32>
        %add3A_685 = arith.constant 96 : i32
        %add3A_686 = arith.addi %mul3A_638, %add3A_685 : i32
        %get3A_687 = arith.index_cast %add3A_686 : i32 to index
        %get3A_688 = tpu.vector_load %arg6[%get3A_687] {strides = array<i32>} : memref<20000xf32, #tpu.memory_space<vmem>>, vector<16xf32>,
        %get3A_689 = vector.shape_cast %get3A_688 : vector<16xf32> to vector<16xf32>
        %gt3A_690 = arith.cmpf ogt, %get3A_689, %scan3A_620 : vector<16xf32>
        %max3A_691 = arith.maximumf %scan3A_620, %get3A_689 : vector<16xf32>
        %select_n3A_692 = arith.select %gt3A_690, %broadcast_in_dim3A_636, %scan3A_630 : vector<16xi1>, vector<16xi32>
        %add3A_693 = arith.constant 112 : i32
        %add3A_694 = arith.addi %mul3A_638, %add3A_693 : i32
        %get3A_695 = arith.index_cast %add3A_694 : i32 to index
        %get3A_696 = tpu.vector_load %arg6[%get3A_695] {strides = array<i32>} : memref<20000xf32, #tpu.memory_space<vmem>>, vector<16xf32>,
        %get3A_697 = vector.shape_cast %get3A_696 : vector<16xf32> to vector<16xf32>
        %gt3A_698 = arith.cmpf ogt, %get3A_697, %scan3A_621 : vector<16xf32>
        %max3A_699 = arith.maximumf %scan3A_621, %get3A_697 : vector<16xf32>
        %select_n3A_700 = arith.select %gt3A_698, %broadcast_in_dim3A_636, %scan3A_631 : vector<16xi1>, vector<16xi32>
        %add3A_701 = arith.constant 128 : i32
        %add3A_702 = arith.addi %mul3A_638, %add3A_701 : i32
        %get3A_703 = arith.index_cast %add3A_702 : i32 to index
        %get3A_704 = tpu.vector_load %arg6[%get3A_703] {strides = array<i32>} : memref<20000xf32, #tpu.memory_space<vmem>>, vector<16xf32>,
        %get3A_705 = vector.shape_cast %get3A_704 : vector<16xf32> to vector<16xf32>
        %gt3A_706 = arith.cmpf ogt, %get3A_705, %scan3A_622 : vector<16xf32>
        %max3A_707 = arith.maximumf %scan3A_622, %get3A_705 : vector<16xf32>
        %select_n3A_708 = arith.select %gt3A_706, %broadcast_in_dim3A_636, %scan3A_632 : vector<16xi1>, vector<16xi32>
        %add3A_709 = arith.constant 144 : i32
        %add3A_710 = arith.addi %mul3A_638, %add3A_709 : i32
        %get3A_711 = arith.index_cast %add3A_710 : i32 to index
        %get3A_712 = tpu.vector_load %arg6[%get3A_711] {strides = array<i32>} : memref<20000xf32, #tpu.memory_space<vmem>>, vector<16xf32>,
        %get3A_713 = vector.shape_cast %get3A_712 : vector<16xf32> to vector<16xf32>
        %gt3A_714 = arith.cmpf ogt, %get3A_713, %scan3A_623 : vector<16xf32>
        %max3A_715 = arith.maximumf %scan3A_623, %get3A_713 : vector<16xf32>
        %select_n3A_716 = arith.select %gt3A_714, %broadcast_in_dim3A_636, %scan3A_633 : vector<16xi1>, vector<16xi32>
        scf.yield %max3A, %max3A_651, %max3A_659, %max3A_667, %max3A_675, %max3A_683, %max3A_691, %max3A_699, %max3A_707, %max3A_715, %select_n3A_644, %select_n3A_652, %select_n3A_660, %select_n3A_668, %select_n3A_676, %select_n3A_684, %select_n3A_692, %select_n3A_700, %select_n3A_708, %select_n3A_716 : vector<16xf32>, vector<16xf32>, vector<16xf32>, vector<16xf32>, vector<16xf32>, vector<16xf32>, vector<16xf32>, vector<16xf32>, vector<16xf32>, vector<16xf32>, vector<16xi32>, vector<16xi32>, vector<16xi32>, vector<16xi32>, vector<16xi32>, vector<16xi32>, vector<16xi32>, vector<16xi32>, vector<16xi32>, vector<16xi32>
      }
      %scan3A_420 = arith.constant 125 : i32
      %add3A_421 = arith.constant 1 : i32
      %add3A_422 = arith.addi %add3A_28, %add3A_421 : i32
      %add3A_423 = arith.constant 1 : i32
      %add3A_424 = arith.addi %add3A_28, %add3A_423 : i32
      %mul3A_425 = arith.constant 100000 : i32
      %mul3A_426 = arith.muli %add3A_424, %mul3A_425 : i32
      %add3A_427 = arith.constant 80000 : i32
      %add3A_428 = arith.addi %mul3A_426, %add3A_427 : i32
      %dma_start3A_429 = tpu.memref_slice %arg2[%add3A_428] : memref<102400000xf32, #tpu.memory_space<hbm>> -> memref<20000xf32, #tpu.memory_space<hbm>>
      %dma_start3A_430 = tpu.memref_slice %arg2[%add3A_428] : memref<102400000xf32, #tpu.memory_space<hbm>> -> memref<20000xf32, #tpu.memory_space<hbm>>
      tpu.enqueue_dma source(%dma_start3A_430 : memref<20000xf32, #tpu.memory_space<hbm>>) target(%arg6 : memref<20000xf32, #tpu.memory_space<vmem>>) target_semaphore(%arg10 : memref<!tpu.dma_semaphore, #tpu.memory_space<semaphore_mem>>)
      %mul3A_431 = arith.constant 100000 : i32
      %mul3A_432 = arith.muli %add3A_422, %mul3A_431 : i32
      %add3A_433 = arith.constant 60000 : i32
      %add3A_434 = arith.addi %mul3A_432, %add3A_433 : i32
      %dma_wait3A_435 = tpu.memref_slice %arg2[%add3A_434] : memref<102400000xf32, #tpu.memory_space<hbm>> -> memref<20000xf32, #tpu.memory_space<hbm>>
      %dma_wait3A_436 = tpu.memref_slice %arg2[%add3A_434] : memref<102400000xf32, #tpu.memory_space<hbm>> -> memref<20000xf32, #tpu.memory_space<hbm>>
      tpu.wait_dma2 semaphore(%arg9 : memref<!tpu.dma_semaphore, #tpu.memory_space<semaphore_mem>>) src(%dma_wait3A_436 : memref<20000xf32, #tpu.memory_space<hbm>>) dst(%arg5 : memref<20000xf32, #tpu.memory_space<vmem>>)
      %scan3A_437 = arith.constant 0 : i32
      %scan3A_438 = arith.constant 125 : i32
      %scan3A_439 = arith.addi %scan3A_437, %scan3A_438 : i32
      %scan3A_440 = arith.constant 1 : i32
      %scan3A_441:20 = scf.for %scan3A_613 = %scan3A_437 to %scan3A_439 step %scan3A_440 iter_args(%scan3A_614 = %scan3A_419#0, %scan3A_615 = %scan3A_419#1, %scan3A_616 = %scan3A_419#2, %scan3A_617 = %scan3A_419#3, %scan3A_618 = %scan3A_419#4, %scan3A_619 = %scan3A_419#5, %scan3A_620 = %scan3A_419#6, %scan3A_621 = %scan3A_419#7, %scan3A_622 = %scan3A_419#8, %scan3A_623 = %scan3A_419#9, %scan3A_624 = %scan3A_419#10, %scan3A_625 = %scan3A_419#11, %scan3A_626 = %scan3A_419#12, %scan3A_627 = %scan3A_419#13, %scan3A_628 = %scan3A_419#14, %scan3A_629 = %scan3A_419#15, %scan3A_630 = %scan3A_419#16, %scan3A_631 = %scan3A_419#17, %scan3A_632 = %scan3A_419#18, %scan3A_633 = %scan3A_419#19) -> (vector<16xf32>, vector<16xf32>, vector<16xf32>, vector<16xf32>, vector<16xf32>, vector<16xf32>, vector<16xf32>, vector<16xf32>, vector<16xf32>, vector<16xf32>, vector<16xi32>, vector<16xi32>, vector<16xi32>, vector<16xi32>, vector<16xi32>, vector<16xi32>, vector<16xi32>, vector<16xi32>, vector<16xi32>, vector<16xi32>)  : i32 {
        %add3A_634 = arith.constant 375 : i32
        %add3A_635 = arith.addi %add3A_634, %scan3A_613 : i32
        %broadcast_in_dim3A_636 = vector.broadcast %add3A_635 : i32 to vector<16xi32>
        %mul3A_637 = arith.constant 160 : i32
        %mul3A_638 = arith.muli %scan3A_613, %mul3A_637 : i32
        %add3A_639 = arith.constant 0 : i32
        %add3A_640 = arith.addi %mul3A_638, %add3A_639 : i32
        %get3A = arith.index_cast %add3A_640 : i32 to index
        %get3A_641 = tpu.vector_load %arg5[%get3A] {strides = array<i32>} : memref<20000xf32, #tpu.memory_space<vmem>>, vector<16xf32>,
        %get3A_642 = vector.shape_cast %get3A_641 : vector<16xf32> to vector<16xf32>
        %gt3A_643 = arith.cmpf ogt, %get3A_642, %scan3A_614 : vector<16xf32>
        %max3A = arith.maximumf %scan3A_614, %get3A_642 : vector<16xf32>
        %select_n3A_644 = arith.select %gt3A_643, %broadcast_in_dim3A_636, %scan3A_624 : vector<16xi1>, vector<16xi32>
        %add3A_645 = arith.constant 16 : i32
        %add3A_646 = arith.addi %mul3A_638, %add3A_645 : i32
        %get3A_647 = arith.index_cast %add3A_646 : i32 to index
        %get3A_648 = tpu.vector_load %arg5[%get3A_647] {strides = array<i32>} : memref<20000xf32, #tpu.memory_space<vmem>>, vector<16xf32>,
        %get3A_649 = vector.shape_cast %get3A_648 : vector<16xf32> to vector<16xf32>
        %gt3A_650 = arith.cmpf ogt, %get3A_649, %scan3A_615 : vector<16xf32>
        %max3A_651 = arith.maximumf %scan3A_615, %get3A_649 : vector<16xf32>
        %select_n3A_652 = arith.select %gt3A_650, %broadcast_in_dim3A_636, %scan3A_625 : vector<16xi1>, vector<16xi32>
        %add3A_653 = arith.constant 32 : i32
        %add3A_654 = arith.addi %mul3A_638, %add3A_653 : i32
        %get3A_655 = arith.index_cast %add3A_654 : i32 to index
        %get3A_656 = tpu.vector_load %arg5[%get3A_655] {strides = array<i32>} : memref<20000xf32, #tpu.memory_space<vmem>>, vector<16xf32>,
        %get3A_657 = vector.shape_cast %get3A_656 : vector<16xf32> to vector<16xf32>
        %gt3A_658 = arith.cmpf ogt, %get3A_657, %scan3A_616 : vector<16xf32>
        %max3A_659 = arith.maximumf %scan3A_616, %get3A_657 : vector<16xf32>
        %select_n3A_660 = arith.select %gt3A_658, %broadcast_in_dim3A_636, %scan3A_626 : vector<16xi1>, vector<16xi32>
        %add3A_661 = arith.constant 48 : i32
        %add3A_662 = arith.addi %mul3A_638, %add3A_661 : i32
        %get3A_663 = arith.index_cast %add3A_662 : i32 to index
        %get3A_664 = tpu.vector_load %arg5[%get3A_663] {strides = array<i32>} : memref<20000xf32, #tpu.memory_space<vmem>>, vector<16xf32>,
        %get3A_665 = vector.shape_cast %get3A_664 : vector<16xf32> to vector<16xf32>
        %gt3A_666 = arith.cmpf ogt, %get3A_665, %scan3A_617 : vector<16xf32>
        %max3A_667 = arith.maximumf %scan3A_617, %get3A_665 : vector<16xf32>
        %select_n3A_668 = arith.select %gt3A_666, %broadcast_in_dim3A_636, %scan3A_627 : vector<16xi1>, vector<16xi32>
        %add3A_669 = arith.constant 64 : i32
        %add3A_670 = arith.addi %mul3A_638, %add3A_669 : i32
        %get3A_671 = arith.index_cast %add3A_670 : i32 to index
        %get3A_672 = tpu.vector_load %arg5[%get3A_671] {strides = array<i32>} : memref<20000xf32, #tpu.memory_space<vmem>>, vector<16xf32>,
        %get3A_673 = vector.shape_cast %get3A_672 : vector<16xf32> to vector<16xf32>
        %gt3A_674 = arith.cmpf ogt, %get3A_673, %scan3A_618 : vector<16xf32>
        %max3A_675 = arith.maximumf %scan3A_618, %get3A_673 : vector<16xf32>
        %select_n3A_676 = arith.select %gt3A_674, %broadcast_in_dim3A_636, %scan3A_628 : vector<16xi1>, vector<16xi32>
        %add3A_677 = arith.constant 80 : i32
        %add3A_678 = arith.addi %mul3A_638, %add3A_677 : i32
        %get3A_679 = arith.index_cast %add3A_678 : i32 to index
        %get3A_680 = tpu.vector_load %arg5[%get3A_679] {strides = array<i32>} : memref<20000xf32, #tpu.memory_space<vmem>>, vector<16xf32>,
        %get3A_681 = vector.shape_cast %get3A_680 : vector<16xf32> to vector<16xf32>
        %gt3A_682 = arith.cmpf ogt, %get3A_681, %scan3A_619 : vector<16xf32>
        %max3A_683 = arith.maximumf %scan3A_619, %get3A_681 : vector<16xf32>
        %select_n3A_684 = arith.select %gt3A_682, %broadcast_in_dim3A_636, %scan3A_629 : vector<16xi1>, vector<16xi32>
        %add3A_685 = arith.constant 96 : i32
        %add3A_686 = arith.addi %mul3A_638, %add3A_685 : i32
        %get3A_687 = arith.index_cast %add3A_686 : i32 to index
        %get3A_688 = tpu.vector_load %arg5[%get3A_687] {strides = array<i32>} : memref<20000xf32, #tpu.memory_space<vmem>>, vector<16xf32>,
        %get3A_689 = vector.shape_cast %get3A_688 : vector<16xf32> to vector<16xf32>
        %gt3A_690 = arith.cmpf ogt, %get3A_689, %scan3A_620 : vector<16xf32>
        %max3A_691 = arith.maximumf %scan3A_620, %get3A_689 : vector<16xf32>
        %select_n3A_692 = arith.select %gt3A_690, %broadcast_in_dim3A_636, %scan3A_630 : vector<16xi1>, vector<16xi32>
        %add3A_693 = arith.constant 112 : i32
        %add3A_694 = arith.addi %mul3A_638, %add3A_693 : i32
        %get3A_695 = arith.index_cast %add3A_694 : i32 to index
        %get3A_696 = tpu.vector_load %arg5[%get3A_695] {strides = array<i32>} : memref<20000xf32, #tpu.memory_space<vmem>>, vector<16xf32>,
        %get3A_697 = vector.shape_cast %get3A_696 : vector<16xf32> to vector<16xf32>
        %gt3A_698 = arith.cmpf ogt, %get3A_697, %scan3A_621 : vector<16xf32>
        %max3A_699 = arith.maximumf %scan3A_621, %get3A_697 : vector<16xf32>
        %select_n3A_700 = arith.select %gt3A_698, %broadcast_in_dim3A_636, %scan3A_631 : vector<16xi1>, vector<16xi32>
        %add3A_701 = arith.constant 128 : i32
        %add3A_702 = arith.addi %mul3A_638, %add3A_701 : i32
        %get3A_703 = arith.index_cast %add3A_702 : i32 to index
        %get3A_704 = tpu.vector_load %arg5[%get3A_703] {strides = array<i32>} : memref<20000xf32, #tpu.memory_space<vmem>>, vector<16xf32>,
        %get3A_705 = vector.shape_cast %get3A_704 : vector<16xf32> to vector<16xf32>
        %gt3A_706 = arith.cmpf ogt, %get3A_705, %scan3A_622 : vector<16xf32>
        %max3A_707 = arith.maximumf %scan3A_622, %get3A_705 : vector<16xf32>
        %select_n3A_708 = arith.select %gt3A_706, %broadcast_in_dim3A_636, %scan3A_632 : vector<16xi1>, vector<16xi32>
        %add3A_709 = arith.constant 144 : i32
        %add3A_710 = arith.addi %mul3A_638, %add3A_709 : i32
        %get3A_711 = arith.index_cast %add3A_710 : i32 to index
        %get3A_712 = tpu.vector_load %arg5[%get3A_711] {strides = array<i32>} : memref<20000xf32, #tpu.memory_space<vmem>>, vector<16xf32>,
        %get3A_713 = vector.shape_cast %get3A_712 : vector<16xf32> to vector<16xf32>
        %gt3A_714 = arith.cmpf ogt, %get3A_713, %scan3A_623 : vector<16xf32>
        %max3A_715 = arith.maximumf %scan3A_623, %get3A_713 : vector<16xf32>
        %select_n3A_716 = arith.select %gt3A_714, %broadcast_in_dim3A_636, %scan3A_633 : vector<16xi1>, vector<16xi32>
        scf.yield %max3A, %max3A_651, %max3A_659, %max3A_667, %max3A_675, %max3A_683, %max3A_691, %max3A_699, %max3A_707, %max3A_715, %select_n3A_644, %select_n3A_652, %select_n3A_660, %select_n3A_668, %select_n3A_676, %select_n3A_684, %select_n3A_692, %select_n3A_700, %select_n3A_708, %select_n3A_716 : vector<16xf32>, vector<16xf32>, vector<16xf32>, vector<16xf32>, vector<16xf32>, vector<16xf32>, vector<16xf32>, vector<16xf32>, vector<16xf32>, vector<16xf32>, vector<16xi32>, vector<16xi32>, vector<16xi32>, vector<16xi32>, vector<16xi32>, vector<16xi32>, vector<16xi32>, vector<16xi32>, vector<16xi32>, vector<16xi32>
      }
      %scan3A_442 = arith.constant 125 : i32
      %add3A_443 = arith.constant 1 : i32
      %add3A_444 = arith.addi %add3A_28, %add3A_443 : i32
      %add3A_445 = arith.constant 2 : i32
      %add3A_446 = arith.addi %add3A_28, %add3A_445 : i32
      %add3A_447 = arith.constant 32 : i32
      %add3A_448 = arith.addi %mul3A_2, %add3A_447 : i32
      %sub3A_449 = arith.constant 1 : i32
      %sub3A_450 = arith.subi %add3A_448, %sub3A_449 : i32
      %min3A = arith.minsi %add3A_446, %sub3A_450 : i32
      %mul3A_451 = arith.constant 100000 : i32
      %mul3A_452 = arith.muli %min3A, %mul3A_451 : i32
      %add3A_453 = arith.constant 0 : i32
      %add3A_454 = arith.addi %mul3A_452, %add3A_453 : i32
      %dma_start3A_455 = tpu.memref_slice %arg2[%add3A_454] : memref<102400000xf32, #tpu.memory_space<hbm>> -> memref<20000xf32, #tpu.memory_space<hbm>>
      %dma_start3A_456 = tpu.memref_slice %arg2[%add3A_454] : memref<102400000xf32, #tpu.memory_space<hbm>> -> memref<20000xf32, #tpu.memory_space<hbm>>
      tpu.enqueue_dma source(%dma_start3A_456 : memref<20000xf32, #tpu.memory_space<hbm>>) target(%arg5 : memref<20000xf32, #tpu.memory_space<vmem>>) target_semaphore(%arg9 : memref<!tpu.dma_semaphore, #tpu.memory_space<semaphore_mem>>)
      %mul3A_457 = arith.constant 100000 : i32
      %mul3A_458 = arith.muli %add3A_444, %mul3A_457 : i32
      %add3A_459 = arith.constant 80000 : i32
      %add3A_460 = arith.addi %mul3A_458, %add3A_459 : i32
      %dma_wait3A_461 = tpu.memref_slice %arg2[%add3A_460] : memref<102400000xf32, #tpu.memory_space<hbm>> -> memref<20000xf32, #tpu.memory_space<hbm>>
      %dma_wait3A_462 = tpu.memref_slice %arg2[%add3A_460] : memref<102400000xf32, #tpu.memory_space<hbm>> -> memref<20000xf32, #tpu.memory_space<hbm>>
      tpu.wait_dma2 semaphore(%arg10 : memref<!tpu.dma_semaphore, #tpu.memory_space<semaphore_mem>>) src(%dma_wait3A_462 : memref<20000xf32, #tpu.memory_space<hbm>>) dst(%arg6 : memref<20000xf32, #tpu.memory_space<vmem>>)
      %scan3A_463 = arith.constant 0 : i32
      %scan3A_464 = arith.constant 125 : i32
      %scan3A_465 = arith.addi %scan3A_463, %scan3A_464 : i32
      %scan3A_466 = arith.constant 1 : i32
      %scan3A_467:20 = scf.for %scan3A_613 = %scan3A_463 to %scan3A_465 step %scan3A_466 iter_args(%scan3A_614 = %scan3A_441#0, %scan3A_615 = %scan3A_441#1, %scan3A_616 = %scan3A_441#2, %scan3A_617 = %scan3A_441#3, %scan3A_618 = %scan3A_441#4, %scan3A_619 = %scan3A_441#5, %scan3A_620 = %scan3A_441#6, %scan3A_621 = %scan3A_441#7, %scan3A_622 = %scan3A_441#8, %scan3A_623 = %scan3A_441#9, %scan3A_624 = %scan3A_441#10, %scan3A_625 = %scan3A_441#11, %scan3A_626 = %scan3A_441#12, %scan3A_627 = %scan3A_441#13, %scan3A_628 = %scan3A_441#14, %scan3A_629 = %scan3A_441#15, %scan3A_630 = %scan3A_441#16, %scan3A_631 = %scan3A_441#17, %scan3A_632 = %scan3A_441#18, %scan3A_633 = %scan3A_441#19) -> (vector<16xf32>, vector<16xf32>, vector<16xf32>, vector<16xf32>, vector<16xf32>, vector<16xf32>, vector<16xf32>, vector<16xf32>, vector<16xf32>, vector<16xf32>, vector<16xi32>, vector<16xi32>, vector<16xi32>, vector<16xi32>, vector<16xi32>, vector<16xi32>, vector<16xi32>, vector<16xi32>, vector<16xi32>, vector<16xi32>)  : i32 {
        %add3A_634 = arith.constant 500 : i32
        %add3A_635 = arith.addi %add3A_634, %scan3A_613 : i32
        %broadcast_in_dim3A_636 = vector.broadcast %add3A_635 : i32 to vector<16xi32>
        %mul3A_637 = arith.constant 160 : i32
        %mul3A_638 = arith.muli %scan3A_613, %mul3A_637 : i32
        %add3A_639 = arith.constant 0 : i32
        %add3A_640 = arith.addi %mul3A_638, %add3A_639 : i32
        %get3A = arith.index_cast %add3A_640 : i32 to index
        %get3A_641 = tpu.vector_load %arg6[%get3A] {strides = array<i32>} : memref<20000xf32, #tpu.memory_space<vmem>>, vector<16xf32>,
        %get3A_642 = vector.shape_cast %get3A_641 : vector<16xf32> to vector<16xf32>
        %gt3A_643 = arith.cmpf ogt, %get3A_642, %scan3A_614 : vector<16xf32>
        %max3A = arith.maximumf %scan3A_614, %get3A_642 : vector<16xf32>
        %select_n3A_644 = arith.select %gt3A_643, %broadcast_in_dim3A_636, %scan3A_624 : vector<16xi1>, vector<16xi32>
        %add3A_645 = arith.constant 16 : i32
        %add3A_646 = arith.addi %mul3A_638, %add3A_645 : i32
        %get3A_647 = arith.index_cast %add3A_646 : i32 to index
        %get3A_648 = tpu.vector_load %arg6[%get3A_647] {strides = array<i32>} : memref<20000xf32, #tpu.memory_space<vmem>>, vector<16xf32>,
        %get3A_649 = vector.shape_cast %get3A_648 : vector<16xf32> to vector<16xf32>
        %gt3A_650 = arith.cmpf ogt, %get3A_649, %scan3A_615 : vector<16xf32>
        %max3A_651 = arith.maximumf %scan3A_615, %get3A_649 : vector<16xf32>
        %select_n3A_652 = arith.select %gt3A_650, %broadcast_in_dim3A_636, %scan3A_625 : vector<16xi1>, vector<16xi32>
        %add3A_653 = arith.constant 32 : i32
        %add3A_654 = arith.addi %mul3A_638, %add3A_653 : i32
        %get3A_655 = arith.index_cast %add3A_654 : i32 to index
        %get3A_656 = tpu.vector_load %arg6[%get3A_655] {strides = array<i32>} : memref<20000xf32, #tpu.memory_space<vmem>>, vector<16xf32>,
        %get3A_657 = vector.shape_cast %get3A_656 : vector<16xf32> to vector<16xf32>
        %gt3A_658 = arith.cmpf ogt, %get3A_657, %scan3A_616 : vector<16xf32>
        %max3A_659 = arith.maximumf %scan3A_616, %get3A_657 : vector<16xf32>
        %select_n3A_660 = arith.select %gt3A_658, %broadcast_in_dim3A_636, %scan3A_626 : vector<16xi1>, vector<16xi32>
        %add3A_661 = arith.constant 48 : i32
        %add3A_662 = arith.addi %mul3A_638, %add3A_661 : i32
        %get3A_663 = arith.index_cast %add3A_662 : i32 to index
        %get3A_664 = tpu.vector_load %arg6[%get3A_663] {strides = array<i32>} : memref<20000xf32, #tpu.memory_space<vmem>>, vector<16xf32>,
        %get3A_665 = vector.shape_cast %get3A_664 : vector<16xf32> to vector<16xf32>
        %gt3A_666 = arith.cmpf ogt, %get3A_665, %scan3A_617 : vector<16xf32>
        %max3A_667 = arith.maximumf %scan3A_617, %get3A_665 : vector<16xf32>
        %select_n3A_668 = arith.select %gt3A_666, %broadcast_in_dim3A_636, %scan3A_627 : vector<16xi1>, vector<16xi32>
        %add3A_669 = arith.constant 64 : i32
        %add3A_670 = arith.addi %mul3A_638, %add3A_669 : i32
        %get3A_671 = arith.index_cast %add3A_670 : i32 to index
        %get3A_672 = tpu.vector_load %arg6[%get3A_671] {strides = array<i32>} : memref<20000xf32, #tpu.memory_space<vmem>>, vector<16xf32>,
        %get3A_673 = vector.shape_cast %get3A_672 : vector<16xf32> to vector<16xf32>
        %gt3A_674 = arith.cmpf ogt, %get3A_673, %scan3A_618 : vector<16xf32>
        %max3A_675 = arith.maximumf %scan3A_618, %get3A_673 : vector<16xf32>
        %select_n3A_676 = arith.select %gt3A_674, %broadcast_in_dim3A_636, %scan3A_628 : vector<16xi1>, vector<16xi32>
        %add3A_677 = arith.constant 80 : i32
        %add3A_678 = arith.addi %mul3A_638, %add3A_677 : i32
        %get3A_679 = arith.index_cast %add3A_678 : i32 to index
        %get3A_680 = tpu.vector_load %arg6[%get3A_679] {strides = array<i32>} : memref<20000xf32, #tpu.memory_space<vmem>>, vector<16xf32>,
        %get3A_681 = vector.shape_cast %get3A_680 : vector<16xf32> to vector<16xf32>
        %gt3A_682 = arith.cmpf ogt, %get3A_681, %scan3A_619 : vector<16xf32>
        %max3A_683 = arith.maximumf %scan3A_619, %get3A_681 : vector<16xf32>
        %select_n3A_684 = arith.select %gt3A_682, %broadcast_in_dim3A_636, %scan3A_629 : vector<16xi1>, vector<16xi32>
        %add3A_685 = arith.constant 96 : i32
        %add3A_686 = arith.addi %mul3A_638, %add3A_685 : i32
        %get3A_687 = arith.index_cast %add3A_686 : i32 to index
        %get3A_688 = tpu.vector_load %arg6[%get3A_687] {strides = array<i32>} : memref<20000xf32, #tpu.memory_space<vmem>>, vector<16xf32>,
        %get3A_689 = vector.shape_cast %get3A_688 : vector<16xf32> to vector<16xf32>
        %gt3A_690 = arith.cmpf ogt, %get3A_689, %scan3A_620 : vector<16xf32>
        %max3A_691 = arith.maximumf %scan3A_620, %get3A_689 : vector<16xf32>
        %select_n3A_692 = arith.select %gt3A_690, %broadcast_in_dim3A_636, %scan3A_630 : vector<16xi1>, vector<16xi32>
        %add3A_693 = arith.constant 112 : i32
        %add3A_694 = arith.addi %mul3A_638, %add3A_693 : i32
        %get3A_695 = arith.index_cast %add3A_694 : i32 to index
        %get3A_696 = tpu.vector_load %arg6[%get3A_695] {strides = array<i32>} : memref<20000xf32, #tpu.memory_space<vmem>>, vector<16xf32>,
        %get3A_697 = vector.shape_cast %get3A_696 : vector<16xf32> to vector<16xf32>
        %gt3A_698 = arith.cmpf ogt, %get3A_697, %scan3A_621 : vector<16xf32>
        %max3A_699 = arith.maximumf %scan3A_621, %get3A_697 : vector<16xf32>
        %select_n3A_700 = arith.select %gt3A_698, %broadcast_in_dim3A_636, %scan3A_631 : vector<16xi1>, vector<16xi32>
        %add3A_701 = arith.constant 128 : i32
        %add3A_702 = arith.addi %mul3A_638, %add3A_701 : i32
        %get3A_703 = arith.index_cast %add3A_702 : i32 to index
        %get3A_704 = tpu.vector_load %arg6[%get3A_703] {strides = array<i32>} : memref<20000xf32, #tpu.memory_space<vmem>>, vector<16xf32>,
        %get3A_705 = vector.shape_cast %get3A_704 : vector<16xf32> to vector<16xf32>
        %gt3A_706 = arith.cmpf ogt, %get3A_705, %scan3A_622 : vector<16xf32>
        %max3A_707 = arith.maximumf %scan3A_622, %get3A_705 : vector<16xf32>
        %select_n3A_708 = arith.select %gt3A_706, %broadcast_in_dim3A_636, %scan3A_632 : vector<16xi1>, vector<16xi32>
        %add3A_709 = arith.constant 144 : i32
        %add3A_710 = arith.addi %mul3A_638, %add3A_709 : i32
        %get3A_711 = arith.index_cast %add3A_710 : i32 to index
        %get3A_712 = tpu.vector_load %arg6[%get3A_711] {strides = array<i32>} : memref<20000xf32, #tpu.memory_space<vmem>>, vector<16xf32>,
        %get3A_713 = vector.shape_cast %get3A_712 : vector<16xf32> to vector<16xf32>
        %gt3A_714 = arith.cmpf ogt, %get3A_713, %scan3A_623 : vector<16xf32>
        %max3A_715 = arith.maximumf %scan3A_623, %get3A_713 : vector<16xf32>
        %select_n3A_716 = arith.select %gt3A_714, %broadcast_in_dim3A_636, %scan3A_633 : vector<16xi1>, vector<16xi32>
        scf.yield %max3A, %max3A_651, %max3A_659, %max3A_667, %max3A_675, %max3A_683, %max3A_691, %max3A_699, %max3A_707, %max3A_715, %select_n3A_644, %select_n3A_652, %select_n3A_660, %select_n3A_668, %select_n3A_676, %select_n3A_684, %select_n3A_692, %select_n3A_700, %select_n3A_708, %select_n3A_716 : vector<16xf32>, vector<16xf32>, vector<16xf32>, vector<16xf32>, vector<16xf32>, vector<16xf32>, vector<16xf32>, vector<16xf32>, vector<16xf32>, vector<16xf32>, vector<16xi32>, vector<16xi32>, vector<16xi32>, vector<16xi32>, vector<16xi32>, vector<16xi32>, vector<16xi32>, vector<16xi32>, vector<16xi32>, vector<16xi32>
      }
      %scan3A_468 = arith.constant 125 : i32
      %mul3A_469 = arith.constant 160 : i32
      %mul3A_470 = vector.broadcast %mul3A_469 : i32 to vector<16xi32>
      %mul3A_471 = arith.muli %scan3A_467#10, %mul3A_470 : vector<16xi32>
      %add3A_472 = arith.addi %mul3A_471, %iota3A : vector<16xi32>
      %mul3A_473 = arith.constant 160 : i32
      %mul3A_474 = vector.broadcast %mul3A_473 : i32 to vector<16xi32>
      %mul3A_475 = arith.muli %scan3A_467#11, %mul3A_474 : vector<16xi32>
      %add3A_476 = arith.constant 16 : i32
      %add3A_477 = vector.broadcast %add3A_476 : i32 to vector<16xi32>
      %add3A_478 = arith.addi %mul3A_475, %add3A_477 : vector<16xi32>
      %add3A_479 = arith.addi %add3A_478, %iota3A : vector<16xi32>
      %gt3A_480 = arith.cmpf ogt, %scan3A_467#1, %scan3A_467#0 : vector<16xf32>
      %eq3A_481 = arith.cmpf oeq, %scan3A_467#1, %scan3A_467#0 : vector<16xf32>
      %lt3A_482 = arith.cmpi slt, %add3A_479, %add3A_472 : vector<16xi32>
      %and3A_483 = arith.andi %eq3A_481, %lt3A_482 : vector<16xi1>
      %or3A_484 = arith.ori %gt3A_480, %and3A_483 : vector<16xi1>
      %select_n3A_485 = arith.select %or3A_484, %scan3A_467#1, %scan3A_467#0 : vector<16xi1>, vector<16xf32>
      %select_n3A_486 = arith.select %or3A_484, %add3A_479, %add3A_472 : vector<16xi1>, vector<16xi32>
      %mul3A_487 = arith.constant 160 : i32
      %mul3A_488 = vector.broadcast %mul3A_487 : i32 to vector<16xi32>
      %mul3A_489 = arith.muli %scan3A_467#12, %mul3A_488 : vector<16xi32>
      %add3A_490 = arith.constant 32 : i32
      %add3A_491 = vector.broadcast %add3A_490 : i32 to vector<16xi32>
      %add3A_492 = arith.addi %mul3A_489, %add3A_491 : vector<16xi32>
      %add3A_493 = arith.addi %add3A_492, %iota3A : vector<16xi32>
      %gt3A_494 = arith.cmpf ogt, %scan3A_467#2, %select_n3A_485 : vector<16xf32>
      %eq3A_495 = arith.cmpf oeq, %scan3A_467#2, %select_n3A_485 : vector<16xf32>
      %lt3A_496 = arith.cmpi slt, %add3A_493, %select_n3A_486 : vector<16xi32>
      %and3A_497 = arith.andi %eq3A_495, %lt3A_496 : vector<16xi1>
      %or3A_498 = arith.ori %gt3A_494, %and3A_497 : vector<16xi1>
      %select_n3A_499 = arith.select %or3A_498, %scan3A_467#2, %select_n3A_485 : vector<16xi1>, vector<16xf32>
      %select_n3A_500 = arith.select %or3A_498, %add3A_493, %select_n3A_486 : vector<16xi1>, vector<16xi32>
      %mul3A_501 = arith.constant 160 : i32
      %mul3A_502 = vector.broadcast %mul3A_501 : i32 to vector<16xi32>
      %mul3A_503 = arith.muli %scan3A_467#13, %mul3A_502 : vector<16xi32>
      %add3A_504 = arith.constant 48 : i32
      %add3A_505 = vector.broadcast %add3A_504 : i32 to vector<16xi32>
      %add3A_506 = arith.addi %mul3A_503, %add3A_505 : vector<16xi32>
      %add3A_507 = arith.addi %add3A_506, %iota3A : vector<16xi32>
      %gt3A_508 = arith.cmpf ogt, %scan3A_467#3, %select_n3A_499 : vector<16xf32>
      %eq3A_509 = arith.cmpf oeq, %scan3A_467#3, %select_n3A_499 : vector<16xf32>
      %lt3A_510 = arith.cmpi slt, %add3A_507, %select_n3A_500 : vector<16xi32>
      %and3A_511 = arith.andi %eq3A_509, %lt3A_510 : vector<16xi1>
      %or3A_512 = arith.ori %gt3A_508, %and3A_511 : vector<16xi1>
      %select_n3A_513 = arith.select %or3A_512, %scan3A_467#3, %select_n3A_499 : vector<16xi1>, vector<16xf32>
      %select_n3A_514 = arith.select %or3A_512, %add3A_507, %select_n3A_500 : vector<16xi1>, vector<16xi32>
      %mul3A_515 = arith.constant 160 : i32
      %mul3A_516 = vector.broadcast %mul3A_515 : i32 to vector<16xi32>
      %mul3A_517 = arith.muli %scan3A_467#14, %mul3A_516 : vector<16xi32>
      %add3A_518 = arith.constant 64 : i32
      %add3A_519 = vector.broadcast %add3A_518 : i32 to vector<16xi32>
      %add3A_520 = arith.addi %mul3A_517, %add3A_519 : vector<16xi32>
      %add3A_521 = arith.addi %add3A_520, %iota3A : vector<16xi32>
      %gt3A_522 = arith.cmpf ogt, %scan3A_467#4, %select_n3A_513 : vector<16xf32>
      %eq3A_523 = arith.cmpf oeq, %scan3A_467#4, %select_n3A_513 : vector<16xf32>
      %lt3A_524 = arith.cmpi slt, %add3A_521, %select_n3A_514 : vector<16xi32>
      %and3A_525 = arith.andi %eq3A_523, %lt3A_524 : vector<16xi1>
      %or3A_526 = arith.ori %gt3A_522, %and3A_525 : vector<16xi1>
      %select_n3A_527 = arith.select %or3A_526, %scan3A_467#4, %select_n3A_513 : vector<16xi1>, vector<16xf32>
      %select_n3A_528 = arith.select %or3A_526, %add3A_521, %select_n3A_514 : vector<16xi1>, vector<16xi32>
      %mul3A_529 = arith.constant 160 : i32
      %mul3A_530 = vector.broadcast %mul3A_529 : i32 to vector<16xi32>
      %mul3A_531 = arith.muli %scan3A_467#15, %mul3A_530 : vector<16xi32>
      %add3A_532 = arith.constant 80 : i32
      %add3A_533 = vector.broadcast %add3A_532 : i32 to vector<16xi32>
      %add3A_534 = arith.addi %mul3A_531, %add3A_533 : vector<16xi32>
      %add3A_535 = arith.addi %add3A_534, %iota3A : vector<16xi32>
      %gt3A_536 = arith.cmpf ogt, %scan3A_467#5, %select_n3A_527 : vector<16xf32>
      %eq3A_537 = arith.cmpf oeq, %scan3A_467#5, %select_n3A_527 : vector<16xf32>
      %lt3A_538 = arith.cmpi slt, %add3A_535, %select_n3A_528 : vector<16xi32>
      %and3A_539 = arith.andi %eq3A_537, %lt3A_538 : vector<16xi1>
      %or3A_540 = arith.ori %gt3A_536, %and3A_539 : vector<16xi1>
      %select_n3A_541 = arith.select %or3A_540, %scan3A_467#5, %select_n3A_527 : vector<16xi1>, vector<16xf32>
      %select_n3A_542 = arith.select %or3A_540, %add3A_535, %select_n3A_528 : vector<16xi1>, vector<16xi32>
      %mul3A_543 = arith.constant 160 : i32
      %mul3A_544 = vector.broadcast %mul3A_543 : i32 to vector<16xi32>
      %mul3A_545 = arith.muli %scan3A_467#16, %mul3A_544 : vector<16xi32>
      %add3A_546 = arith.constant 96 : i32
      %add3A_547 = vector.broadcast %add3A_546 : i32 to vector<16xi32>
      %add3A_548 = arith.addi %mul3A_545, %add3A_547 : vector<16xi32>
      %add3A_549 = arith.addi %add3A_548, %iota3A : vector<16xi32>
      %gt3A_550 = arith.cmpf ogt, %scan3A_467#6, %select_n3A_541 : vector<16xf32>
      %eq3A_551 = arith.cmpf oeq, %scan3A_467#6, %select_n3A_541 : vector<16xf32>
      %lt3A_552 = arith.cmpi slt, %add3A_549, %select_n3A_542 : vector<16xi32>
      %and3A_553 = arith.andi %eq3A_551, %lt3A_552 : vector<16xi1>
      %or3A_554 = arith.ori %gt3A_550, %and3A_553 : vector<16xi1>
      %select_n3A_555 = arith.select %or3A_554, %scan3A_467#6, %select_n3A_541 : vector<16xi1>, vector<16xf32>
      %select_n3A_556 = arith.select %or3A_554, %add3A_549, %select_n3A_542 : vector<16xi1>, vector<16xi32>
      %mul3A_557 = arith.constant 160 : i32
      %mul3A_558 = vector.broadcast %mul3A_557 : i32 to vector<16xi32>
      %mul3A_559 = arith.muli %scan3A_467#17, %mul3A_558 : vector<16xi32>
      %add3A_560 = arith.constant 112 : i32
      %add3A_561 = vector.broadcast %add3A_560 : i32 to vector<16xi32>
      %add3A_562 = arith.addi %mul3A_559, %add3A_561 : vector<16xi32>
      %add3A_563 = arith.addi %add3A_562, %iota3A : vector<16xi32>
      %gt3A_564 = arith.cmpf ogt, %scan3A_467#7, %select_n3A_555 : vector<16xf32>
      %eq3A_565 = arith.cmpf oeq, %scan3A_467#7, %select_n3A_555 : vector<16xf32>
      %lt3A_566 = arith.cmpi slt, %add3A_563, %select_n3A_556 : vector<16xi32>
      %and3A_567 = arith.andi %eq3A_565, %lt3A_566 : vector<16xi1>
      %or3A_568 = arith.ori %gt3A_564, %and3A_567 : vector<16xi1>
      %select_n3A_569 = arith.select %or3A_568, %scan3A_467#7, %select_n3A_555 : vector<16xi1>, vector<16xf32>
      %select_n3A_570 = arith.select %or3A_568, %add3A_563, %select_n3A_556 : vector<16xi1>, vector<16xi32>
      %mul3A_571 = arith.constant 160 : i32
      %mul3A_572 = vector.broadcast %mul3A_571 : i32 to vector<16xi32>
      %mul3A_573 = arith.muli %scan3A_467#18, %mul3A_572 : vector<16xi32>
      %add3A_574 = arith.constant 128 : i32
      %add3A_575 = vector.broadcast %add3A_574 : i32 to vector<16xi32>
      %add3A_576 = arith.addi %mul3A_573, %add3A_575 : vector<16xi32>
      %add3A_577 = arith.addi %add3A_576, %iota3A : vector<16xi32>
      %gt3A_578 = arith.cmpf ogt, %scan3A_467#8, %select_n3A_569 : vector<16xf32>
      %eq3A_579 = arith.cmpf oeq, %scan3A_467#8, %select_n3A_569 : vector<16xf32>
      %lt3A_580 = arith.cmpi slt, %add3A_577, %select_n3A_570 : vector<16xi32>
      %and3A_581 = arith.andi %eq3A_579, %lt3A_580 : vector<16xi1>
      %or3A_582 = arith.ori %gt3A_578, %and3A_581 : vector<16xi1>
      %select_n3A_583 = arith.select %or3A_582, %scan3A_467#8, %select_n3A_569 : vector<16xi1>, vector<16xf32>
      %select_n3A_584 = arith.select %or3A_582, %add3A_577, %select_n3A_570 : vector<16xi1>, vector<16xi32>
      %mul3A_585 = arith.constant 160 : i32
      %mul3A_586 = vector.broadcast %mul3A_585 : i32 to vector<16xi32>
      %mul3A_587 = arith.muli %scan3A_467#19, %mul3A_586 : vector<16xi32>
      %add3A_588 = arith.constant 144 : i32
      %add3A_589 = vector.broadcast %add3A_588 : i32 to vector<16xi32>
      %add3A_590 = arith.addi %mul3A_587, %add3A_589 : vector<16xi32>
      %add3A_591 = arith.addi %add3A_590, %iota3A : vector<16xi32>
      %gt3A_592 = arith.cmpf ogt, %scan3A_467#9, %select_n3A_583 : vector<16xf32>
      %eq3A_593 = arith.cmpf oeq, %scan3A_467#9, %select_n3A_583 : vector<16xf32>
      %lt3A_594 = arith.cmpi slt, %add3A_591, %select_n3A_584 : vector<16xi32>
      %and3A_595 = arith.andi %eq3A_593, %lt3A_594 : vector<16xi1>
      %or3A_596 = arith.ori %gt3A_592, %and3A_595 : vector<16xi1>
      %select_n3A_597 = arith.select %or3A_596, %scan3A_467#9, %select_n3A_583 : vector<16xi1>, vector<16xf32>
      %select_n3A_598 = arith.select %or3A_596, %add3A_591, %select_n3A_584 : vector<16xi1>, vector<16xi32>
      %sub3A_599 = arith.subi %add3A_444, %mul3A_2 : i32
      %mul3A_600 = arith.constant 16 : i32
      %mul3A_601 = arith.muli %sub3A_599, %mul3A_600 : i32
      %swap3A_602 = arith.index_cast %mul3A_601 : i32 to index
      %swap3A_603 = tpu.vector_load %arg7[%swap3A_602] {strides = array<i32>} : memref<512xf32, #tpu.memory_space<vmem>>, vector<16xf32>,
      %swap3A_604 = vector.shape_cast %swap3A_603 : vector<16xf32> to vector<16xf32>
      %swap3A_605 = vector.shape_cast %select_n3A_597 : vector<16xf32> to vector<16xf32>
      tpu.vector_store %arg7[%swap3A_602], %swap3A_605 {strides = array<i32>} : memref<512xf32, #tpu.memory_space<vmem>>, vector<16xf32>,
      %sub3A_606 = arith.subi %add3A_444, %mul3A_2 : i32
      %mul3A_607 = arith.constant 16 : i32
      %mul3A_608 = arith.muli %sub3A_606, %mul3A_607 : i32
      %swap3A_609 = arith.index_cast %mul3A_608 : i32 to index
      %swap3A_610 = tpu.vector_load %arg8[%swap3A_609] {strides = array<i32>} : memref<512xi32, #tpu.memory_space<vmem>>, vector<16xi32>,
      %swap3A_611 = vector.shape_cast %swap3A_610 : vector<16xi32> to vector<16xi32>
      %swap3A_612 = vector.shape_cast %select_n3A_598 : vector<16xi32> to vector<16xi32>
      tpu.vector_store %arg8[%swap3A_609], %swap3A_612 {strides = array<i32>} : memref<512xi32, #tpu.memory_space<vmem>>, vector<16xi32>,
    }
    %scan3A_12 = arith.constant 16 : i32
    %add3A_13 = arith.constant 32 : i32
    %add3A_14 = arith.addi %mul3A_2, %add3A_13 : i32
    %sub3A = arith.constant 1 : i32
    %sub3A_15 = arith.subi %add3A_14, %sub3A : i32
    %mul3A_16 = arith.constant 100000 : i32
    %mul3A_17 = arith.muli %sub3A_15, %mul3A_16 : i32
    %add3A_18 = arith.constant 0 : i32
    %add3A_19 = arith.addi %mul3A_17, %add3A_18 : i32
    %dma_wait3A = tpu.memref_slice %arg2[%add3A_19] : memref<102400000xf32, #tpu.memory_space<hbm>> -> memref<20000xf32, #tpu.memory_space<hbm>>
    %dma_wait3A_20 = tpu.memref_slice %arg2[%add3A_19] : memref<102400000xf32, #tpu.memory_space<hbm>> -> memref<20000xf32, #tpu.memory_space<hbm>>
    tpu.wait_dma2 semaphore(%arg9 : memref<!tpu.dma_semaphore, #tpu.memory_space<semaphore_mem>>) src(%dma_wait3A_20 : memref<20000xf32, #tpu.memory_space<hbm>>) dst(%arg5 : memref<20000xf32, #tpu.memory_space<vmem>>)
    %mul3A_21 = arith.constant 16 : i32
    %mul3A_22 = arith.muli %mul3A_2, %mul3A_21 : i32
    "tpu.region"() ({
      %run_scoped3A = tpu.sem_alloc : memref<!tpu.dma_semaphore, #tpu.memory_space<semaphore_mem>>
      %dma_start3A_25 = tpu.memref_slice %arg3[%mul3A_22] : memref<16384xf32, #tpu.memory_space<hbm>> -> memref<512xf32, #tpu.memory_space<hbm>>
      %dma_start3A_26 = tpu.memref_slice %arg3[%mul3A_22] : memref<16384xf32, #tpu.memory_space<hbm>> -> memref<512xf32, #tpu.memory_space<hbm>>
      tpu.enqueue_dma source(%arg7 : memref<512xf32, #tpu.memory_space<vmem>>) target(%dma_start3A_26 : memref<512xf32, #tpu.memory_space<hbm>>) target_semaphore(%run_scoped3A : memref<!tpu.dma_semaphore, #tpu.memory_space<semaphore_mem>>)
      %dma_wait3A_27 = tpu.memref_slice %arg3[%mul3A_22] : memref<16384xf32, #tpu.memory_space<hbm>> -> memref<512xf32, #tpu.memory_space<hbm>>
      %dma_wait3A_28 = tpu.memref_slice %arg3[%mul3A_22] : memref<16384xf32, #tpu.memory_space<hbm>> -> memref<512xf32, #tpu.memory_space<hbm>>
      tpu.wait_dma2 semaphore(%run_scoped3A : memref<!tpu.dma_semaphore, #tpu.memory_space<semaphore_mem>>) src(%arg7 : memref<512xf32, #tpu.memory_space<vmem>>) dst(%dma_wait3A_28 : memref<512xf32, #tpu.memory_space<hbm>>)
      tpu.yield
    }) : () -> ()
    %mul3A_23 = arith.constant 16 : i32
    %mul3A_24 = arith.muli %mul3A_2, %mul3A_23 : i32
    "tpu.region"() ({
      %run_scoped3A = tpu.sem_alloc : memref<!tpu.dma_semaphore, #tpu.memory_space<semaphore_mem>>
      %dma_start3A_25 = tpu.memref_slice %arg4[%mul3A_24] : memref<16384xi32, #tpu.memory_space<hbm>> -> memref<512xi32, #tpu.memory_space<hbm>>
      %dma_start3A_26 = tpu.memref_slice %arg4[%mul3A_24] : memref<16384xi32, #tpu.memory_space<hbm>> -> memref<512xi32, #tpu.memory_space<hbm>>
      tpu.enqueue_dma source(%arg8 : memref<512xi32, #tpu.memory_space<vmem>>) target(%dma_start3A_26 : memref<512xi32, #tpu.memory_space<hbm>>) target_semaphore(%run_scoped3A : memref<!tpu.dma_semaphore, #tpu.memory_space<semaphore_mem>>)
      %dma_wait3A_27 = tpu.memref_slice %arg4[%mul3A_24] : memref<16384xi32, #tpu.memory_space<hbm>> -> memref<512xi32, #tpu.memory_space<hbm>>
      %dma_wait3A_28 = tpu.memref_slice %arg4[%mul3A_24] : memref<16384xi32, #tpu.memory_space<hbm>> -> memref<512xi32, #tpu.memory_space<hbm>>
      tpu.wait_dma2 semaphore(%run_scoped3A : memref<!tpu.dma_semaphore, #tpu.memory_space<semaphore_mem>>) src(%arg8 : memref<512xi32, #tpu.memory_space<vmem>>) dst(%dma_wait3A_28 : memref<512xi32, #tpu.memory_space<hbm>>)
      tpu.yield
    }) : () -> ()
    return
  }
}

module attributes {stable_mosaic.version = 14 : i64} {
  func.func @_fold_body(%arg0: memref<1024x16xf32, #tpu.memory_space<vmem>>, %arg1: memref<1024x16xi32, #tpu.memory_space<vmem>>, %arg2: memref<1024x1xi32, #tpu.memory_space<vmem>>) attributes {dimension_semantics = [], scalar_prefetch = 0 : i64, scratch_operands = 0 : i64, tpu.core_type = #tpu.core_type<tc>} {
    %get3A = arith.constant 0 : index
    %get3A_0 = arith.constant 0 : index
    %get3A_1 = vector.load %arg0[%get3A, %get3A_0] : memref<1024x16xf32, #tpu.memory_space<vmem>>, vector<1024x16xf32>
    %get3A_2 = arith.constant 0 : index
    %get3A_3 = arith.constant 0 : index
    %get3A_4 = vector.load %arg1[%get3A_2, %get3A_3] : memref<1024x16xi32, #tpu.memory_space<vmem>>, vector<1024x16xi32>
    %reduce_max3A = arith.constant dense<0xFF800000> : vector<1024xf32>
    %reduce_max3A_5 = vector.multi_reduction <maximumf>, %get3A_1, %reduce_max3A [1] : vector<1024x16xf32> to vector<1024xf32>
    %broadcast_in_dim3A = vector.shape_cast %reduce_max3A_5 : vector<1024xf32> to vector<1024x1xf32>
    %eq3A = vector.broadcast %broadcast_in_dim3A : vector<1024x1xf32> to vector<1024x16xf32>
    %eq3A_6 = arith.cmpf oeq, %get3A_1, %eq3A : vector<1024x16xf32>
    %jit3A = arith.constant 1073741824 : i32
    %broadcast_in_dim3A_7 = vector.broadcast %jit3A : i32 to vector<1024x16xi32>
    %select_n3A = arith.select %eq3A_6, %get3A_4, %broadcast_in_dim3A_7 : vector<1024x16xi1>, vector<1024x16xi32>
    %reduce_min3A = arith.constant dense<2147483647> : vector<1024xi32>
    %reduce_min3A_8 = vector.multi_reduction <minsi>, %select_n3A, %reduce_min3A [1] : vector<1024x16xi32> to vector<1024xi32>
    %broadcast_in_dim3A_9 = vector.shape_cast %reduce_min3A_8 : vector<1024xi32> to vector<1024x1xi32>
    %swap3A = arith.constant 0 : index
    %swap3A_10 = arith.constant 0 : index
    %swap3A_11 = vector.load %arg2[%swap3A, %swap3A_10] : memref<1024x1xi32, #tpu.memory_space<vmem>>, vector<1024x1xi32>
    tpu.vector_store %arg2[%swap3A, %swap3A_10], %broadcast_in_dim3A_9 {strides = array<i32>} : memref<1024x1xi32, #tpu.memory_space<vmem>>, vector<1024x1xi32>,
    return
  }
}

module attributes {stable_mosaic.version = 14 : i64} {
  func.func @_finish_body(%arg0: memref<128x8xi32, #tpu.memory_space<vmem>>, %arg1: memref<128x8xi32, #tpu.memory_space<vmem>>, %arg2: memref<128x1xi32, #tpu.memory_space<vmem>>, %arg3: memref<128x9xi32, #tpu.memory_space<vmem>>, %arg4: memref<128x1xi32, #tpu.memory_space<vmem>>, %arg5: memref<128x1xi32, #tpu.memory_space<vmem>>) attributes {dimension_semantics = [], scalar_prefetch = 0 : i64, scratch_operands = 0 : i64, tpu.core_type = #tpu.core_type<tc>} {
    %get3A = arith.constant 0 : index
    %get3A_0 = arith.constant 0 : index
    %get3A_1 = vector.load %arg0[%get3A, %get3A_0] : memref<128x8xi32, #tpu.memory_space<vmem>>, vector<128x8xi32>
    %get3A_2 = arith.constant 0 : index
    %get3A_3 = arith.constant 0 : index
    %get3A_4 = vector.load %arg1[%get3A_2, %get3A_3] : memref<128x8xi32, #tpu.memory_space<vmem>>, vector<128x8xi32>
    %get3A_5 = arith.constant 0 : index
    %get3A_6 = arith.constant 0 : index
    %get3A_7 = vector.load %arg2[%get3A_5, %get3A_6] : memref<128x1xi32, #tpu.memory_space<vmem>>, vector<128x1xi32>
    %iota3A = tpu.iota {dimensions = array<i32: 1>} : vector<128x8xi32>
    %eq3A = arith.cmpi eq, %get3A_1, %get3A_4 : vector<128x8xi32>
    %jit3A = arith.constant 8 : i32
    %broadcast_in_dim3A = vector.broadcast %jit3A : i32 to vector<128x8xi32>
    %select_n3A = arith.select %eq3A, %broadcast_in_dim3A, %iota3A : vector<128x8xi1>, vector<128x8xi32>
    %reduce_min3A = arith.constant dense<2147483647> : vector<128xi32>
    %reduce_min3A_8 = vector.multi_reduction <minsi>, %select_n3A, %reduce_min3A [1] : vector<128x8xi32> to vector<128xi32>
    %broadcast_in_dim3A_9 = vector.shape_cast %reduce_min3A_8 : vector<128xi32> to vector<128x1xi32>
    %le3A = vector.broadcast %broadcast_in_dim3A_9 : vector<128x1xi32> to vector<128x8xi32>
    %le3A_10 = arith.cmpi sle, %iota3A, %le3A : vector<128x8xi32>
    %jit3A_11 = arith.constant -1 : i32
    %broadcast_in_dim3A_12 = vector.broadcast %jit3A_11 : i32 to vector<128x8xi32>
    %select_n3A_13 = arith.select %le3A_10, %get3A_1, %broadcast_in_dim3A_12 : vector<128x8xi1>, vector<128x8xi32>
    %swap3A = arith.constant 0 : index
    %swap3A_14 = arith.constant 0 : index
    %swap3A_15 = vector.load %arg3[%swap3A, %swap3A_14] : memref<128x9xi32, #tpu.memory_space<vmem>>, vector<128x8xi32>
    tpu.vector_store %arg3[%swap3A, %swap3A_14], %select_n3A_13 {strides = array<i32>} : memref<128x9xi32, #tpu.memory_space<vmem>>, vector<128x8xi32>,
    %eq3A_16 = arith.constant 8 : i32
    %eq3A_17 = vector.broadcast %eq3A_16 : i32 to vector<128x1xi32>
    %eq3A_18 = arith.cmpi eq, %broadcast_in_dim3A_9, %eq3A_17 : vector<128x1xi32>
    %jit3A_19 = arith.constant -1 : i32
    %broadcast_in_dim3A_20 = vector.broadcast %jit3A_19 : i32 to vector<128x1xi32>
    %select_n3A_21 = arith.select %eq3A_18, %get3A_7, %broadcast_in_dim3A_20 : vector<128x1xi1>, vector<128x1xi32>
    %swap3A_22 = arith.constant 0 : index
    %swap3A_23 = arith.constant 8 : index
    %swap3A_24 = vector.load %arg3[%swap3A_22, %swap3A_23] : memref<128x9xi32, #tpu.memory_space<vmem>>, vector<128x1xi32>
    tpu.vector_store %arg3[%swap3A_22, %swap3A_23], %select_n3A_21 {strides = array<i32>} : memref<128x9xi32, #tpu.memory_space<vmem>>, vector<128x1xi32>,
    %sub3A = arith.constant 8 : i32
    %sub3A_25 = vector.broadcast %sub3A : i32 to vector<128x1xi32>
    %sub3A_26 = arith.subi %sub3A_25, %broadcast_in_dim3A_9 : vector<128x1xi32>
    %swap3A_27 = arith.constant 0 : index
    %swap3A_28 = arith.constant 0 : index
    %swap3A_29 = vector.load %arg4[%swap3A_27, %swap3A_28] : memref<128x1xi32, #tpu.memory_space<vmem>>, vector<128x1xi32>
    tpu.vector_store %arg4[%swap3A_27, %swap3A_28], %sub3A_26 {strides = array<i32>} : memref<128x1xi32, #tpu.memory_space<vmem>>, vector<128x1xi32>,
    %eq3A_30 = vector.broadcast %broadcast_in_dim3A_9 : vector<128x1xi32> to vector<128x8xi32>
    %eq3A_31 = arith.cmpi eq, %iota3A, %eq3A_30 : vector<128x8xi32>
    %jit3A_32 = arith.constant 0 : i32
    %broadcast_in_dim3A_33 = vector.broadcast %jit3A_32 : i32 to vector<128x8xi32>
    %select_n3A_34 = arith.select %eq3A_31, %get3A_1, %broadcast_in_dim3A_33 : vector<128x8xi1>, vector<128x8xi32>
    %reduce_sum3A = arith.constant dense<0> : vector<128xi32>
    %reduce_sum3A_35 = vector.multi_reduction <add>, %select_n3A_34, %reduce_sum3A [1] : vector<128x8xi32> to vector<128xi32>
    %broadcast_in_dim3A_36 = vector.shape_cast %reduce_sum3A_35 : vector<128xi32> to vector<128x1xi32>
    %eq3A_37 = arith.constant 8 : i32
    %eq3A_38 = vector.broadcast %eq3A_37 : i32 to vector<128x1xi32>
    %eq3A_39 = arith.cmpi eq, %broadcast_in_dim3A_9, %eq3A_38 : vector<128x1xi32>
    %select_n3A_40 = arith.select %eq3A_39, %get3A_7, %broadcast_in_dim3A_36 : vector<128x1xi1>, vector<128x1xi32>
    %swap3A_41 = arith.constant 0 : index
    %swap3A_42 = arith.constant 0 : index
    %swap3A_43 = vector.load %arg5[%swap3A_41, %swap3A_42] : memref<128x1xi32, #tpu.memory_space<vmem>>, vector<128x1xi32>
    tpu.vector_store %arg5[%swap3A_41, %swap3A_42], %select_n3A_40 {strides = array<i32>} : memref<128x1xi32, #tpu.memory_space<vmem>>, vector<128x1xi32>,
    return
  }
}

</mosaic_0001>

<sc_bundles>
// kernel: kernel.5.cloned.1.call-start
scs
__scs_entry_jumppad:
0x0: {  	(pc) =	sbr.rel $0x88, $3  }
0x1: {  	(tag) =	ssettag $0x0;
	lr =	simm.s32 $0x1  }
0x2: {  	[smem:$0x3F9E] =	sst lr;
	_ =	strace $0xD0000000  }
0x3: {  	_ = 	snop  }
0x4: {  	_ = 	snop  }
0x5: {  	_ = 	snop  }
0x6: {  	_ = 	snop  }
0x7: {  	_ = 	snop  }
__scs_overlays_trampoline_lowered:
0x8: {  	[smem:$0x3FAD] =	sst s0  }
0x9: {  	[smem:$0x3FAE] =	sst s1  }
0xa: {  	[smem:$0x3FAF] =	sst s2  }
0xb: {  	[smem:$0x3FB0] =	sst s3  }
0xc: {  	[smem:$0x3FB1] =	sst s4  }
0xd: {  	[smem:$0x3FB2] =	sst s5  }
0xe: {  	[smem:$0x3FB3] =	sst s6  }
0xf: {  	[smem:$0x3FB4] =	sst s7  }
0x10: {  	[smem:$0x3FB5] =	sst s8  }
0x11: {  	[smem:$0x3FB6] =	sst s9;
	s0 =	simm.s32 @!p0 $0x0  }
0x12: {  	s1 =	sld [smem:$0x3F9C];
	s0 =	simm.s32 @p0 $0x1  }
0x13: {  	[smem:$0x3FB7] =	sst s0;
	s0 =	simm.s32 @!p1 $0x0  }
0x14: {  	s2 =	sld [smem:$0x3F9B];
	s0 =	simm.s32 @p1 $0x1  }
0x15: {  	[smem:$0x3FB8] =	sst s0;
	s0 =	simm.s32 @!p2 $0x0  }
0x16: {  	s3 =	sld [smem:$0x3FDB];
	s0 =	simm.s32 @p2 $0x1  }
0x17: {  	s4 =	simm.s32 $0x1BF5;
	[smem:$0x3FBA] =	sst s0  }
0x18: {  	s0 =	sld [smem:$0x3F9D];
	_ =	swait.ge [sflag:s4], $0x0  }
0x19: {  	s7 =	sld [smem:$0x3F9E]  }
0x1a: {  	s8 =	sadd.s32 $0xFFFFE003, lr  }
0x1b: {  	s9 =	sadd.s32 $0xFFFFFEF7, lr;
	s5 =	simm.s32 $0xFFFFFFFF;
	p2 =	slt.u32 s8, $0xFFFFF086  }
0x1c: {  	p1 =	slt.u32 s9, $0xF7A;
	s5 =	simm.s32 @!p2 $0x0  }
0x1d: {  	s5 =	simm.s32 @p1 $0x1;
	p0 =	seq.s32 s7, s2  }
0x1e: {  	s7 =	smul.u32 @!p0 $0xF7A, s2;
	p2 =	seq.s32 @!p0 s5, $0x0  }
0x1f: {  	s9 =	smul.u32 $0xF7A, s1;
	s8 =	simm.s32 @!p0 $0x1BF5;
	p2 =	por !p2, p0  }
0x20: {  	[sflag:s8] =	ssyncset.s32 @!p0 $0xFFFFF086;
	s6 =	sadd.s32 @!p0 s3, s7;
	s7 =	simm.s32 @!p0 $0x108  }
0x21: {  	s3 =	sadd.s32 s3, s9;
	s6 =	sadd.s32 @!p0 $0x88, s6;
	s7 =	simm.s32 @p2 $0x1082  }
0x22: {  	[simem:s7], [sflag:s8] =	dma.local @!p0 [hbm:s6], $0xF7A  }
0x23: {  	s9 =	sor.u32 $0xD0000000, s2;
	s6 =	simm.s32 $0x108;
	_ =	swait.ge @!p0 [sflag:s8], $0x0  }
0x24: {  	s3 =	sadd.s32 $0x88, s3;
	s6 =	simm.s32 @!p1 $0x1082;
	[sflag:s4] =	ssyncset.s32 $0xFFFFF086  }
0x25: {  	[simem:s6], [sflag:s4] =	dma.local [hbm:s3], $0xF7A  }
0x26: {  	[smem:$0x3F9E] =	sst s1;
	(tag) =	ssettag s2;
	_ =	strace s9  }
0x27: {  	s1 =	sld [smem:$0x3FAE]  }
0x28: {  	s2 =	sld [smem:$0x3FAF]  }
0x29: {  	s4 =	sld [smem:$0x3FB1]  }
0x2a: {  	p0 =	seq.s32 s5, $0x0;
	s5 =	sld [smem:$0x3FB2]  }
0x2b: {  	s6 =	sld [smem:$0x3FB3]  }
0x2c: {  	s7 =	sld [smem:$0x3FB4]  }
0x2d: {  	s3 =	simm.s32 $0x108;
	s8 =	sld [smem:$0x3FB5]  }
0x2e: {  	s3 =	simm.s32 @!p0 $0x1082;
	s9 =	sld [smem:$0x3FB6]  }
0x2f: {  	lr =	sadd.s32 s0, s3;
	s0 =	sld [smem:$0x3FAD]  }
0x30: {  	s3 =	sld [smem:$0x3FB0]  }
0x31: {  	[smem:$0x3FB9] =	sst s10  }
0x32: {  	s10 =	sld [smem:$0x3FB7];
	_ =	sdelay $0x3  }
0x33: {  	p0 =	seq.s32 s10, $0x1;
	s10 =	sld [smem:$0x3FB9];
	_ =	sdelay $0x3  }
0x34: {  	[smem:$0x3FB9] =	sst s10  }
0x35: {  	s10 =	sld [smem:$0x3FB8];
	_ =	sdelay $0x3  }
0x36: {  	p1 =	seq.s32 s10, $0x1;
	s10 =	sld [smem:$0x3FB9];
	_ =	sdelay $0x3  }
0x37: {  	[smem:$0x3FB9] =	sst s10  }
0x38: {  	s10 =	sld [smem:$0x3FBA]  }
0x39: {  	_ = 	snop;
	(pc) =	sbr.ind lr, $3  }
0x3a: {  	_ = 	snop  }
0x3b: {  	_ = 	snop  }
0x3c: {  	p2 =	seq.s32 s10, $0x1;
	s10 =	sld [smem:$0x3FB9]  }
0x3d: {  	_ =	shalt  }
0x3e: {  	_ =	shalt  }
0x3f: {  	_ =	shalt  }
0x40: {  	_ =	shalt  }
0x41: {  	_ =	shalt  }
0x42: {  	_ =	shalt  }
0x43: {  	_ =	shalt  }
0x44: {  	_ =	shalt  }
0x45: {  	_ =	shalt  }
0x46: {  	_ =	shalt  }
0x47: {  	_ =	shalt  }
0x48: {  	_ =	shalt  }
0x49: {  	_ =	shalt  }
0x4a: {  	_ =	shalt  }
0x4b: {  	_ =	shalt  }
0x4c: {  	_ =	shalt  }
0x4d: {  	_ =	shalt  }
0x4e: {  	_ =	shalt  }
0x4f: {  	_ =	shalt  }
0x50: {  	_ =	shalt  }
0x51: {  	_ =	shalt  }
0x52: {  	_ =	shalt  }
0x53: {  	_ =	shalt  }
0x54: {  	_ =	shalt  }
0x55: {  	_ =	shalt  }
0x56: {  	_ =	shalt  }
0x57: {  	_ =	shalt  }
0x58: {  	_ =	shalt  }
0x59: {  	_ =	shalt  }
0x5a: {  	_ =	shalt  }
0x5b: {  	_ =	shalt  }
0x5c: {  	_ =	shalt  }
0x5d: {  	_ =	shalt  }
0x5e: {  	_ =	shalt  }
0x5f: {  	_ =	shalt  }
0x60: {  	_ =	shalt  }
0x61: {  	_ =	shalt  }
0x62: {  	_ =	shalt  }
0x63: {  	_ =	shalt  }
0x64: {  	_ =	shalt  }
0x65: {  	_ =	shalt  }
0x66: {  	_ =	shalt  }
0x67: {  	_ =	shalt  }
0x68: {  	_ =	shalt  }
0x69: {  	_ =	shalt  }
0x6a: {  	_ =	shalt  }
0x6b: {  	_ =	shalt  }
0x6c: {  	_ =	shalt  }
0x6d: {  	_ =	shalt  }
0x6e: {  	_ =	shalt  }
0x6f: {  	_ =	shalt  }
0x70: {  	_ =	shalt  }
0x71: {  	_ =	shalt  }
0x72: {  	_ =	shalt  }
0x73: {  	_ =	shalt  }
0x74: {  	_ =	shalt  }
0x75: {  	_ =	shalt  }
0x76: {  	_ =	shalt  }
0x77: {  	_ =	shalt  }
0x78: {  	_ =	shalt  }
0x79: {  	_ =	shalt  }
0x7a: {  	_ =	shalt  }
0x7b: {  	_ =	shalt  }
0x7c: {  	_ =	shalt  }
0x7d: {  	_ =	shalt  }
0x7e: {  	_ =	shalt  }
0x7f: {  	_ =	shalt  }
0x80: {  	_ =	shalt  }
0x81: {  	_ =	shalt  }
0x82: {  	_ =	shalt  }
0x83: {  	_ =	shalt  }
0x84: {  	_ =	shalt  }
0x85: {  	_ =	shalt  }
0x86: {  	_ =	shalt  }
0x87: {  	_ =	shalt  }
.Lfunc_end0:
.L_simem_size_0:
called_computation_lowered:
.L_overlay_start_0:
0x88: {  	s2 =	sld [smem:$0x3FD9]  }
0x89: {  	s3 =	sld [smem:$0x3FFE];
	_ =	sdelay $0x1  }
0x8a: {  	s1 =	srdreg.scid  }
0x8b: {  	s0 =	sand.u32 $0x1, s1  }
0x8c: {  	s16 =	sshll.u32 s0, $0xA;
	s2 =	sadd.s32 s3, s2  }
0x8d: {  	s2 =	sadd.s32 s2, s16  }
0x8e: {  	[smem:$0x3FC5] =	sst s2  }
0x8f: {  	_ = 	snop  }
0x90: {  	(tm) =	ssettm $0x1  }
0x91: {  	s17 =	sld [smem:$0x3FFB];
	_ =	sdelay $0x3  }
0x92: {  	_ =	strace s17  }
0x93: {  	s2 =	sld [smem:$0x3FFC];
	_ =	sdelay $0x3  }
0x94: {  	_ =	strace s2  }
0x95: {  	s2 =	sld [smem:$0x3FFD];
	_ =	sdelay $0x3  }
0x96: {  	_ =	strace s2  }
0x97: {  	_ =	strace $0x8FFFFFFF  }
0x98: {  	s18 =	sld [smem:$0x3FDB];
	_ =	sdelay $0x1  }
0x99: {  	s19 =	simm.s32 $_scs_section_size  }
0x9a: {  	s4 =	simm.s32 $_size__tile_overlayer_lowered;
	s5 =	simm.s32 $_tile_overlayer_lowered  }
0x9b: {  	s22 =	simm.s32 $0x1BFF;
	s21 =	sshll.u32 s5, $0x1;
	s2 =	sadd.s32 s19, s18  }
0x9c: {  	s6 =	simm.s32 $0x0;
	s20 =	sshll.u32 s4, $0x1;
	s4 =	sadd.s32 s21, s2  }
0x9d: {  	[timem:s6], [sflag:s22] =	dma.local [hbm:s4], s20  }
0x9e: {  	_ =	swait.ge [sflag:s22], s20  }
0x9f: {  	s3 =	ssub.s32 $0x0, s20;
	[sflag:s22] =	ssyncset.done $0x0  }
0xa0: {  	[sflag:s22] =	ssyncadd.s32 s3;
	_ =	sdelay $0x1  }
0xa1: {  	s23 =	simm.s32 $0x1B8B  }
0xa2: {  	_ =	swait.ge [sflag:s23], $0x1  }
0xa3: {  	[sflag:s23] =	ssyncset.done $0x0  }
0xa4: {  	s25 =	simm.s32 $0x1B8E;
	s24 =	sld [smem:$0x3FFE];
	[sflag:s23] =	ssyncadd.s32 $0xFFFFFFFF  }
0xa5: {  	s26 =	simm.s32 $execute0_lowered;
	[smem:$0x3FD2] =	sst s25  }
0xa6: {  	s4 =	sshll.u32 s26, $0x1;
	_ =	strace $0x80000046;
	[dreg:$0x1] =	wrdreg $0xFFFFFFFF  }
0xa7: {  	s28 =	simm.s32 $_size_execute0_lowered;
	s2 =	sadd.s32 s2, s4;
	[dreg:$0x0] =	wrdreg $0x0  }
0xa8: {  	s4 =	sshll.u32 s28, $0x1;
	[dreg:$0x2] =	wrdreg s2  }
0xa9: {  	[dreg:$0x3] =	wrdreg s4  }
0xaa: {  	[dreg:$0x4] =	wrdreg $0xC0  }
0xab: {  	_ =	task [dreg:s6], $0x5FFFF  }
0xac: {  	[dreg:$0x1] =	wrdreg $0xFFFFFFFF  }
0xad: {  	[dreg:$0x0] =	wrdreg $0x60  }
0xae: {  	[dreg:$0x2] =	wrdreg s24  }
0xaf: {  	[dreg:$0x3] =	wrdreg $0x9  }
0xb0: {  	_ =	task.clear_ibuf [dreg:s6], $0x4FFFF;
	_ =	strace $0x90000046  }
0xb1: {  	s29 =	simm.s32 $0x9;
	_ =	strace $0x80000048  }
0xb2: {  	_ =	swait.ge [sflag:s29], $0x1  }
0xb3: {  	[sflag:s29] =	ssyncadd.s32 $0xFFFFFFFF  }
0xb4: {  	_ =	strace $0x90000048  }
0xb5: {  	_ =	sfence  }
0xb6: {  	s30 =	sld [smem:$0x0];
	_ =	sdelay $0x2  }
0xb7: {  	s31 =	sshll.u32 s1, $0xD;
	s1 =	sshrl.u32 s1, $0x2  }
0xb8: {  	s3 =	sand.u32 $0x4000, s31;
	s1 =	sadd.s32 s1, s30  }
0xb9: {  	s0 =	sor.u32 s3, s0;
	s1 =	sshll.u32 s1, $0x11  }
0xba: {  	s0 =	sor.u32 s1, s0  }
0xbb: {  	s0 =	sadd.s32 $0x8F2B, s0  }
0xbc: {  	[sflag:s0] =	ssyncadd.remote.s32 $0x1  }
0xbd: {  	_ =	sfence.sel $0xFFFF  }
0xbe: {  	[dreg:$0x0] =	wrdreg $0xFFFFFFFF;
	(pc) =	sbr.abs _section_cstart, $3  }
0xbf: {  	[dreg:$0x1] =	wrdreg $0xFFFFFFFF  }
0xc0: {  	_ =	task.clear_ibuf [dreg:s6], $0x2FFFF;
	_ =	strace $0x9FFFFFFF  }
0xc1: {  	(tm) =	ssettm $0x7FFFFFFF  }
tec
execute0_lowered:
.L_overlay_start_1:
0x0: {  	(tag) =	ssettag $0x1  }
0x1: {  	s7 =	rddreg [dreg:$0x0]  }
0x2: {  	s0 =	rddreg [dreg:$0x1]  }
0x3: {  	s2 =	simm.s32 $0x0;
	s3 =	srdreg.scid;
	s1 =	stileid.u32  }
0x4: {  	s11 =	simm.s32 $0x1;
	s12 =	simm.s32 $0x2;
	s13 =	simm.s32 $0x9D00  }
0x5: {  	s14 =	simm.s32 $0x3;
	s15 =	simm.s32 $0x9F00;
	s16 =	simm.s32 $0x0  }
0x6: {  	[smem:$0x7FF] =	sst s2;
	s3 =	sand.u32 $0x1, s3;
	s4 =	sshll.u32 s1, $0x1  }
0x7: {  	_ =	strace $0x80000047;
	s5 =	ssub.s32 $0x2, s3;
	s6 =	sor.u32 s3, s4  }
0x8: {  	s3 =	sadd.s32 $0xC38000, s7;
	s31 =	sshrl.u32 s5, $0x1;
	s8 =	smul.u32 $0x61A80, s6  }
0x9: {  	s4 =	sshll.u32 s6, $0x5;
	s10 =	sshll.u32 s6, $0x6;
	s6 =	sshllo.u32 s6, $0x5  }
0xa: {  	s9 =	ssub.s32 s5, s31;
	s7 =	sadd.s32 s7, s10;
	s10 =	simm.s32 $0x4E80  }
0xb: {  	v0 =	vlaneseq.u32;
	s5 =	sadd.s32 s3, s8;
	s8 =	sadd.s32 $0x800, s7;
	s9 =	smax.u32 s9, $0x1  }
.LBB2_1:
0xc: {  	[tilespmem:s2], [sflag:$0x1] =	stream.linear.gather [hbm4b:s5+s2], $0x4E20, $0x38;
	[tilespmem:$0xA100] =	vst v63  }
0xd: {  	s17 =	simm.s32 $0x0  }
.LBB2_2:
0xe: {  	s18 =	sshll.u32 s17, $0x1  }
0xf: {  	s18 =	sadd.s32 s4, s18  }
0x10: {  	s19 =	smul.u32 $0x186A0, s18;
	_ =	sdelay $0x1  }
0x11: {  	s19 =	sshrl.u32 s19, $0x3  }
0x12: {  	s19 =	sadd.s32 s3, s19  }
0x13: {  	s20 =	simm.s32 $0x0;
	s21 =	sadd.s32 $0x9C4, s19  }
0x14: {  	[tilespmem:s10], [sflag:$0x2] =	stream.linear.gather [hbm4b:s21+s20], $0x4E20, $0x38;
	[tilespmem:$0xA100] =	vst v63  }
0x15: {  	_ =	swait.ge [sflag:s11], $0x4E20  }
0x16: {  	[sflag:s11] =	ssyncset.done $0x0  }
0x17: {  	s22 =	simm.s32 $0x50;
	[sflag:s11] =	ssyncadd.s32 $0xFFFFB1E0  }
0x18: {  	v1 =	vld [tilespmem:s22+$0xFFFFFFF0]  }
0x19: {  	v2 =	vld [tilespmem:s22+$0xFFFFFFB0]  }
0x1a: {  	v9 =	vimm.f32 $-3.399999950e+38;
	v11 =	vimm.s32 $0x0;
	v3 =	vld [tilespmem:s22+$0x40]  }
0x1b: {  	v22 =	vimm.f32 $-3.399999950e+38;
	v10 =	vimm.f32 $-3.399999950e+38;
	v12 =	vimm.s32 $0x0;
	v4 =	vld [tilespmem:s22+$0x20]  }
0x1c: {  	v13 =	vimm.s32 $0x0;
	v14 =	vimm.f32 $-3.399999950e+38;
	v15 =	vimm.f32 $-3.399999950e+38;
	v23 =	vld [tilespmem:s22+$0x10]  }
0x1d: {  	v18 =	vimm.f32 $-3.399999950e+38;
	v16 =	vimm.s32 $0x0;
	v17 =	vimm.f32 $-3.399999950e+38  }
0x1e: {  	v21 =	vimm.s32 $0x0;
	v19 =	vimm.s32 $0x0;
	v20 =	vimm.s32 $0x0;
	v27 =	vld [tilespmem:s22+$0xFFFFFFC0]  }
0x1f: {  	s31 =	sand.u32 $0x7FE0, s20;
	v28 =	vld [tilespmem:s22+$0xFFFFFFD0];
	vm1 =	vgt.f32 v1, v9;
	v8 =	vmax.f32 v9, v1;
	vm0 =	vgt.f32 v2, v9  }
0x20: {  	v25 =	vld [tilespmem:s31+$0x80];
	v6 =	vmax.f32 v9, v2;
	v5 =	vmax.f32 v9, v3;
	vm2 =	vgt.f32 v4, v9  }
0x21: {  	v24 =	vld [tilespmem:s22+$0x0];
	v4 =	vmax.f32 v9, v4;
	v1 =	vmax.f32 v9, v23;
	v7 =	vsel vm0, s20, v11  }
0x22: {  	s23 =	simm.s32 $0xF0;
	s21 =	simm.s32 $0x1;
	v26 =	vld [tilespmem:s22+$0xFFFFFFE0];
	s22 =	simm.s32 $0xA0;
	vm0 =	vgt.f32 v3, v9;
	v2 =	vsel vm1, s20, v11;
	v3 =	vsel vm2, s20, v11  }
.LBB2_3:
0x23: {  	s24 =	sand.u32 $0x7FE0, s22  }
0x24: {  	v29 =	vld [tilespmem:s23+$0xFFFFFFF0];
	p0 =	sne.s32 s21, $0x7C;
	vm1 =	vgt.f32 v27, v9;
	v9 =	vmax.f32 v9, v27;
	vm2 =	vgt.f32 v23, v22;
	v22 =	vmovc v1;
	s25 =	smov.u32 s21;
	s21 =	sadd.s32 $0x1, s21  }
0x25: {  	v30 =	vld [tilespmem:s23+$0xFFFFFFB0];
	vm3 =	vgt.f32 v28, v10;
	v10 =	vmax.f32 v10, v28;
	v11 =	vsel vm2, s20, v11  }
0x26: {  	v12 =	vsel vm1, s20, v12;
	v31 =	vld [tilespmem:s23+$0x40];
	v13 =	vsel vm3, s20, v13;
	v14 =	vmax.f32 v14, v25  }
0x27: {  	v16 =	vsel vm0, s20, v16;
	vm2 =	vgt.f32 v25, v18;
	v32 =	vld [tilespmem:s23+$0x20];
	vm1 =	vgt.f32 v24, v15;
	v18 =	vmovc v14  }
0x28: {  	v15 =	vmax.f32 v15, v24;
	v21 =	vsel vm2, s20, v21;
	v23 =	vld [tilespmem:s23+$0x10];
	vm3 =	vgt.f32 v26, v17  }
.Ltmp0:
0x29: {  	v17 =	vmax.f32 v17, v26;
	v27 =	vld [tilespmem:s23+$0xFFFFFFC0];
	vm2 =	vgt.f32 v29, v8;
	v8 =	vmax.f32 v8, v29;
	(pc) =	sbr.rel @p0 .LBB2_3-.Ltmp0, $4  }
0x2a: {  	v19 =	vsel vm1, s20, v19;
	vm0 =	vgt.f32 v30, v6;
	v6 =	vmax.f32 v6, v30;
	v28 =	vld [tilespmem:s23+$0xFFFFFFD0]  }
0x2b: {  	v7 =	vsel vm0, s25, v7;
	v25 =	vld [tilespmem:s24+$0x80];
	vm0 =	vgt.f32 v31, v5;
	v5 =	vmax.f32 v5, v31  }
0x2c: {  	v20 =	vsel vm3, s20, v20;
	s20 =	smov.u32 s25;
	v24 =	vld [tilespmem:s23+$0x0];
	vm1 =	vgt.f32 v32, v4;
	v4 =	vmax.f32 v4, v32  }
0x2d: {  	s22 =	sadd.s32 $0xA0, s22;
	v2 =	vsel vm2, s20, v2;
	v26 =	vld [tilespmem:s23+$0xFFFFFFE0];
	v1 =	vmax.f32 v1, v23;
	v3 =	vsel vm1, s20, v3;
	s23 =	sadd.s32 $0xA0, s23  }
0x2e: {  	s21 =	sadd.s32 $0x1388, s19;
	s22 =	simm.s32 $0x0  }
0x2f: {  	[tilespmem:s22], [sflag:$0x1] =	stream.linear.gather [hbm4b:s21+s22], $0x4E20, $0x38;
	[tilespmem:$0xA100] =	vst v63  }
0x30: {  	_ =	swait.ge [sflag:s12], $0x4E20  }
0x31: {  	[sflag:s12] =	ssyncset.done $0x0  }
0x32: {  	s23 =	simm.s32 $0x4ED0;
	[sflag:s12] =	ssyncadd.s32 $0xFFFFB1E0  }
0x33: {  	vm1 =	vgt.f32 v27, v9;
	v9 =	vmax.f32 v9, v27;
	vm2 =	vgt.f32 v23, v22;
	v22 =	vld [tilespmem:s23+$0xFFFFFFF0]  }
0x34: {  	v16 =	vsel vm0, s20, v16;
	vm3 =	vgt.f32 v28, v10;
	v10 =	vmax.f32 v10, v28;
	v23 =	vld [tilespmem:s23+$0xFFFFFFB0]  }
0x35: {  	v11 =	vsel vm2, s20, v11;
	v12 =	vsel vm1, s20, v12;
	v13 =	vsel vm3, s20, v13;
	v30 =	vld [tilespmem:s23+$0x20]  }
0x36: {  	v14 =	vmax.f32 v14, v25;
	vm2 =	vgt.f32 v25, v18;
	vm1 =	vgt.f32 v24, v15;
	v29 =	vld [tilespmem:s23+$0x40]  }
0x37: {  	v15 =	vmax.f32 v15, v24;
	v18 =	vsel vm2, s20, v21;
	vm0 =	vgt.f32 v26, v17;
	v25 =	vld [tilespmem:s23+$0x10]  }
0x38: {  	v17 =	vmax.f32 v17, v26;
	v19 =	vsel vm1, s20, v19;
	v20 =	vsel vm0, s20, v20;
	v27 =	vld [tilespmem:s23+$0xFFFFFFC0]  }
0x39: {  	s31 =	sand.u32 $0x7FE0, s22;
	v28 =	vld [tilespmem:s23+$0xFFFFFFD0];
	vm1 =	vgt.f32 v22, v8;
	v8 =	vmax.f32 v8, v22;
	vm0 =	vgt.f32 v23, v6  }
0x3a: {  	s20 =	simm.s32 $0x7D;
	v26 =	vld [tilespmem:s31+$0x4F00];
	v6 =	vmax.f32 v6, v23;
	vm2 =	vgt.f32 v30, v4;
	v4 =	vmax.f32 v4, v30  }
0x3b: {  	v24 =	vld [tilespmem:s23+$0xFFFFFFE0];
	v7 =	vsel vm0, s20, v7;
	vm0 =	vgt.f32 v29, v5;
	v5 =	vmax.f32 v5, v29  }
0x3c: {  	s21 =	simm.s32 $0x7E;
	s22 =	simm.s32 $0xA0;
	v23 =	vld [tilespmem:s23+$0x0];
	s23 =	simm.s32 $0x4F70;
	v22 =	vmovc v14;
	v21 =	vsel vm1, s20, v2;
	v2 =	vmax.f32 v1, v25;
	v3 =	vsel vm2, s20, v3  }
.LBB2_5:
0x3d: {  	s24 =	sand.u32 $0x7FE0, s22  }
0x3e: {  	v29 =	vld [tilespmem:s23+$0xFFFFFFF0];
	p0 =	sne.s32 s21, $0xF9;
	vm1 =	vgt.f32 v27, v9;
	v9 =	vmax.f32 v9, v27;
	vm2 =	vgt.f32 v25, v1;
	v1 =	vmovc v2;
	s25 =	smov.u32 s21;
	s21 =	sadd.s32 $0x1, s21  }
0x3f: {  	v30 =	vld [tilespmem:s23+$0xFFFFFFB0];
	vm3 =	vgt.f32 v28, v10;
	v10 =	vmax.f32 v10, v28;
	v11 =	vsel vm2, s20, v11  }
0x40: {  	v12 =	vsel vm1, s20, v12;
	v31 =	vld [tilespmem:s23+$0x40];
	v13 =	vsel vm3, s20, v13;
	v14 =	vmax.f32 v14, v26  }
0x41: {  	v16 =	vsel vm0, s20, v16;
	vm2 =	vgt.f32 v26, v22;
	v32 =	vld [tilespmem:s23+$0x20];
	vm1 =	vgt.f32 v23, v15;
	v22 =	vmovc v14  }
0x42: {  	v15 =	vmax.f32 v15, v23;
	v18 =	vsel vm2, s20, v18;
	v25 =	vld [tilespmem:s23+$0x10];
	vm3 =	vgt.f32 v24, v17  }
.Ltmp1:
0x43: {  	v17 =	vmax.f32 v17, v24;
	v27 =	vld [tilespmem:s23+$0xFFFFFFC0];
	vm2 =	vgt.f32 v29, v8;
	v8 =	vmax.f32 v8, v29;
	(pc) =	sbr.rel @p0 .LBB2_5-.Ltmp1, $4  }
0x44: {  	v19 =	vsel vm1, s20, v19;
	vm0 =	vgt.f32 v30, v6;
	v6 =	vmax.f32 v6, v30;
	v28 =	vld [tilespmem:s23+$0xFFFFFFD0]  }
0x45: {  	v7 =	vsel vm0, s25, v7;
	v26 =	vld [tilespmem:s24+$0x4F00];
	vm0 =	vgt.f32 v31, v5;
	v5 =	vmax.f32 v5, v31  }
0x46: {  	v20 =	vsel vm3, s20, v20;
	s20 =	smov.u32 s25;
	v23 =	vld [tilespmem:s23+$0x0];
	vm1 =	vgt.f32 v32, v4;
	v4 =	vmax.f32 v4, v32  }
0x47: {  	s22 =	sadd.s32 $0xA0, s22;
	v21 =	vsel vm2, s20, v21;
	v24 =	vld [tilespmem:s23+$0xFFFFFFE0];
	v2 =	vmax.f32 v2, v25;
	v3 =	vsel vm1, s20, v3;
	s23 =	sadd.s32 $0xA0, s23  }
0x48: {  	s21 =	sadd.s32 $0x1D4C, s19;
	s22 =	simm.s32 $0x0  }
0x49: {  	[tilespmem:s10], [sflag:$0x2] =	stream.linear.gather [hbm4b:s21+s22], $0x4E20, $0x38;
	[tilespmem:$0xA100] =	vst v63  }
0x4a: {  	_ =	swait.ge [sflag:s11], $0x4E20  }
0x4b: {  	[sflag:s11] =	ssyncset.done $0x0  }
0x4c: {  	s23 =	simm.s32 $0x50;
	[sflag:s11] =	ssyncadd.s32 $0xFFFFB1E0  }
0x4d: {  	vm2 =	vgt.f32 v25, v1;
	v1 =	vld [tilespmem:s23+$0xFFFFFFF0]  }
0x4e: {  	vm1 =	vgt.f32 v27, v9;
	v9 =	vmax.f32 v9, v27;
	v25 =	vld [tilespmem:s23+$0xFFFFFFB0]  }
0x4f: {  	v16 =	vsel vm0, s20, v16;
	vm3 =	vgt.f32 v28, v10;
	v10 =	vmax.f32 v10, v28;
	v27 =	vld [tilespmem:s23+$0x40]  }
0x50: {  	v11 =	vsel vm2, s20, v11;
	v14 =	vmax.f32 v14, v26;
	vm2 =	vgt.f32 v26, v22;
	v26 =	vld [tilespmem:s23+$0x20]  }
0x51: {  	v12 =	vsel vm1, s20, v12;
	v13 =	vsel vm3, s20, v13;
	vm1 =	vgt.f32 v23, v15;
	v29 =	vld [tilespmem:s23+$0x10]  }
0x52: {  	v15 =	vmax.f32 v15, v23;
	v18 =	vsel vm2, s20, v18;
	vm0 =	vgt.f32 v24, v17  }
0x53: {  	s31 =	sand.u32 $0x7FE0, s22;
	v17 =	vmax.f32 v17, v24;
	v22 =	vsel vm1, s20, v19;
	v24 =	vsel vm0, s20, v20;
	v31 =	vld [tilespmem:s23+$0xFFFFFFC0]  }
0x54: {  	v30 =	vld [tilespmem:s31+$0x80];
	vm1 =	vgt.f32 v1, v8;
	v19 =	vmax.f32 v8, v1;
	vm0 =	vgt.f32 v25, v6  }
0x55: {  	s20 =	simm.s32 $0xFA;
	v8 =	vld [tilespmem:s23+$0xFFFFFFD0];
	v6 =	vmax.f32 v6, v25;
	v23 =	vmax.f32 v5, v27;
	vm2 =	vgt.f32 v26, v4  }
0x56: {  	v28 =	vld [tilespmem:s23+$0xFFFFFFE0];
	v4 =	vmax.f32 v4, v26;
	v1 =	vmax.f32 v2, v29;
	v20 =	vsel vm0, s20, v7  }
0x57: {  	s21 =	simm.s32 $0xFB;
	s22 =	simm.s32 $0xA0;
	vm0 =	vgt.f32 v27, v5;
	v27 =	vld [tilespmem:s23+$0x0];
	v25 =	vsel vm1, s20, v21;
	v26 =	vsel vm2, s20, v3;
	s23 =	simm.s32 $0xF0;
	v21 =	vmovc v14  }
.LBB2_7:
0x58: {  	s24 =	sand.u32 $0x7FE0, s22  }
0x59: {  	v3 =	vld [tilespmem:s23+$0xFFFFFFF0];
	p0 =	sne.s32 s21, $0x176;
	vm1 =	vgt.f32 v31, v9;
	v9 =	vmax.f32 v9, v31;
	vm2 =	vgt.f32 v29, v2;
	v2 =	vmovc v1;
	s25 =	smov.u32 s21;
	s21 =	sadd.s32 $0x1, s21  }
0x5a: {  	v5 =	vld [tilespmem:s23+$0xFFFFFFB0];
	vm3 =	vgt.f32 v8, v10;
	v10 =	vmax.f32 v10, v8;
	v11 =	vsel vm2, s20, v11  }
0x5b: {  	v12 =	vsel vm1, s20, v12;
	v7 =	vld [tilespmem:s23+$0x40];
	v13 =	vsel vm3, s20, v13;
	v14 =	vmax.f32 v14, v30  }
0x5c: {  	v16 =	vsel vm0, s20, v16;
	vm2 =	vgt.f32 v30, v21;
	v32 =	vld [tilespmem:s23+$0x20];
	vm1 =	vgt.f32 v27, v15;
	v21 =	vmovc v14  }
0x5d: {  	v15 =	vmax.f32 v15, v27;
	v18 =	vsel vm2, s20, v18;
	v29 =	vld [tilespmem:s23+$0x10];
	vm3 =	vgt.f32 v28, v17  }
.Ltmp2:
0x5e: {  	v17 =	vmax.f32 v17, v28;
	v31 =	vld [tilespmem:s23+$0xFFFFFFC0];
	vm2 =	vgt.f32 v3, v19;
	v19 =	vmax.f32 v19, v3;
	(pc) =	sbr.rel @p0 .LBB2_7-.Ltmp2, $4  }
0x5f: {  	v22 =	vsel vm1, s20, v22;
	vm0 =	vgt.f32 v5, v6;
	v6 =	vmax.f32 v6, v5;
	v8 =	vld [tilespmem:s23+$0xFFFFFFD0]  }
0x60: {  	v20 =	vsel vm0, s25, v20;
	v30 =	vld [tilespmem:s24+$0x80];
	vm0 =	vgt.f32 v7, v23;
	v23 =	vmax.f32 v23, v7  }
0x61: {  	v24 =	vsel vm3, s20, v24;
	s20 =	smov.u32 s25;
	v27 =	vld [tilespmem:s23+$0x0];
	vm1 =	vgt.f32 v32, v4;
	v4 =	vmax.f32 v4, v32  }
0x62: {  	s22 =	sadd.s32 $0xA0, s22;
	v25 =	vsel vm2, s20, v25;
	v28 =	vld [tilespmem:s23+$0xFFFFFFE0];
	v1 =	vmax.f32 v1, v29;
	v26 =	vsel vm1, s20, v26;
	s23 =	sadd.s32 $0xA0, s23  }
0x63: {  	s19 =	sadd.s32 $0x2710, s19;
	s22 =	simm.s32 $0x0  }
0x64: {  	[tilespmem:s22], [sflag:$0x1] =	stream.linear.gather [hbm4b:s19+s22], $0x4E20, $0x38;
	[tilespmem:$0xA100] =	vst v63  }
0x65: {  	_ =	swait.ge [sflag:s12], $0x4E20  }
0x66: {  	[sflag:s12] =	ssyncset.done $0x0  }
0x67: {  	s23 =	simm.s32 $0x4ED0;
	[sflag:s12] =	ssyncadd.s32 $0xFFFFB1E0  }
0x68: {  	vm1 =	vgt.f32 v31, v9;
	v3 =	vmax.f32 v9, v31;
	v31 =	vld [tilespmem:s23+$0xFFFFFFF0]  }
0x69: {  	vm2 =	vgt.f32 v29, v2;
	v32 =	vld [tilespmem:s23+$0xFFFFFFB0]  }
0x6a: {  	vm3 =	vgt.f32 v8, v10;
	v2 =	vmax.f32 v10, v8;
	v5 =	vsel vm2, s20, v11;
	v33 =	vld [tilespmem:s23+$0x40]  }
0x6b: {  	v7 =	vsel vm1, s20, v12;
	v11 =	vsel vm0, s20, v16;
	v8 =	vsel vm3, s20, v13;
	v34 =	vld [tilespmem:s23+$0x20]  }
0x6c: {  	v9 =	vmax.f32 v14, v30;
	vm2 =	vgt.f32 v30, v21;
	vm1 =	vgt.f32 v27, v15  }
0x6d: {  	v10 =	vmax.f32 v15, v27;
	v13 =	vsel vm2, s20, v18;
	vm0 =	vgt.f32 v28, v17;
	v29 =	vld [tilespmem:s23+$0x10]  }
0x6e: {  	s31 =	sand.u32 $0x7FE0, s22;
	v12 =	vmax.f32 v17, v28;
	v15 =	vsel vm1, s20, v22;
	v21 =	vsel vm0, s20, v24;
	v24 =	vld [tilespmem:s23+$0xFFFFFFC0]  }
0x6f: {  	v30 =	vld [tilespmem:s31+$0x4F00];
	vm1 =	vgt.f32 v31, v19;
	v14 =	vmax.f32 v19, v31;
	vm0 =	vgt.f32 v32, v6  }
0x70: {  	s21 =	simm.s32 $0x177;
	v31 =	vld [tilespmem:s23+$0xFFFFFFD0];
	v16 =	vmax.f32 v6, v32;
	v19 =	vmax.f32 v23, v33;
	vm2 =	vgt.f32 v34, v4  }
0x71: {  	v27 =	vld [tilespmem:s23+$0x0];
	v18 =	vsel vm0, s21, v20;
	vm0 =	vgt.f32 v33, v23;
	v20 =	vmax.f32 v4, v34  }
0x72: {  	s19 =	simm.s32 $0x178;
	s22 =	simm.s32 $0x4F70;
	v17 =	vmovc v9;
	v28 =	vld [tilespmem:s23+$0xFFFFFFE0];
	s20 =	simm.s32 $0xA0;
	v22 =	vsel vm1, s21, v25;
	v4 =	vmax.f32 v1, v29;
	v23 =	vsel vm2, s21, v26  }
.LBB2_9:
0x73: {  	s23 =	sand.u32 $0x7FE0, s20  }
0x74: {  	v6 =	vld [tilespmem:s22+$0xFFFFFFF0];
	p0 =	sne.s32 s19, $0x1F3;
	vm1 =	vgt.f32 v24, v3;
	v3 =	vmax.f32 v3, v24;
	vm2 =	vgt.f32 v29, v1;
	v1 =	vmovc v4;
	s24 =	smov.u32 s19;
	s19 =	sadd.s32 $0x1, s19  }
0x75: {  	v25 =	vld [tilespmem:s22+$0xFFFFFFB0];
	vm3 =	vgt.f32 v31, v2;
	v2 =	vmax.f32 v2, v31;
	v5 =	vsel vm2, s21, v5  }
0x76: {  	v7 =	vsel vm1, s21, v7;
	v26 =	vld [tilespmem:s22+$0x40];
	v8 =	vsel vm3, s21, v8;
	v9 =	vmax.f32 v9, v30  }
0x77: {  	v11 =	vsel vm0, s21, v11;
	vm2 =	vgt.f32 v30, v17;
	v32 =	vld [tilespmem:s22+$0x20];
	vm1 =	vgt.f32 v27, v10;
	v17 =	vmovc v9  }
0x78: {  	v10 =	vmax.f32 v10, v27;
	v13 =	vsel vm2, s21, v13;
	v29 =	vld [tilespmem:s22+$0x10];
	vm3 =	vgt.f32 v28, v12  }
.Ltmp3:
0x79: {  	v12 =	vmax.f32 v12, v28;
	v24 =	vld [tilespmem:s22+$0xFFFFFFC0];
	vm2 =	vgt.f32 v6, v14;
	v14 =	vmax.f32 v14, v6;
	(pc) =	sbr.rel @p0 .LBB2_9-.Ltmp3, $4  }
0x7a: {  	v15 =	vsel vm1, s21, v15;
	vm0 =	vgt.f32 v25, v16;
	v16 =	vmax.f32 v16, v25;
	v31 =	vld [tilespmem:s22+$0xFFFFFFD0]  }
0x7b: {  	v18 =	vsel vm0, s24, v18;
	v30 =	vld [tilespmem:s23+$0x4F00];
	vm0 =	vgt.f32 v26, v19;
	v19 =	vmax.f32 v19, v26  }
0x7c: {  	v21 =	vsel vm3, s21, v21;
	s21 =	smov.u32 s24;
	v27 =	vld [tilespmem:s22+$0x0];
	vm1 =	vgt.f32 v32, v20;
	v20 =	vmax.f32 v20, v32  }
0x7d: {  	s20 =	sadd.s32 $0xA0, s20;
	v22 =	vsel vm2, s21, v22;
	v28 =	vld [tilespmem:s22+$0xFFFFFFE0];
	v4 =	vmax.f32 v4, v29;
	v23 =	vsel vm1, s21, v23;
	s22 =	sadd.s32 $0xA0, s22  }
0x7e: {  	s19 =	sor.u32 $0x1, s18  }
0x7f: {  	s20 =	smul.u32 $0x186A0, s19;
	_ =	sdelay $0x1  }
0x80: {  	s20 =	sshrl.u32 s20, $0x3  }
0x81: {  	s22 =	simm.s32 $0x0;
	s20 =	sadd.s32 s3, s20  }
0x82: {  	[tilespmem:s10], [sflag:$0x2] =	stream.linear.gather [hbm4b:s20+s22], $0x4E20, $0x38;
	[tilespmem:$0xA100] =	vst v63  }
0x83: {  	_ =	swait.ge [sflag:s11], $0x4E20  }
0x84: {  	[sflag:s11] =	ssyncset.done $0x0  }
0x85: {  	s23 =	simm.s32 $0x50;
	[sflag:s11] =	ssyncadd.s32 $0xFFFFB1E0  }
0x86: {  	v32 =	vld [tilespmem:s23+$0xFFFFFFF0]  }
0x87: {  	vm1 =	vgt.f32 v24, v3;
	vm3 =	vgt.f32 v31, v2;
	v2 =	vmax.f32 v2, v31;
	v31 =	vld [tilespmem:s23+$0xFFFFFFB0]  }
0x88: {  	v24 =	vmax.f32 v3, v24;
	vm2 =	vgt.f32 v29, v1;
	v1 =	vsel vm1, s21, v7;
	v7 =	vld [tilespmem:s23+$0x40]  }
0x89: {  	v6 =	vsel vm2, s21, v5;
	v25 =	vsel vm3, s21, v8;
	v8 =	vmax.f32 v9, v30;
	v33 =	vld [tilespmem:s23+$0x20]  }
0x8a: {  	vm2 =	vgt.f32 v30, v17;
	v9 =	vsel vm0, s21, v11;
	vm1 =	vgt.f32 v27, v10;
	v26 =	vld [tilespmem:s23+$0x10]  }
0x8b: {  	v5 =	vmax.f32 v10, v27;
	v11 =	vsel vm2, s21, v13;
	vm0 =	vgt.f32 v28, v12  }
0x8c: {  	v3 =	vmax.f32 v12, v28;
	v17 =	vsel vm1, s21, v15;
	v21 =	vsel vm0, s21, v21;
	v29 =	vld [tilespmem:s23+$0xFFFFFFC0]  }
0x8d: {  	s22 =	sand.u32 $0x7FE0, s22;
	v30 =	vld [tilespmem:s23+$0xFFFFFFD0];
	vm1 =	vgt.f32 v32, v14;
	v15 =	vmax.f32 v14, v32;
	vm0 =	vgt.f32 v31, v16  }
0x8e: {  	s21 =	simm.s32 $0x1F4;
	v27 =	vmax.f32 v16, v31;
	v14 =	vld [tilespmem:s22+$0x80];
	v10 =	vmax.f32 v19, v7;
	vm2 =	vgt.f32 v33, v20  }
0x8f: {  	v12 =	vmax.f32 v20, v33;
	v20 =	vld [tilespmem:s23+$0xFFFFFFE0];
	v13 =	vmax.f32 v4, v26;
	v28 =	vsel vm0, s21, v18  }
0x90: {  	s24 =	simm.s32 $0xF0;
	s22 =	simm.s32 $0x1F5;
	v16 =	vmovc v8;
	vm0 =	vgt.f32 v7, v19;
	v18 =	vld [tilespmem:s23+$0x0];
	v19 =	vsel vm1, s21, v22;
	v7 =	vsel vm2, s21, v23;
	s23 =	simm.s32 $0xA0  }
.LBB2_11:
0x91: {  	s25 =	sand.u32 $0x7FE0, s23  }
0x92: {  	v22 =	vld [tilespmem:s24+$0xFFFFFFF0];
	p0 =	sne.s32 s22, $0x270;
	vm1 =	vgt.f32 v29, v24;
	v24 =	vmax.f32 v24, v29;
	vm2 =	vgt.f32 v26, v4;
	v4 =	vmovc v13;
	s26 =	smov.u32 s22;
	s22 =	sadd.s32 $0x1, s22  }
0x93: {  	v23 =	vld [tilespmem:s24+$0xFFFFFFB0];
	vm3 =	vgt.f32 v30, v2;
	v2 =	vmax.f32 v2, v30;
	v6 =	vsel vm2, s21, v6  }
0x94: {  	v1 =	vsel vm1, s21, v1;
	v31 =	vld [tilespmem:s24+$0x40];
	v25 =	vsel vm3, s21, v25;
	v8 =	vmax.f32 v8, v14  }
0x95: {  	v9 =	vsel vm0, s21, v9;
	vm2 =	vgt.f32 v14, v16;
	v32 =	vld [tilespmem:s24+$0x20];
	vm1 =	vgt.f32 v18, v5;
	v16 =	vmovc v8  }
0x96: {  	v5 =	vmax.f32 v5, v18;
	v11 =	vsel vm2, s21, v11;
	v26 =	vld [tilespmem:s24+$0x10];
	vm3 =	vgt.f32 v20, v3  }
.Ltmp4:
0x97: {  	v3 =	vmax.f32 v3, v20;
	v29 =	vld [tilespmem:s24+$0xFFFFFFC0];
	vm2 =	vgt.f32 v22, v15;
	v15 =	vmax.f32 v15, v22;
	(pc) =	sbr.rel @p0 .LBB2_11-.Ltmp4, $4  }
0x98: {  	v17 =	vsel vm1, s21, v17;
	vm0 =	vgt.f32 v23, v27;
	v27 =	vmax.f32 v27, v23;
	v30 =	vld [tilespmem:s24+$0xFFFFFFD0]  }
0x99: {  	v28 =	vsel vm0, s26, v28;
	v14 =	vld [tilespmem:s25+$0x80];
	vm0 =	vgt.f32 v31, v10;
	v10 =	vmax.f32 v10, v31  }
0x9a: {  	v21 =	vsel vm3, s21, v21;
	s21 =	smov.u32 s26;
	v18 =	vld [tilespmem:s24+$0x0];
	vm1 =	vgt.f32 v32, v12;
	v12 =	vmax.f32 v12, v32  }
0x9b: {  	s23 =	sadd.s32 $0xA0, s23;
	v19 =	vsel vm2, s21, v19;
	v20 =	vld [tilespmem:s24+$0xFFFFFFE0];
	v13 =	vmax.f32 v13, v26;
	v7 =	vsel vm1, s21, v7;
	s24 =	sadd.s32 $0xA0, s24  }
0x9c: {  	vm1 =	vgt.f32 v29, v24  }
0x9d: {  	v1 =	vsel vm1, s21, v1  }
0x9e: {  	v22 =	vmul.u32 $0xA0, v28;
	v24 =	vmax.f32 v24, v29;
	v23 =	vmul.u32 $0xA0, v1  }
0x9f: {  	v19 =	vmul.u32 $0xA0, v19;
	vm1 =	vgt.f32 v30, v2;
	v1 =	vor.u32 $0x10, v0  }
0xa0: {  	v28 =	vmax.f32 v2, v30;
	v22 =	vor.u32 v0, v22;
	v23 =	vor.u32 v1, v23  }
0xa1: {  	v2 =	vsel vm1, s21, v25;
	vm1 =	veq.f32 v24, v27;
	vm2 =	vlt.s32 v23, v22  }
0xa2: {  	vm3 =	vgt.f32 v24, v27;
	v25 =	vmul.u32 $0xA0, v2;
	vm1 =	vmand vm1, vm2  }
0xa3: {  	v2 =	vor.u32 $0x20, v0;
	vm2 =	vgt.f32 v20, v3;
	vm1 =	vmor vm3, vm1  }
0xa4: {  	v24 =	vsel vm1, v24, v27;
	v22 =	vsel vm1, v23, v22;
	v23 =	vadd.s32 v2, v25  }
0xa5: {  	v21 =	vsel vm2, s21, v21;
	vm1 =	veq.f32 v28, v24;
	vm2 =	vlt.s32 v23, v22  }
0xa6: {  	v21 =	vmul.u32 $0xA0, v21;
	vm3 =	vgt.f32 v28, v24;
	vm1 =	vmand vm1, vm2  }
0xa7: {  	v20 =	vmax.f32 v3, v20;
	v3 =	vor.u32 $0x30, v0;
	vm1 =	vmor vm3, vm1  }
0xa8: {  	v21 =	vadd.s32 v3, v21;
	v24 =	vsel vm1, v28, v24;
	v22 =	vsel vm1, v23, v22  }
0xa9: {  	vm1 =	vgt.f32 v26, v4;
	vm2 =	veq.f32 v20, v24;
	vm3 =	vlt.s32 v21, v22  }
0xaa: {  	v4 =	vor.u32 $0x40, v0;
	vm2 =	vmand vm2, vm3;
	vm3 =	vgt.f32 v20, v24  }
0xab: {  	v19 =	vadd.s32 v4, v19;
	vm2 =	vmor vm3, vm2  }
0xac: {  	vm3 =	vgt.f32 v18, v5;
	v20 =	vsel vm2, v20, v24;
	v21 =	vsel vm2, v21, v22  }
0xad: {  	v17 =	vsel vm3, s21, v17;
	vm2 =	veq.f32 v15, v20;
	vm3 =	vlt.s32 v19, v21  }
0xae: {  	v17 =	vmul.u32 $0xA0, v17;
	vm2 =	vmand vm2, vm3;
	vm3 =	vgt.f32 v15, v20  }
0xaf: {  	v18 =	vmax.f32 v5, v18;
	v5 =	vor.u32 $0x50, v0;
	vm2 =	vmor vm3, vm2  }
0xb0: {  	v17 =	vadd.s32 v5, v17;
	v15 =	vsel vm2, v15, v20;
	v19 =	vsel vm2, v19, v21  }
0xb1: {  	v6 =	vsel vm1, s21, v6;
	vm1 =	veq.f32 v18, v15;
	vm2 =	vlt.s32 v17, v19  }
0xb2: {  	v20 =	vmul.u32 $0xA0, v6;
	vm3 =	vgt.f32 v18, v15;
	vm1 =	vmand vm1, vm2  }
0xb3: {  	v6 =	vor.u32 $0x60, v0;
	vm1 =	vmor vm3, vm1  }
0xb4: {  	v15 =	vsel vm1, v18, v15;
	v17 =	vsel vm1, v17, v19;
	v18 =	vadd.s32 v6, v20  }
0xb5: {  	vm1 =	veq.f32 v13, v15;
	vm2 =	vlt.s32 v18, v17  }
0xb6: {  	v19 =	vmul.u32 $0xA0, v7;
	vm3 =	vgt.f32 v13, v15;
	vm1 =	vmand vm1, vm2  }
0xb7: {  	v7 =	vor.u32 $0x70, v0;
	vm2 =	vgt.f32 v14, v16;
	vm1 =	vmor vm3, vm1  }
0xb8: {  	v16 =	vadd.s32 v7, v19;
	v13 =	vsel vm1, v13, v15;
	v15 =	vsel vm1, v18, v17  }
0xb9: {  	v11 =	vsel vm2, s21, v11;
	vm1 =	veq.f32 v12, v13;
	vm2 =	vlt.s32 v16, v15  }
0xba: {  	v11 =	vmul.u32 $0xA0, v11;
	vm3 =	vgt.f32 v12, v13;
	vm1 =	vmand vm1, vm2  }
0xbb: {  	v14 =	vmax.f32 v8, v14;
	v8 =	vor.u32 $0x80, v0;
	vm1 =	vmor vm3, vm1  }
0xbc: {  	v11 =	vadd.s32 v8, v11;
	v12 =	vsel vm1, v12, v13;
	v13 =	vsel vm1, v16, v15  }
0xbd: {  	v9 =	vsel vm0, s21, v9;
	vm0 =	veq.f32 v14, v12;
	vm1 =	vlt.s32 v11, v13  }
0xbe: {  	v15 =	vmul.u32 $0xA0, v9;
	vm2 =	vgt.f32 v14, v12;
	vm0 =	vmand vm0, vm1  }
0xbf: {  	v9 =	vor.u32 $0x90, v0;
	vm0 =	vmor vm2, vm0  }
0xc0: {  	v12 =	vsel vm0, v14, v12;
	v11 =	vsel vm0, v11, v13;
	v13 =	vadd.s32 v9, v15  }
0xc1: {  	vm0 =	veq.f32 v10, v12;
	vm1 =	vlt.s32 v13, v11  }
0xc2: {  	vm2 =	vgt.f32 v10, v12;
	vm0 =	vmand vm0, vm1  }
0xc3: {  	vm0 =	vmor vm2, vm0  }
0xc4: {  	s30 =	sshll.u32 s17, $0x5;
	v10 =	vsel vm0, v10, v12  }
0xc5: {  	v11 =	vsel vm0, v13, v11;
	[tilespmem:s30+$0x9D00] =	vst v10  }
0xc6: {  	s22 =	sadd.s32 $0x9C4, s20;
	s21 =	simm.s32 $0x0;
	[tilespmem:s30+$0x9F00] =	vst v11  }
0xc7: {  	[tilespmem:s21], [sflag:$0x1] =	stream.linear.gather [hbm4b:s22+s21], $0x4E20, $0x38;
	[tilespmem:$0xA100] =	vst v63  }
0xc8: {  	_ =	swait.ge [sflag:s12], $0x4E20  }
0xc9: {  	[sflag:s12] =	ssyncset.done $0x0  }
0xca: {  	s23 =	simm.s32 $0x4ED0;
	[sflag:s12] =	ssyncadd.s32 $0xFFFFB1E0  }
0xcb: {  	v10 =	vld [tilespmem:s23+$0xFFFFFFF0]  }
0xcc: {  	v11 =	vld [tilespmem:s23+$0xFFFFFFB0]  }
0xcd: {  	v31 =	vimm.f32 $-3.399999950e+38;
	v29 =	vimm.s32 $0x0;
	v12 =	vld [tilespmem:s23+$0x40]  }
0xce: {  	v30 =	vimm.s32 $0x0;
	v27 =	vimm.f32 $-3.399999950e+38;
	v25 =	vimm.s32 $0x0;
	v13 =	vld [tilespmem:s23+$0x20]  }
0xcf: {  	v23 =	vimm.f32 $-3.399999950e+38;
	v26 =	vimm.f32 $-3.399999950e+38;
	v28 =	vimm.s32 $0x0;
	v32 =	vld [tilespmem:s23+$0x10]  }
0xd0: {  	v22 =	vimm.s32 $0x0;
	v24 =	vimm.f32 $-3.399999950e+38;
	v21 =	vimm.s32 $0x0  }
0xd1: {  	v20 =	vimm.s32 $0x0;
	v19 =	vimm.f32 $-3.399999950e+38;
	v18 =	vimm.f32 $-3.399999950e+38;
	v36 =	vld [tilespmem:s23+$0xFFFFFFC0]  }
0xd2: {  	s31 =	sand.u32 $0x7FE0, s21;
	v37 =	vld [tilespmem:s23+$0xFFFFFFD0];
	vm1 =	vgt.f32 v10, v18;
	v17 =	vmax.f32 v18, v10;
	vm0 =	vgt.f32 v11, v18  }
0xd3: {  	v34 =	vld [tilespmem:s31+$0x4F00];
	v15 =	vmax.f32 v18, v11;
	v14 =	vmax.f32 v18, v12;
	vm2 =	vgt.f32 v13, v18  }
0xd4: {  	v33 =	vld [tilespmem:s23+$0x0];
	v10 =	vmax.f32 v18, v32;
	v16 =	vsel vm0, s21, v20;
	vm0 =	vgt.f32 v12, v18  }
0xd5: {  	s24 =	simm.s32 $0x4F70;
	s22 =	simm.s32 $0x1;
	v35 =	vld [tilespmem:s23+$0xFFFFFFE0];
	s23 =	simm.s32 $0xA0;
	v12 =	vmax.f32 v18, v13;
	v11 =	vsel vm1, s21, v20;
	v13 =	vsel vm2, s21, v20  }
.LBB2_13:
0xd6: {  	s25 =	sand.u32 $0x7FE0, s23  }
0xd7: {  	v38 =	vld [tilespmem:s24+$0xFFFFFFF0];
	p0 =	sne.s32 s22, $0x7C;
	vm1 =	vgt.f32 v36, v18;
	v18 =	vmax.f32 v18, v36;
	vm2 =	vgt.f32 v32, v31;
	v31 =	vmovc v10;
	s26 =	smov.u32 s22;
	s22 =	sadd.s32 $0x1, s22  }
0xd8: {  	v39 =	vld [tilespmem:s24+$0xFFFFFFB0];
	vm3 =	vgt.f32 v37, v19;
	v19 =	vmax.f32 v19, v37;
	v20 =	vsel vm2, s21, v20  }
0xd9: {  	v21 =	vsel vm1, s21, v21;
	v40 =	vld [tilespmem:s24+$0x40];
	v22 =	vsel vm3, s21, v22;
	v23 =	vmax.f32 v23, v34  }
0xda: {  	v25 =	vsel vm0, s21, v25;
	vm2 =	vgt.f32 v34, v27;
	v41 =	vld [tilespmem:s24+$0x20];
	vm1 =	vgt.f32 v33, v24;
	v27 =	vmovc v23  }
0xdb: {  	v24 =	vmax.f32 v24, v33;
	v30 =	vsel vm2, s21, v30;
	v32 =	vld [tilespmem:s24+$0x10];
	vm3 =	vgt.f32 v35, v26  }
.Ltmp5:
0xdc: {  	v26 =	vmax.f32 v26, v35;
	v36 =	vld [tilespmem:s24+$0xFFFFFFC0];
	vm2 =	vgt.f32 v38, v17;
	v17 =	vmax.f32 v17, v38;
	(pc) =	sbr.rel @p0 .LBB2_13-.Ltmp5, $4  }
0xdd: {  	v28 =	vsel vm1, s21, v28;
	vm0 =	vgt.f32 v39, v15;
	v15 =	vmax.f32 v15, v39;
	v37 =	vld [tilespmem:s24+$0xFFFFFFD0]  }
0xde: {  	v16 =	vsel vm0, s26, v16;
	v34 =	vld [tilespmem:s25+$0x4F00];
	vm0 =	vgt.f32 v40, v14;
	v14 =	vmax.f32 v14, v40  }
0xdf: {  	v29 =	vsel vm3, s21, v29;
	s21 =	smov.u32 s26;
	v33 =	vld [tilespmem:s24+$0x0];
	vm1 =	vgt.f32 v41, v12;
	v12 =	vmax.f32 v12, v41  }
0xe0: {  	s23 =	sadd.s32 $0xA0, s23;
	v11 =	vsel vm2, s21, v11;
	v35 =	vld [tilespmem:s24+$0xFFFFFFE0];
	v10 =	vmax.f32 v10, v32;
	v13 =	vsel vm1, s21, v13;
	s24 =	sadd.s32 $0xA0, s24  }
0xe1: {  	s22 =	sadd.s32 $0x1388, s20;
	s23 =	simm.s32 $0x0  }
0xe2: {  	[tilespmem:s10], [sflag:$0x2] =	stream.linear.gather [hbm4b:s22+s23], $0x4E20, $0x38;
	[tilespmem:$0xA100] =	vst v63  }
0xe3: {  	_ =	swait.ge [sflag:s11], $0x4E20  }
0xe4: {  	[sflag:s11] =	ssyncset.done $0x0  }
0xe5: {  	s24 =	simm.s32 $0x50;
	[sflag:s11] =	ssyncadd.s32 $0xFFFFB1E0  }
0xe6: {  	vm2 =	vgt.f32 v32, v31;
	v31 =	vld [tilespmem:s24+$0xFFFFFFF0]  }
0xe7: {  	vm1 =	vgt.f32 v36, v18;
	v18 =	vmax.f32 v18, v36;
	v63 =	vld [tilespmem:s24+$0xFFFFFFB0]  }
0xe8: {  	v25 =	vsel vm0, s21, v25;
	vm3 =	vgt.f32 v37, v19;
	v19 =	vmax.f32 v19, v37;
	v38 =	vld [tilespmem:s24+$0x40]  }
0xe9: {  	v20 =	vsel vm2, s21, v20;
	v21 =	vsel vm1, s21, v21;
	v22 =	vsel vm3, s21, v22;
	v39 =	vld [tilespmem:s24+$0x20]  }
0xea: {  	v23 =	vmax.f32 v23, v34;
	vm2 =	vgt.f32 v34, v27;
	vm1 =	vgt.f32 v33, v24;
	v34 =	vld [tilespmem:s24+$0x10]  }
0xeb: {  	v24 =	vmax.f32 v24, v33;
	v27 =	vsel vm2, s21, v30;
	vm0 =	vgt.f32 v35, v26  }
0xec: {  	v26 =	vmax.f32 v26, v35;
	v28 =	vsel vm1, s21, v28;
	v30 =	vsel vm0, s21, v29;
	v36 =	vld [tilespmem:s24+$0xFFFFFFC0]  }
0xed: {  	s31 =	sand.u32 $0x7FE0, s23;
	v37 =	vld [tilespmem:s24+$0xFFFFFFD0];
	vm1 =	vgt.f32 v31, v17;
	v17 =	vmax.f32 v17, v31;
	vm0 =	vgt.f32 v63, v15  }
0xee: {  	s21 =	simm.s32 $0x7D;
	v35 =	vld [tilespmem:s31+$0x80];
	v15 =	vmax.f32 v15, v63;
	vm2 =	vgt.f32 v39, v12;
	v29 =	vmax.f32 v12, v39  }
0xef: {  	v32 =	vld [tilespmem:s24+$0x0];
	v12 =	vmax.f32 v10, v34;
	v16 =	vsel vm0, s21, v16;
	vm0 =	vgt.f32 v38, v14  }
0xf0: {  	s22 =	simm.s32 $0x7E;
	s23 =	simm.s32 $0xA0;
	v33 =	vld [tilespmem:s24+$0xFFFFFFE0];
	s24 =	simm.s32 $0xF0;
	v31 =	vmovc v23;
	v14 =	vmax.f32 v14, v38;
	v11 =	vsel vm1, s21, v11;
	v13 =	vsel vm2, s21, v13  }
.LBB2_15:
0xf1: {  	s25 =	sand.u32 $0x7FE0, s23  }
0xf2: {  	v38 =	vld [tilespmem:s24+$0xFFFFFFF0];
	p0 =	sne.s32 s22, $0xF9;
	vm1 =	vgt.f32 v36, v18;
	v18 =	vmax.f32 v18, v36;
	vm2 =	vgt.f32 v34, v10;
	v10 =	vmovc v12;
	s26 =	smov.u32 s22;
	s22 =	sadd.s32 $0x1, s22  }
0xf3: {  	v39 =	vld [tilespmem:s24+$0xFFFFFFB0];
	vm3 =	vgt.f32 v37, v19;
	v19 =	vmax.f32 v19, v37;
	v20 =	vsel vm2, s21, v20  }
0xf4: {  	v21 =	vsel vm1, s21, v21;
	v40 =	vld [tilespmem:s24+$0x40];
	v22 =	vsel vm3, s21, v22;
	v23 =	vmax.f32 v23, v35  }
0xf5: {  	v25 =	vsel vm0, s21, v25;
	vm2 =	vgt.f32 v35, v31;
	v41 =	vld [tilespmem:s24+$0x20];
	vm1 =	vgt.f32 v32, v24;
	v31 =	vmovc v23  }
0xf6: {  	v24 =	vmax.f32 v24, v32;
	v27 =	vsel vm2, s21, v27;
	v34 =	vld [tilespmem:s24+$0x10];
	vm3 =	vgt.f32 v33, v26  }
.Ltmp6:
0xf7: {  	v26 =	vmax.f32 v26, v33;
	v36 =	vld [tilespmem:s24+$0xFFFFFFC0];
	vm2 =	vgt.f32 v38, v17;
	v17 =	vmax.f32 v17, v38;
	(pc) =	sbr.rel @p0 .LBB2_15-.Ltmp6, $4  }
0xf8: {  	v28 =	vsel vm1, s21, v28;
	vm0 =	vgt.f32 v39, v15;
	v15 =	vmax.f32 v15, v39;
	v37 =	vld [tilespmem:s24+$0xFFFFFFD0]  }
0xf9: {  	v16 =	vsel vm0, s26, v16;
	v35 =	vld [tilespmem:s25+$0x80];
	vm0 =	vgt.f32 v40, v14;
	v14 =	vmax.f32 v14, v40  }
0xfa: {  	v30 =	vsel vm3, s21, v30;
	s21 =	smov.u32 s26;
	v32 =	vld [tilespmem:s24+$0x0];
	vm1 =	vgt.f32 v41, v29;
	v29 =	vmax.f32 v29, v41  }
0xfb: {  	s23 =	sadd.s32 $0xA0, s23;
	v11 =	vsel vm2, s21, v11;
	v33 =	vld [tilespmem:s24+$0xFFFFFFE0];
	v12 =	vmax.f32 v12, v34;
	v13 =	vsel vm1, s21, v13;
	s24 =	sadd.s32 $0xA0, s24  }
0xfc: {  	s22 =	sadd.s32 $0x1D4C, s20;
	s23 =	simm.s32 $0x0  }
0xfd: {  	[tilespmem:s23], [sflag:$0x1] =	stream.linear.gather [hbm4b:s22+s23], $0x4E20, $0x38;
	[tilespmem:$0xA100] =	vst v63  }
0xfe: {  	_ =	swait.ge [sflag:s12], $0x4E20  }
0xff: {  	[sflag:s12] =	ssyncset.done $0x0  }
0x100: {  	s24 =	simm.s32 $0x4ED0;
	[sflag:s12] =	ssyncadd.s32 $0xFFFFB1E0  }
0x101: {  	v60 =	vld [tilespmem:s24+$0xFFFFFFF0]  }
0x102: {  	vm1 =	vgt.f32 v36, v18;
	v18 =	vmax.f32 v18, v36;
	vm2 =	vgt.f32 v34, v10;
	v61 =	vld [tilespmem:s24+$0xFFFFFFB0]  }
0x103: {  	v25 =	vsel vm0, s21, v25;
	vm3 =	vgt.f32 v37, v19;
	v10 =	vmax.f32 v19, v37;
	v62 =	vld [tilespmem:s24+$0x40]  }
0x104: {  	v19 =	vsel vm2, s21, v20;
	v20 =	vsel vm1, s21, v21;
	v21 =	vsel vm3, s21, v22;
	v63 =	vld [tilespmem:s24+$0x20]  }
0x105: {  	v22 =	vmax.f32 v23, v35;
	vm2 =	vgt.f32 v35, v31;
	vm1 =	vgt.f32 v32, v24  }
0x106: {  	v23 =	vmax.f32 v24, v32;
	v27 =	vsel vm2, s21, v27;
	vm0 =	vgt.f32 v33, v26;
	v38 =	vld [tilespmem:s24+$0x10]  }
0x107: {  	s31 =	sand.u32 $0x7FE0, s23;
	v24 =	vmax.f32 v26, v33;
	v28 =	vsel vm1, s21, v28;
	v33 =	vsel vm0, s21, v30;
	v40 =	vld [tilespmem:s24+$0xFFFFFFC0]  }
0x108: {  	v39 =	vld [tilespmem:s31+$0x4F00];
	vm1 =	vgt.f32 v60, v17;
	v26 =	vmax.f32 v17, v60;
	vm0 =	vgt.f32 v61, v15  }
0x109: {  	s21 =	simm.s32 $0xFA;
	v17 =	vld [tilespmem:s24+$0xFFFFFFD0];
	v15 =	vmax.f32 v15, v61;
	v31 =	vmax.f32 v14, v62;
	vm2 =	vgt.f32 v63, v29  }
0x10a: {  	v36 =	vld [tilespmem:s24+$0x0];
	v32 =	vmax.f32 v29, v63;
	v30 =	vsel vm0, s21, v16;
	vm0 =	vgt.f32 v62, v14  }
0x10b: {  	s22 =	simm.s32 $0xFB;
	s23 =	simm.s32 $0xA0;
	v37 =	vld [tilespmem:s24+$0xFFFFFFE0];
	s24 =	simm.s32 $0x4F70;
	v29 =	vmovc v22;
	v34 =	vsel vm1, s21, v11;
	v11 =	vmax.f32 v12, v38;
	v35 =	vsel vm2, s21, v13  }
.LBB2_17:
0x10c: {  	s25 =	sand.u32 $0x7FE0, s23  }
0x10d: {  	v13 =	vld [tilespmem:s24+$0xFFFFFFF0];
	p0 =	sne.s32 s22, $0x176;
	vm1 =	vgt.f32 v40, v18;
	v18 =	vmax.f32 v18, v40;
	vm2 =	vgt.f32 v38, v12;
	v12 =	vmovc v11;
	s26 =	smov.u32 s22;
	s22 =	sadd.s32 $0x1, s22  }
0x10e: {  	v14 =	vld [tilespmem:s24+$0xFFFFFFB0];
	vm3 =	vgt.f32 v17, v10;
	v10 =	vmax.f32 v10, v17;
	v19 =	vsel vm2, s21, v19  }
0x10f: {  	v20 =	vsel vm1, s21, v20;
	v16 =	vld [tilespmem:s24+$0x40];
	v21 =	vsel vm3, s21, v21;
	v22 =	vmax.f32 v22, v39  }
0x110: {  	v25 =	vsel vm0, s21, v25;
	vm2 =	vgt.f32 v39, v29;
	v41 =	vld [tilespmem:s24+$0x20];
	vm1 =	vgt.f32 v36, v23;
	v29 =	vmovc v22  }
0x111: {  	v23 =	vmax.f32 v23, v36;
	v27 =	vsel vm2, s21, v27;
	v38 =	vld [tilespmem:s24+$0x10];
	vm3 =	vgt.f32 v37, v24  }
.Ltmp7:
0x112: {  	v24 =	vmax.f32 v24, v37;
	v40 =	vld [tilespmem:s24+$0xFFFFFFC0];
	vm2 =	vgt.f32 v13, v26;
	v26 =	vmax.f32 v26, v13;
	(pc) =	sbr.rel @p0 .LBB2_17-.Ltmp7, $4  }
0x113: {  	v28 =	vsel vm1, s21, v28;
	vm0 =	vgt.f32 v14, v15;
	v15 =	vmax.f32 v15, v14;
	v17 =	vld [tilespmem:s24+$0xFFFFFFD0]  }
0x114: {  	v30 =	vsel vm0, s26, v30;
	v39 =	vld [tilespmem:s25+$0x4F00];
	vm0 =	vgt.f32 v16, v31;
	v31 =	vmax.f32 v31, v16  }
0x115: {  	v33 =	vsel vm3, s21, v33;
	s21 =	smov.u32 s26;
	v36 =	vld [tilespmem:s24+$0x0];
	vm1 =	vgt.f32 v41, v32;
	v32 =	vmax.f32 v32, v41  }
0x116: {  	s23 =	sadd.s32 $0xA0, s23;
	v34 =	vsel vm2, s21, v34;
	v37 =	vld [tilespmem:s24+$0xFFFFFFE0];
	v11 =	vmax.f32 v11, v38;
	v35 =	vsel vm1, s21, v35;
	s24 =	sadd.s32 $0xA0, s24  }
0x117: {  	s20 =	sadd.s32 $0x2710, s20;
	s22 =	simm.s32 $0x0  }
0x118: {  	[tilespmem:s10], [sflag:$0x2] =	stream.linear.gather [hbm4b:s20+s22], $0x4E20, $0x38;
	[tilespmem:$0xA100] =	vst v63  }
0x119: {  	_ =	swait.ge [sflag:s11], $0x4E20  }
0x11a: {  	[sflag:s11] =	ssyncset.done $0x0  }
0x11b: {  	s23 =	simm.s32 $0x50;
	[sflag:s11] =	ssyncadd.s32 $0xFFFFB1E0  }
0x11c: {  	v62 =	vld [tilespmem:s23+$0xFFFFFFF0]  }
0x11d: {  	vm2 =	vgt.f32 v38, v12;
	vm3 =	vgt.f32 v17, v10;
	v12 =	vmax.f32 v10, v17;
	v10 =	vld [tilespmem:s23+$0xFFFFFFB0]  }
0x11e: {  	vm1 =	vgt.f32 v40, v18;
	v13 =	vmax.f32 v18, v40;
	v14 =	vsel vm2, s21, v19;
	v42 =	vld [tilespmem:s23+$0x40]  }
0x11f: {  	v16 =	vsel vm1, s21, v20;
	v20 =	vsel vm0, s21, v25;
	v17 =	vsel vm3, s21, v21;
	v63 =	vld [tilespmem:s23+$0x20]  }
0x120: {  	vm2 =	vgt.f32 v39, v29;
	vm1 =	vgt.f32 v36, v23;
	v19 =	vmax.f32 v23, v36;
	v36 =	vld [tilespmem:s23+$0x10]  }
0x121: {  	v18 =	vmax.f32 v22, v39;
	v22 =	vsel vm2, s21, v27;
	vm0 =	vgt.f32 v37, v24  }
0x122: {  	v21 =	vmax.f32 v24, v37;
	v23 =	vsel vm1, s21, v28;
	v29 =	vsel vm0, s21, v33;
	v37 =	vld [tilespmem:s23+$0xFFFFFFC0]  }
0x123: {  	s31 =	sand.u32 $0x7FE0, s22;
	v41 =	vld [tilespmem:s23+$0xFFFFFFD0];
	vm1 =	vgt.f32 v62, v26;
	v24 =	vmax.f32 v26, v62;
	vm0 =	vgt.f32 v10, v15  }
0x124: {  	s20 =	simm.s32 $0x177;
	v40 =	vld [tilespmem:s31+$0x80];
	v25 =	vmax.f32 v15, v10;
	v27 =	vmax.f32 v31, v42;
	vm2 =	vgt.f32 v63, v32  }
0x125: {  	v38 =	vld [tilespmem:s23+$0x0];
	v28 =	vmax.f32 v32, v63;
	v10 =	vmax.f32 v11, v36;
	v26 =	vsel vm0, s20, v30  }
0x126: {  	s22 =	simm.s32 $0xA0;
	s21 =	simm.s32 $0x178;
	v39 =	vld [tilespmem:s23+$0xFFFFFFE0];
	s23 =	simm.s32 $0xF0;
	v33 =	vmovc v18;
	vm0 =	vgt.f32 v42, v31;
	v30 =	vsel vm1, s20, v34;
	v31 =	vsel vm2, s20, v35  }
.LBB2_19:
0x127: {  	s24 =	sand.u32 $0x7FE0, s22  }
0x128: {  	v15 =	vld [tilespmem:s23+$0xFFFFFFF0];
	p0 =	sne.s32 s21, $0x1F3;
	vm1 =	vgt.f32 v37, v13;
	v13 =	vmax.f32 v13, v37;
	vm2 =	vgt.f32 v36, v11;
	v11 =	vmovc v10;
	s25 =	smov.u32 s21;
	s21 =	sadd.s32 $0x1, s21  }
0x129: {  	v32 =	vld [tilespmem:s23+$0xFFFFFFB0];
	vm3 =	vgt.f32 v41, v12;
	v12 =	vmax.f32 v12, v41;
	v14 =	vsel vm2, s20, v14  }
0x12a: {  	v16 =	vsel vm1, s20, v16;
	v34 =	vld [tilespmem:s23+$0x40];
	v17 =	vsel vm3, s20, v17;
	v18 =	vmax.f32 v18, v40  }
0x12b: {  	v20 =	vsel vm0, s20, v20;
	vm2 =	vgt.f32 v40, v33;
	v35 =	vld [tilespmem:s23+$0x20];
	vm1 =	vgt.f32 v38, v19;
	v33 =	vmovc v18  }
0x12c: {  	v19 =	vmax.f32 v19, v38;
	v22 =	vsel vm2, s20, v22;
	v36 =	vld [tilespmem:s23+$0x10];
	vm3 =	vgt.f32 v39, v21  }
.Ltmp8:
0x12d: {  	v21 =	vmax.f32 v21, v39;
	v37 =	vld [tilespmem:s23+$0xFFFFFFC0];
	vm2 =	vgt.f32 v15, v24;
	v24 =	vmax.f32 v24, v15;
	(pc) =	sbr.rel @p0 .LBB2_19-.Ltmp8, $4  }
0x12e: {  	v23 =	vsel vm1, s20, v23;
	vm0 =	vgt.f32 v32, v25;
	v25 =	vmax.f32 v25, v32;
	v41 =	vld [tilespmem:s23+$0xFFFFFFD0]  }
0x12f: {  	v26 =	vsel vm0, s25, v26;
	v40 =	vld [tilespmem:s24+$0x80];
	vm0 =	vgt.f32 v34, v27;
	v27 =	vmax.f32 v27, v34  }
0x130: {  	v29 =	vsel vm3, s20, v29;
	s20 =	smov.u32 s25;
	v38 =	vld [tilespmem:s23+$0x0];
	vm1 =	vgt.f32 v35, v28;
	v28 =	vmax.f32 v28, v35  }
0x131: {  	s22 =	sadd.s32 $0xA0, s22;
	v30 =	vsel vm2, s20, v30;
	v39 =	vld [tilespmem:s23+$0xFFFFFFE0];
	v10 =	vmax.f32 v10, v36;
	v31 =	vsel vm1, s20, v31;
	s23 =	sadd.s32 $0xA0, s23  }
0x132: {  	s18 =	sadd.s32 $0x2, s18  }
0x133: {  	s18 =	smin.u32 s18, s6  }
0x134: {  	s18 =	smul.u32 $0x30D4, s18;
	_ =	sdelay $0x1  }
0x135: {  	s21 =	simm.s32 $0x0;
	s18 =	sadd.s32 s3, s18  }
0x136: {  	[tilespmem:s21], [sflag:$0x1] =	stream.linear.gather [hbm4b:s18+s21], $0x4E20, $0x38;
	[tilespmem:$0xA100] =	vst v63  }
0x137: {  	_ =	swait.ge [sflag:s12], $0x4E20  }
0x138: {  	[sflag:s12] =	ssyncset.done $0x0  }
0x139: {  	s22 =	simm.s32 $0x4ED0;
	[sflag:s12] =	ssyncadd.s32 $0xFFFFB1E0  }
0x13a: {  	vm1 =	vgt.f32 v37, v13;
	v35 =	vmax.f32 v13, v37;
	v13 =	vld [tilespmem:s22+$0xFFFFFFF0]  }
0x13b: {  	vm2 =	vgt.f32 v36, v11;
	v63 =	vld [tilespmem:s22+$0xFFFFFFB0]  }
0x13c: {  	v11 =	vsel vm0, s20, v20;
	vm3 =	vgt.f32 v41, v12;
	v37 =	vsel vm1, s20, v16;
	v16 =	vld [tilespmem:s22+$0x40]  }
0x13d: {  	v32 =	vmax.f32 v12, v41;
	v15 =	vsel vm2, s20, v14;
	v12 =	vmax.f32 v18, v40;
	v18 =	vld [tilespmem:s22+$0x20]  }
0x13e: {  	v36 =	vsel vm3, s20, v17;
	vm2 =	vgt.f32 v40, v33;
	vm1 =	vgt.f32 v38, v19  }
0x13f: {  	v17 =	vmax.f32 v19, v38;
	v14 =	vsel vm2, s20, v22;
	vm0 =	vgt.f32 v39, v21;
	v33 =	vld [tilespmem:s22+$0x10]  }
0x140: {  	v34 =	vmax.f32 v21, v39;
	v23 =	vsel vm1, s20, v23;
	v29 =	vsel vm0, s20, v29;
	v40 =	vld [tilespmem:s22+$0xFFFFFFC0]  }
0x141: {  	s31 =	sand.u32 $0x7FE0, s21;
	v39 =	vld [tilespmem:s22+$0xFFFFFFD0];
	vm1 =	vgt.f32 v13, v24;
	v21 =	vmax.f32 v24, v13;
	vm0 =	vgt.f32 v63, v25  }
0x142: {  	s18 =	simm.s32 $0x1F4;
	v19 =	vld [tilespmem:s31+$0x4F00];
	v38 =	vmax.f32 v25, v63;
	v13 =	vmax.f32 v27, v16;
	vm2 =	vgt.f32 v18, v28  }
0x143: {  	v24 =	vld [tilespmem:s22+$0x0];
	v26 =	vsel vm0, s18, v26;
	vm0 =	vgt.f32 v16, v27;
	v16 =	vmax.f32 v28, v18  }
0x144: {  	v22 =	vmovc v12;
	s20 =	simm.s32 $0x1F5;
	s21 =	simm.s32 $0xA0;
	v27 =	vld [tilespmem:s22+$0xFFFFFFE0];
	v25 =	vsel vm1, s18, v30;
	v18 =	vmax.f32 v10, v33;
	v20 =	vsel vm2, s18, v31;
	s22 =	simm.s32 $0x4F70  }
.LBB2_21:
0x145: {  	s23 =	sand.u32 $0x7FE0, s21  }
0x146: {  	v28 =	vld [tilespmem:s22+$0xFFFFFFF0];
	p0 =	sne.s32 s20, $0x270;
	vm1 =	vgt.f32 v40, v35;
	v35 =	vmax.f32 v35, v40;
	vm2 =	vgt.f32 v33, v10;
	v10 =	vmovc v18;
	s24 =	smov.u32 s20;
	s20 =	sadd.s32 $0x1, s20  }
0x147: {  	v30 =	vld [tilespmem:s22+$0xFFFFFFB0];
	vm3 =	vgt.f32 v39, v32;
	v32 =	vmax.f32 v32, v39;
	v15 =	vsel vm2, s18, v15  }
0x148: {  	v37 =	vsel vm1, s18, v37;
	v31 =	vld [tilespmem:s22+$0x40];
	v36 =	vsel vm3, s18, v36;
	v12 =	vmax.f32 v12, v19  }
0x149: {  	v11 =	vsel vm0, s18, v11;
	vm2 =	vgt.f32 v19, v22;
	v41 =	vld [tilespmem:s22+$0x20];
	vm1 =	vgt.f32 v24, v17;
	v22 =	vmovc v12  }
0x14a: {  	v17 =	vmax.f32 v17, v24;
	v14 =	vsel vm2, s18, v14;
	v33 =	vld [tilespmem:s22+$0x10];
	vm3 =	vgt.f32 v27, v34  }
.Ltmp9:
0x14b: {  	v34 =	vmax.f32 v34, v27;
	v40 =	vld [tilespmem:s22+$0xFFFFFFC0];
	vm2 =	vgt.f32 v28, v21;
	v21 =	vmax.f32 v21, v28;
	(pc) =	sbr.rel @p0 .LBB2_21-.Ltmp9, $4  }
0x14c: {  	v23 =	vsel vm1, s18, v23;
	vm0 =	vgt.f32 v30, v38;
	v38 =	vmax.f32 v38, v30;
	v39 =	vld [tilespmem:s22+$0xFFFFFFD0]  }
0x14d: {  	v26 =	vsel vm0, s24, v26;
	v19 =	vld [tilespmem:s23+$0x4F00];
	vm0 =	vgt.f32 v31, v13;
	v13 =	vmax.f32 v13, v31  }
0x14e: {  	v29 =	vsel vm3, s18, v29;
	s18 =	smov.u32 s24;
	v24 =	vld [tilespmem:s22+$0x0];
	vm1 =	vgt.f32 v41, v16;
	v16 =	vmax.f32 v16, v41  }
0x14f: {  	s21 =	sadd.s32 $0xA0, s21;
	v25 =	vsel vm2, s18, v25;
	v27 =	vld [tilespmem:s22+$0xFFFFFFE0];
	v18 =	vmax.f32 v18, v33;
	v20 =	vsel vm1, s18, v20;
	s22 =	sadd.s32 $0xA0, s22  }
0x150: {  	vm1 =	vgt.f32 v40, v35  }
0x151: {  	v28 =	vsel vm1, s18, v37  }
0x152: {  	v26 =	vmul.u32 $0xA0, v26;
	v28 =	vmul.u32 $0xA0, v28  }
0x153: {  	v30 =	vmax.f32 v35, v40  }
0x154: {  	vm7 =	vgt.f32 v39, v32;
	v26 =	vor.u32 v0, v26;
	v1 =	vor.u32 v1, v28  }
0x155: {  	vm8 =	veq.f32 v30, v38;
	v56 =	vsel vm7, s18, v36;
	vm2 =	vlt.s32 v1, v26  }
0x156: {  	vm3 =	vgt.f32 v30, v38;
	v28 =	vmul.u32 $0xA0, v56;
	vm1 =	vmand vm8, vm2  }
0x157: {  	v31 =	vmax.f32 v32, v39;
	vm9 =	vgt.f32 v27, v34;
	vm1 =	vmor vm3, vm1  }
0x158: {  	v2 =	vadd.s32 v2, v28;
	v30 =	vsel vm1, v30, v38;
	v1 =	vsel vm1, v1, v26  }
0x159: {  	v57 =	vsel vm9, s18, v29;
	vm10 =	veq.f32 v31, v30;
	vm11 =	vlt.s32 v2, v1  }
0x15a: {  	v26 =	vmul.u32 $0xA0, v57;
	vm12 =	vgt.f32 v31, v30;
	vm1 =	vmand vm10, vm11  }
0x15b: {  	v58 =	vmax.f32 v34, v27;
	vm1 =	vmor vm12, vm1  }
0x15c: {  	v59 =	vsel vm1, v31, v30;
	v1 =	vsel vm1, v2, v1;
	v2 =	vadd.s32 v3, v26  }
0x15d: {  	vm13 =	veq.f32 v58, v59;
	vm14 =	vlt.s32 v2, v1  }
0x15e: {  	v3 =	vmul.u32 $0xA0, v25;
	vm15 =	vgt.f32 v58, v59;
	vm1 =	vmand vm13, vm14  }
0x15f: {  	vm6 =	vgt.f32 v24, v17;
	vm1 =	vmor vm15, vm1  }
0x160: {  	v60 =	vsel vm1, v58, v59;
	v1 =	vsel vm1, v2, v1;
	v2 =	vadd.s32 v4, v3  }
0x161: {  	v3 =	vsel vm6, s18, v23;
	vm7 =	veq.f32 v21, v60;
	vm8 =	vlt.s32 v2, v1  }
0x162: {  	vm9 =	vgt.f32 v21, v60;
	v3 =	vmul.u32 $0xA0, v3;
	vm1 =	vmand vm7, vm8  }
0x163: {  	v61 =	vmax.f32 v17, v24;
	vm10 =	vgt.f32 v33, v10;
	vm1 =	vmor vm9, vm1  }
0x164: {  	v62 =	vsel vm1, v21, v60;
	v1 =	vsel vm1, v2, v1;
	v2 =	vadd.s32 v5, v3  }
0x165: {  	v3 =	vsel vm10, s18, v15;
	vm11 =	veq.f32 v61, v62;
	vm12 =	vlt.s32 v2, v1  }
0x166: {  	vm13 =	vgt.f32 v61, v62;
	v3 =	vmul.u32 $0xA0, v3;
	vm1 =	vmand vm11, vm12  }
0x167: {  	vm1 =	vmor vm13, vm1  }
0x168: {  	v4 =	vsel vm1, v61, v62;
	v1 =	vsel vm1, v2, v1;
	v2 =	vadd.s32 v6, v3  }
0x169: {  	vm14 =	veq.f32 v18, v4;
	vm15 =	vlt.s32 v2, v1  }
0x16a: {  	v3 =	vmul.u32 $0xA0, v20;
	vm6 =	vgt.f32 v18, v4;
	vm1 =	vmand vm14, vm15  }
0x16b: {  	vm7 =	vgt.f32 v19, v22;
	vm1 =	vmor vm6, vm1  }
0x16c: {  	v4 =	vsel vm1, v18, v4;
	v1 =	vsel vm1, v2, v1;
	v2 =	vadd.s32 v7, v3  }
0x16d: {  	v3 =	vsel vm7, s18, v14;
	vm8 =	veq.f32 v16, v4;
	vm9 =	vlt.s32 v2, v1  }
0x16e: {  	vm10 =	vgt.f32 v16, v4;
	v3 =	vmul.u32 $0xA0, v3;
	vm1 =	vmand vm8, vm9  }
0x16f: {  	v63 =	vmax.f32 v12, v19;
	vm1 =	vmor vm10, vm1  }
0x170: {  	v4 =	vsel vm1, v16, v4;
	v1 =	vsel vm1, v2, v1;
	v2 =	vadd.s32 v8, v3  }
0x171: {  	v3 =	vsel vm0, s18, v11;
	vm11 =	veq.f32 v63, v4;
	vm1 =	vlt.s32 v2, v1  }
0x172: {  	vm12 =	vgt.f32 v63, v4;
	v3 =	vmul.u32 $0xA0, v3;
	vm0 =	vmand vm11, vm1  }
0x173: {  	vm0 =	vmor vm12, vm0  }
0x174: {  	s17 =	sadd.s32 $0x1, s17;
	v4 =	vsel vm0, v63, v4;
	v1 =	vsel vm0, v2, v1;
	v2 =	vadd.s32 v9, v3  }
0x175: {  	p0 =	sne.s32 s17, $0x10;
	vm13 =	veq.f32 v13, v4;
	vm14 =	vlt.s32 v2, v1  }
.Ltmp10:
0x176: {  	vm15 =	vgt.f32 v13, v4;
	vm0 =	vmand vm13, vm14;
	(pc) =	sbr.rel @p0 .LBB2_2-.Ltmp10, $4  }
0x177: {  	s31 =	ssub.s32 s19, s4;
	vm0 =	vmor vm15, vm0  }
0x178: {  	s18 =	sshll.u32 s31, $0x4;
	v3 =	vsel vm0, v13, v4  }
0x179: {  	v1 =	vsel vm0, v2, v1;
	[tilespmem:s18+$0x9D00] =	vst v3  }
0x17a: {  	[tilespmem:s18+$0x9F00] =	vst v1  }
0x17b: {  	_ =	swait.ge [sflag:s11], $0x4E20  }
0x17c: {  	[sflag:s11] =	ssyncset.done $0x0  }
0x17d: {  	[sflag:s11] =	ssyncadd.s32 $0xFFFFB1E0  }
0x17e: {  	[hbm4b:s7+s2] =	stream.linear.scatter [tilespmem:s13], [sflag:$0x3], $0x200, $0x38;
	[tilespmem:$0xA100] =	vst v63  }
0x17f: {  	s16 =	sadd.s32 $0x1, s16;
	_ =	swait.ge [sflag:s14], $0x200  }
0x180: {  	p0 =	sne.s32 s16, s9;
	[sflag:s14] =	ssyncset.done $0x0  }
.Ltmp11:
0x181: {  	[sflag:s14] =	ssyncadd.s32 $0xFFFFFE00;
	(pc) =	sbr.rel @p0 .LBB2_1-.Ltmp11, $4  }
0x182: {  	[hbm4b:s8+s2] =	stream.linear.scatter [tilespmem:s15], [sflag:$0x3], $0x200, $0x38;
	[tilespmem:$0xA100] =	vst v63  }
0x183: {  	_ =	swait.ge [sflag:s14], $0x200  }
0x184: {  	[sflag:s14] =	ssyncset.done $0x0  }
0x185: {  	[sflag:s14] =	ssyncadd.s32 $0xFFFFFE00  }
0x186: {  	_ =	sfence.sel $0x180000  }
0x187: {  	[bflag:$0x0] =	sbarrier.arrive $0xFFFF  }
0x188: {  	p0 =	sne.s32 s1, $0x0;
	_ =	strace $0x90000047  }
0x189: {  	s0 =	sadd.s32 @!p0 $0x100000, s0;
	[bflag:$0x2] =	sbarrier.arrive $0xFFFF  }
0x18a: {  	[sflag:s0] =	ssyncadd.tile.s32 @!p0 $0x1;
	_ =	shalt  }
.Lfunc_end2:
_tile_overlayer_lowered:
.L_overlay_start_2:
0x18b: {  	(tag) =	ssettag $0x2  }
0x18c: {  	s0 =	rddreg [dreg:$0x0];
	s2 =	stileid.u32  }
0x18d: {  	s1 =	rddreg [dreg:$0x1];
	p0 =	sne.s32 s2, $0x0  }
0x18e: {  	s3 =	rddreg [dreg:$0x2];
	[bflag:$0x3] =	sbarrier.arrive $0xFFFF;
	s2 =	simm.s32 @!p0 $0x1C03  }
0x18f: {  	[timem:s3], [sflag:s2] =	dma.local @!p0 [hbm:s0], s1  }
0x190: {  	s0 =	simm.s32 @!p0 $0x3  }
0x191: {  	_ =	swait.ge @!p0 [sflag:s0], s1  }
0x192: {  	s1 =	ssub.s32 @!p0 $0x0, s1;
	[sflag:s0] =	ssyncset.done @!p0 $0x0  }
0x193: {  	[sflag:s0] =	ssyncadd.s32 @!p0 s1  }
0x194: {  	[bflag:$0x3] =	sbarrier.arrive $0xFFFF  }
0x195: {  	_ =	shalt  }

</sc_bundles>
